<compile_context>
chip_gen: v7x
topology: tpu7x:2x2x1
jax: 0.10.2.dev20260603
libtpu: 0.0.44.dev20260713+nightly
codegen_flags: <defaults>
</compile_context>

<pallas_src>
import functools

import numpy as np

import jax
import jax.numpy as jnp
from jax import lax
from jax.experimental import pallas as pl
from jax.experimental.pallas import tpu as pltpu
from jax.experimental.pallas import tpu_sc as plsc

_B, _T = 16384, 200
_EMB = 64
_HID = 200
_NC, _NS = 2, 16
_NW = _NC * _NS
_BAGS = _B // _NW
_SPLIT = 104
_RING = 4
_UNROLL = 8
_VOCAB = 100000

_PERM = np.concatenate([
    np.arange(0, 32, 2), np.arange(1, 32, 2),
    np.arange(32, 64, 2), np.arange(33, 64, 2)])


def _sc_embed_mean(x, table, inv_den):
    mesh = plsc.VectorSubcoreMesh(core_axis_name="c", subcore_axis_name="s")

    @functools.partial(
        pl.kernel,
        mesh=mesh,
        out_type=jax.ShapeDtypeStruct((_B // 2, 2 * _EMB), jnp.float32),
        scratch_types=[
            pltpu.VMEM((_RING, _T), jnp.int32),
            pltpu.VMEM((_RING, _T, _EMB), jnp.bfloat16),
            pltpu.VMEM((_RING, _EMB), jnp.float32),
            pltpu.VMEM((_BAGS,), jnp.float32),
            pltpu.SemaphoreType.DMA,
            pltpu.SemaphoreType.DMA,
            pltpu.SemaphoreType.DMA,
        ],
        compiler_params=pltpu.CompilerParams(use_tc_tiling_on_sc=False,
                                             needs_layout_passes=False),
    )
    def body(x_hbm, tab_hbm, den_hbm, out_hbm, idx_v, rows_v, acc_v, den_v,
             isem, rsem, ssem):
        wid = lax.axis_index("s") * _NC + lax.axis_index("c")
        base = wid * _BAGS

        pltpu.sync_copy(den_hbm.at[pl.ds(base, _BAGS)], den_v)

        def fire_idx(bag, slot):
            pltpu.async_copy(x_hbm.at[pl.ds((base + bag) * _T, _T)],
                             idx_v.at[slot], isem)

        def wait_idx(slot):
            pltpu.make_async_copy(x_hbm.at[pl.ds(0, _T)],
                                  idx_v.at[slot], isem).wait()

        def fire_rows(slot):
            pltpu.async_copy(
                tab_hbm.at[idx_v.at[slot, pl.ds(0, _SPLIT)]],
                rows_v.at[slot, pl.ds(0, _SPLIT)], rsem)
            pltpu.async_copy(
                tab_hbm.at[idx_v.at[slot, pl.ds(_SPLIT, _T - _SPLIT)]],
                rows_v.at[slot, pl.ds(_SPLIT, _T - _SPLIT)], rsem)

        def wait_rows(slot):
            pltpu.make_async_copy(tab_hbm.at[pl.ds(0, _T)],
                                  rows_v.at[slot], rsem).wait()

        def out_slice(i, half):
            return out_hbm.at[(base + i) // 2, pl.ds(half * _EMB, _EMB)]

        def drain_store(slot):
            pltpu.make_async_copy(acc_v.at[slot],
                                  out_hbm.at[0, pl.ds(0, _EMB)], ssem).wait()

        for s in range(_RING):
            fire_idx(s, s)
        for s in range(2):
            wait_idx(s)
            fire_rows(s)

        def quad_body(j, carry):
            i0 = j * _RING
            for b in range(_RING):
                i = i0 + b
                @pl.when(i + 2 < _BAGS)
                def _():
                    wait_idx((b + 2) % _RING)
                    fire_rows((b + 2) % _RING)

                wait_rows(b)

                @pl.when(i + _RING < _BAGS)
                def _():
                    fire_idx(i + _RING, b)

                zero = jnp.zeros((16,), jnp.float32)

                def red(tt, accs):
                    c0, c1, c2, c3 = accs
                    for r in range(_UNROLL):
                        t = tt * _UNROLL + r
                        r0 = rows_v[b, t, pl.ds(0, 32)]
                        r1 = rows_v[b, t, pl.ds(32, 32)]
                        a0, b0 = plsc.unpack(
                            r0, format=plsc.PackFormat.INTERLEAVED,
                            preferred_element_type=jnp.float32)
                        a1, b1 = plsc.unpack(
                            r1, format=plsc.PackFormat.INTERLEAVED,
                            preferred_element_type=jnp.float32)
                        c0 = c0 + a0
                        c1 = c1 + b0
                        c2 = c2 + a1
                        c3 = c3 + b1
                    return (c0, c1, c2, c3)

                c0, c1, c2, c3 = lax.fori_loop(
                    0, _T // _UNROLL, red, (zero, zero, zero, zero))

                d = plsc.load_gather(den_v, [jnp.full((16,), i, jnp.int32)])

                @pl.when(i >= _RING)
                def _():
                    drain_store(b)

                acc_v[b, pl.ds(0, 16)] = c0 * d
                acc_v[b, pl.ds(16, 16)] = c1 * d
                acc_v[b, pl.ds(32, 16)] = c2 * d
                acc_v[b, pl.ds(48, 16)] = c3 * d
                pltpu.async_copy(acc_v.at[b], out_slice(i, b % 2), ssem)
            return carry

        lax.fori_loop(0, _BAGS // _RING, quad_body, 0)

        for s in range(_RING):
            drain_store(s)

    return body(x, table, inv_den)


_BLK = 2048


def _tc_mlp(avg2, W1d, b1d, W2d, b2d):
    def body(a_ref, w1_ref, b1_ref, w2_ref, b2_ref, o_ref):
        h = jnp.maximum(
            jnp.dot(a_ref[...], w1_ref[...], preferred_element_type=jnp.float32)
            + b1_ref[...], 0.0)
        o_ref[...] = (jnp.dot(h, w2_ref[...], preferred_element_type=jnp.float32)
                      + b2_ref[...])

    return pl.pallas_call(
        body,
        grid=(_B // 2 // _BLK,),
        in_specs=[
            pl.BlockSpec((_BLK, 2 * _EMB), lambda i: (i, 0)),
            pl.BlockSpec((2 * _EMB, 2 * _HID), lambda i: (0, 0)),
            pl.BlockSpec((1, 2 * _HID), lambda i: (0, 0)),
            pl.BlockSpec((2 * _HID, 4), lambda i: (0, 0)),
            pl.BlockSpec((1, 4), lambda i: (0, 0)),
        ],
        out_specs=pl.BlockSpec((_BLK, 4), lambda i: (i, 0)),
        out_shape=jax.ShapeDtypeStruct((_B // 2, 4), jnp.float32),
    )(avg2, W1d, b1d, W2d, b2d)


def kernel(X, lengths, emb_table, W1, b1, W2, b2):
    X = X.astype(jnp.int32).reshape(_B * _T)
    inv_den = 1.0 / jnp.maximum(lengths.astype(jnp.float32), 1.0)
    avg2 = _sc_embed_mean(X, emb_table.astype(jnp.bfloat16), inv_den)

    W1p = W1[_PERM, :]
    zeros1 = jnp.zeros_like(W1)
    W1d = jnp.concatenate([
        jnp.concatenate([W1p, zeros1], axis=1),
        jnp.concatenate([zeros1, W1p], axis=1)], axis=0)
    b1d = jnp.concatenate([b1, b1]).reshape(1, 2 * _HID)
    zeros2 = jnp.zeros_like(W2)
    W2d = jnp.concatenate([
        jnp.concatenate([W2, zeros2], axis=1),
        jnp.concatenate([zeros2, W2], axis=1)], axis=0)
    b2d = jnp.concatenate([b2, b2]).reshape(1, 4)

    out2 = _tc_mlp(avg2, W1d, b1d, W2d, b2d)
    return out2.reshape(_B, 2)

# --- scband reference (transcript-rebuilt; emitter-appended) ---
"""Pipeline reference for scband-dan-84095459656121 (READ-ONLY COPY).

The authoritative reference and input builder live on the scoring server;
editing this copy changes nothing except your own understanding.
"""

import jax, jax.numpy as jnp
import numpy as np

B, T = 16384, 200
VOCAB = 100000
EMB = 64
HID = 200

def setup_inputs(seed: int = 0) -> dict:
    key = jax.random.key(seed)
    k1, k2, k3, k4, k5, k6, k7 = jax.random.split(key, 7)
    X = jax.random.randint(k1, (B, T), 0, VOCAB, dtype=jnp.int64)
    lengths = jax.random.randint(k2, (B,), 0, T, dtype=jnp.int64)
    emb_table = jax.random.uniform(k3, (VOCAB, EMB), dtype=jnp.float32, minval=-0.1, maxval=0.1)
    emb_table = emb_table.at[0].set(0.0)  # padding_idx=0
    W1 = jax.random.normal(k4, (EMB, HID), dtype=jnp.float32) * (1.0 / np.sqrt(EMB))
    b1 = jnp.zeros((HID,), dtype=jnp.float32)
    W2 = jax.random.normal(k5, (HID, 2), dtype=jnp.float32) * (1.0 / np.sqrt(HID))
    b2 = jnp.zeros((2,), dtype=jnp.float32)
    return {"X": X, "lengths": lengths, "emb_table": emb_table, "W1": W1, "b1": b1, "W2": W2, "b2": b2}

def reference(X, lengths, emb_table, W1, b1, W2, b2):
    # embedding lookup (gather)
    emb = jnp.take(emb_table, X, axis=0)                  # (B, T, D)
    mask = (X != 0).astype(jnp.float32)[..., None]        # (B, T, 1)
    emb = emb * mask
    summed = jnp.sum(emb, axis=1)                         # (B, D)
    denom = jnp.maximum(lengths.astype(jnp.float32), 1.0)[:, None]
    avg = summed / denom
    # feedforward (dropout is identity in eval mode)
    h = jnp.maximum(avg @ W1 + b1, 0.0)
    out = h @ W2 + b2
    return out

if __name__ == "__main__":
    import jax
    _d = setup_inputs()
    print(jax.jit(kernel)(*tuple(_d.values())))

</pallas_src>

<mosaic_0001>
#map = affine_map<(d0, d1) -> (0)>
#map1 = affine_map<(d0, d1) -> (0, 0)>
module attributes {stable_mosaic.version = 14 : i64} {
  func.func @body(%arg0: i32, %arg1: i32, %arg2: memref<3276800xi32, #tpu.memory_space<hbm>>, %arg3: memref<100000x64xbf16, #tpu.memory_space<hbm>>, %arg4: memref<16384xf32, #tpu.memory_space<hbm>>, %arg5: memref<8192x128xf32, #tpu.memory_space<hbm>>, %arg6: memref<4x200xi32, #tpu.memory_space<vmem>>, %arg7: memref<4x200x64xbf16, #tpu.memory_space<vmem>>, %arg8: memref<4x64xf32, #tpu.memory_space<vmem>>, %arg9: memref<512xf32, #tpu.memory_space<vmem>>, %arg10: memref<!tpu.dma_semaphore, #tpu.memory_space<semaphore_mem>>, %arg11: memref<!tpu.dma_semaphore, #tpu.memory_space<semaphore_mem>>, %arg12: memref<!tpu.dma_semaphore, #tpu.memory_space<semaphore_mem>>) attributes {dimension_semantics = [#tpu.dimension_semantics<core_parallel>, #tpu.dimension_semantics<subcore_parallel>], iteration_bounds = array<i64: 2, 16>, scalar_prefetch = 0 : i64, scratch_operands = 7 : i64, tpu.core_type = #tpu.core_type<sc_vector_subcore>, window_params = [{transform_indices = #map}, {transform_indices = #map1}, {transform_indices = #map}, {transform_indices = #map1}]} {
    %mul3A = arith.constant 2 : i32
    %mul3A_0 = arith.muli %arg1, %mul3A : i32
    %add3A = arith.addi %mul3A_0, %arg0 : i32
    %mul3A_1 = arith.constant 512 : i32
    %mul3A_2 = arith.muli %add3A, %mul3A_1 : i32
    "tpu.region"() ({
      %run_scoped3A = tpu.sem_alloc : memref<!tpu.dma_semaphore, #tpu.memory_space<semaphore_mem>>
      %dma_start3A_184 = tpu.memref_slice %arg4[%mul3A_2] : memref<16384xf32, #tpu.memory_space<hbm>> -> memref<512xf32, #tpu.memory_space<hbm>>
      %dma_start3A_185 = tpu.memref_slice %arg4[%mul3A_2] : memref<16384xf32, #tpu.memory_space<hbm>> -> memref<512xf32, #tpu.memory_space<hbm>>
      tpu.enqueue_dma source(%dma_start3A_185 : memref<512xf32, #tpu.memory_space<hbm>>) target(%arg9 : memref<512xf32, #tpu.memory_space<vmem>>) target_semaphore(%run_scoped3A : memref<!tpu.dma_semaphore, #tpu.memory_space<semaphore_mem>>)
      %dma_wait3A_186 = tpu.memref_slice %arg4[%mul3A_2] : memref<16384xf32, #tpu.memory_space<hbm>> -> memref<512xf32, #tpu.memory_space<hbm>>
      %dma_wait3A_187 = tpu.memref_slice %arg4[%mul3A_2] : memref<16384xf32, #tpu.memory_space<hbm>> -> memref<512xf32, #tpu.memory_space<hbm>>
      tpu.wait_dma2 semaphore(%run_scoped3A : memref<!tpu.dma_semaphore, #tpu.memory_space<semaphore_mem>>) src(%dma_wait3A_187 : memref<512xf32, #tpu.memory_space<hbm>>) dst(%arg9 : memref<512xf32, #tpu.memory_space<vmem>>)
      tpu.yield
    }) : () -> ()
    %add3A_3 = arith.constant 0 : i32
    %add3A_4 = arith.addi %mul3A_2, %add3A_3 : i32
    %mul3A_5 = arith.constant 200 : i32
    %mul3A_6 = arith.muli %add3A_4, %mul3A_5 : i32
    %dma_start3A = arith.constant 0 : i32
    %dma_start3A_7 = arith.constant 0 : i32
    %dma_start3A_8 = tpu.memref_slice %arg6[%dma_start3A, %dma_start3A_7] : memref<4x200xi32, #tpu.memory_space<vmem>> -> memref<1x200xi32, #tpu.memory_space<vmem>>
    %dma_start3A_9 = tpu.memref_squeeze %dma_start3A_8 : memref<1x200xi32, #tpu.memory_space<vmem>> -> memref<200xi32, #tpu.memory_space<vmem>>
    %dma_start3A_10 = tpu.memref_slice %arg2[%mul3A_6] : memref<3276800xi32, #tpu.memory_space<hbm>> -> memref<200xi32, #tpu.memory_space<hbm>>
    %dma_start3A_11 = arith.constant 0 : i32
    %dma_start3A_12 = tpu.memref_slice %arg6[%dma_start3A, %dma_start3A_11] : memref<4x200xi32, #tpu.memory_space<vmem>> -> memref<1x200xi32, #tpu.memory_space<vmem>>
    %dma_start3A_13 = tpu.memref_squeeze %dma_start3A_12 : memref<1x200xi32, #tpu.memory_space<vmem>> -> memref<200xi32, #tpu.memory_space<vmem>>
    %dma_start3A_14 = tpu.memref_slice %arg2[%mul3A_6] : memref<3276800xi32, #tpu.memory_space<hbm>> -> memref<200xi32, #tpu.memory_space<hbm>>
    tpu.enqueue_dma source(%dma_start3A_14 : memref<200xi32, #tpu.memory_space<hbm>>) target(%dma_start3A_13 : memref<200xi32, #tpu.memory_space<vmem>>) target_semaphore(%arg10 : memref<!tpu.dma_semaphore, #tpu.memory_space<semaphore_mem>>)
    %add3A_15 = arith.constant 1 : i32
    %add3A_16 = arith.addi %mul3A_2, %add3A_15 : i32
    %mul3A_17 = arith.constant 200 : i32
    %mul3A_18 = arith.muli %add3A_16, %mul3A_17 : i32
    %dma_start3A_19 = arith.constant 1 : i32
    %dma_start3A_20 = arith.constant 0 : i32
    %dma_start3A_21 = tpu.memref_slice %arg6[%dma_start3A_19, %dma_start3A_20] : memref<4x200xi32, #tpu.memory_space<vmem>> -> memref<1x200xi32, #tpu.memory_space<vmem>>
    %dma_start3A_22 = tpu.memref_squeeze %dma_start3A_21 : memref<1x200xi32, #tpu.memory_space<vmem>> -> memref<200xi32, #tpu.memory_space<vmem>>
    %dma_start3A_23 = tpu.memref_slice %arg2[%mul3A_18] : memref<3276800xi32, #tpu.memory_space<hbm>> -> memref<200xi32, #tpu.memory_space<hbm>>
    %dma_start3A_24 = arith.constant 0 : i32
    %dma_start3A_25 = tpu.memref_slice %arg6[%dma_start3A_19, %dma_start3A_24] : memref<4x200xi32, #tpu.memory_space<vmem>> -> memref<1x200xi32, #tpu.memory_space<vmem>>
    %dma_start3A_26 = tpu.memref_squeeze %dma_start3A_25 : memref<1x200xi32, #tpu.memory_space<vmem>> -> memref<200xi32, #tpu.memory_space<vmem>>
    %dma_start3A_27 = tpu.memref_slice %arg2[%mul3A_18] : memref<3276800xi32, #tpu.memory_space<hbm>> -> memref<200xi32, #tpu.memory_space<hbm>>
    tpu.enqueue_dma source(%dma_start3A_27 : memref<200xi32, #tpu.memory_space<hbm>>) target(%dma_start3A_26 : memref<200xi32, #tpu.memory_space<vmem>>) target_semaphore(%arg10 : memref<!tpu.dma_semaphore, #tpu.memory_space<semaphore_mem>>)
    %add3A_28 = arith.constant 2 : i32
    %add3A_29 = arith.addi %mul3A_2, %add3A_28 : i32
    %mul3A_30 = arith.constant 200 : i32
    %mul3A_31 = arith.muli %add3A_29, %mul3A_30 : i32
    %dma_start3A_32 = arith.constant 2 : i32
    %dma_start3A_33 = arith.constant 0 : i32
    %dma_start3A_34 = tpu.memref_slice %arg6[%dma_start3A_32, %dma_start3A_33] : memref<4x200xi32, #tpu.memory_space<vmem>> -> memref<1x200xi32, #tpu.memory_space<vmem>>
    %dma_start3A_35 = tpu.memref_squeeze %dma_start3A_34 : memref<1x200xi32, #tpu.memory_space<vmem>> -> memref<200xi32, #tpu.memory_space<vmem>>
    %dma_start3A_36 = tpu.memref_slice %arg2[%mul3A_31] : memref<3276800xi32, #tpu.memory_space<hbm>> -> memref<200xi32, #tpu.memory_space<hbm>>
    %dma_start3A_37 = arith.constant 0 : i32
    %dma_start3A_38 = tpu.memref_slice %arg6[%dma_start3A_32, %dma_start3A_37] : memref<4x200xi32, #tpu.memory_space<vmem>> -> memref<1x200xi32, #tpu.memory_space<vmem>>
    %dma_start3A_39 = tpu.memref_squeeze %dma_start3A_38 : memref<1x200xi32, #tpu.memory_space<vmem>> -> memref<200xi32, #tpu.memory_space<vmem>>
    %dma_start3A_40 = tpu.memref_slice %arg2[%mul3A_31] : memref<3276800xi32, #tpu.memory_space<hbm>> -> memref<200xi32, #tpu.memory_space<hbm>>
    tpu.enqueue_dma source(%dma_start3A_40 : memref<200xi32, #tpu.memory_space<hbm>>) target(%dma_start3A_39 : memref<200xi32, #tpu.memory_space<vmem>>) target_semaphore(%arg10 : memref<!tpu.dma_semaphore, #tpu.memory_space<semaphore_mem>>)
    %add3A_41 = arith.constant 3 : i32
    %add3A_42 = arith.addi %mul3A_2, %add3A_41 : i32
    %mul3A_43 = arith.constant 200 : i32
    %mul3A_44 = arith.muli %add3A_42, %mul3A_43 : i32
    %dma_start3A_45 = arith.constant 3 : i32
    %dma_start3A_46 = arith.constant 0 : i32
    %dma_start3A_47 = tpu.memref_slice %arg6[%dma_start3A_45, %dma_start3A_46] : memref<4x200xi32, #tpu.memory_space<vmem>> -> memref<1x200xi32, #tpu.memory_space<vmem>>
    %dma_start3A_48 = tpu.memref_squeeze %dma_start3A_47 : memref<1x200xi32, #tpu.memory_space<vmem>> -> memref<200xi32, #tpu.memory_space<vmem>>
    %dma_start3A_49 = tpu.memref_slice %arg2[%mul3A_44] : memref<3276800xi32, #tpu.memory_space<hbm>> -> memref<200xi32, #tpu.memory_space<hbm>>
    %dma_start3A_50 = arith.constant 0 : i32
    %dma_start3A_51 = tpu.memref_slice %arg6[%dma_start3A_45, %dma_start3A_50] : memref<4x200xi32, #tpu.memory_space<vmem>> -> memref<1x200xi32, #tpu.memory_space<vmem>>
    %dma_start3A_52 = tpu.memref_squeeze %dma_start3A_51 : memref<1x200xi32, #tpu.memory_space<vmem>> -> memref<200xi32, #tpu.memory_space<vmem>>
    %dma_start3A_53 = tpu.memref_slice %arg2[%mul3A_44] : memref<3276800xi32, #tpu.memory_space<hbm>> -> memref<200xi32, #tpu.memory_space<hbm>>
    tpu.enqueue_dma source(%dma_start3A_53 : memref<200xi32, #tpu.memory_space<hbm>>) target(%dma_start3A_52 : memref<200xi32, #tpu.memory_space<vmem>>) target_semaphore(%arg10 : memref<!tpu.dma_semaphore, #tpu.memory_space<semaphore_mem>>)
    %dma_wait3A = arith.constant 0 : i32
    %dma_wait3A_54 = arith.constant 0 : i32
    %dma_wait3A_55 = tpu.memref_slice %arg6[%dma_wait3A, %dma_wait3A_54] : memref<4x200xi32, #tpu.memory_space<vmem>> -> memref<1x200xi32, #tpu.memory_space<vmem>>
    %dma_wait3A_56 = tpu.memref_squeeze %dma_wait3A_55 : memref<1x200xi32, #tpu.memory_space<vmem>> -> memref<200xi32, #tpu.memory_space<vmem>>
    %dma_wait3A_57 = arith.constant 0 : i32
    %dma_wait3A_58 = tpu.memref_slice %arg2[%dma_wait3A_57] : memref<3276800xi32, #tpu.memory_space<hbm>> -> memref<200xi32, #tpu.memory_space<hbm>>
    %dma_wait3A_59 = arith.constant 0 : i32
    %dma_wait3A_60 = tpu.memref_slice %arg6[%dma_wait3A, %dma_wait3A_59] : memref<4x200xi32, #tpu.memory_space<vmem>> -> memref<1x200xi32, #tpu.memory_space<vmem>>
    %dma_wait3A_61 = tpu.memref_squeeze %dma_wait3A_60 : memref<1x200xi32, #tpu.memory_space<vmem>> -> memref<200xi32, #tpu.memory_space<vmem>>
    %dma_wait3A_62 = arith.constant 0 : i32
    %dma_wait3A_63 = tpu.memref_slice %arg2[%dma_wait3A_62] : memref<3276800xi32, #tpu.memory_space<hbm>> -> memref<200xi32, #tpu.memory_space<hbm>>
    tpu.wait_dma2 semaphore(%arg10 : memref<!tpu.dma_semaphore, #tpu.memory_space<semaphore_mem>>) src(%dma_wait3A_63 : memref<200xi32, #tpu.memory_space<hbm>>) dst(%dma_wait3A_61 : memref<200xi32, #tpu.memory_space<vmem>>)
    %dma_start3A_64 = arith.constant 0 : i32
    %dma_start3A_65 = arith.constant 0 : i32
    %dma_start3A_66 = arith.constant 0 : i32
    %dma_start3A_67 = arith.constant 0 : i32
    %dma_start3A_68 = tpu.memref_slice %arg7[%dma_start3A_65, %dma_start3A_66, %dma_start3A_67] : memref<4x200x64xbf16, #tpu.memory_space<vmem>> -> memref<1x104x64xbf16, #tpu.memory_space<vmem>>
    %dma_start3A_69 = tpu.memref_squeeze %dma_start3A_68 : memref<1x104x64xbf16, #tpu.memory_space<vmem>> -> memref<104x64xbf16, #tpu.memory_space<vmem>>
    %dma_start3A_70 = arith.constant 0 : i32
    %dma_start3A_71 = tpu.memref_slice %arg6[%dma_start3A_64, %dma_start3A_70] : memref<4x200xi32, #tpu.memory_space<vmem>> -> memref<1x104xi32, #tpu.memory_space<vmem>>
    %dma_start3A_72 = tpu.memref_squeeze %dma_start3A_71 : memref<1x104xi32, #tpu.memory_space<vmem>> -> memref<104xi32, #tpu.memory_space<vmem>>
    %dma_start3A_73 = arith.constant 0 : i32
    %dma_start3A_74 = arith.constant 0 : i32
    %dma_start3A_75 = tpu.memref_slice %arg3[%dma_start3A_73, %dma_start3A_74] : memref<100000x64xbf16, #tpu.memory_space<hbm>> -> memref<100000x64xbf16, #tpu.memory_space<hbm>>
    tpu.enqueue_indirect_dma source(%dma_start3A_75 : memref<100000x64xbf16, #tpu.memory_space<hbm>>) target(%dma_start3A_69 : memref<104x64xbf16, #tpu.memory_space<vmem>>) offsets(%dma_start3A_72 : memref<104xi32, #tpu.memory_space<vmem>>) semaphore(%arg11 : memref<!tpu.dma_semaphore, #tpu.memory_space<semaphore_mem>>)
    %dma_start3A_76 = arith.constant 0 : i32
    %dma_start3A_77 = arith.constant 0 : i32
    %dma_start3A_78 = arith.constant 104 : i32
    %dma_start3A_79 = arith.constant 0 : i32
    %dma_start3A_80 = tpu.memref_slice %arg7[%dma_start3A_77, %dma_start3A_78, %dma_start3A_79] : memref<4x200x64xbf16, #tpu.memory_space<vmem>> -> memref<1x96x64xbf16, #tpu.memory_space<vmem>>
    %dma_start3A_81 = tpu.memref_squeeze %dma_start3A_80 : memref<1x96x64xbf16, #tpu.memory_space<vmem>> -> memref<96x64xbf16, #tpu.memory_space<vmem>>
    %dma_start3A_82 = arith.constant 104 : i32
    %dma_start3A_83 = tpu.memref_slice %arg6[%dma_start3A_76, %dma_start3A_82] : memref<4x200xi32, #tpu.memory_space<vmem>> -> memref<1x96xi32, #tpu.memory_space<vmem>>
    %dma_start3A_84 = tpu.memref_squeeze %dma_start3A_83 : memref<1x96xi32, #tpu.memory_space<vmem>> -> memref<96xi32, #tpu.memory_space<vmem>>
    %dma_start3A_85 = arith.constant 0 : i32
    %dma_start3A_86 = arith.constant 0 : i32
    %dma_start3A_87 = tpu.memref_slice %arg3[%dma_start3A_85, %dma_start3A_86] : memref<100000x64xbf16, #tpu.memory_space<hbm>> -> memref<100000x64xbf16, #tpu.memory_space<hbm>>
    tpu.enqueue_indirect_dma source(%dma_start3A_87 : memref<100000x64xbf16, #tpu.memory_space<hbm>>) target(%dma_start3A_81 : memref<96x64xbf16, #tpu.memory_space<vmem>>) offsets(%dma_start3A_84 : memref<96xi32, #tpu.memory_space<vmem>>) semaphore(%arg11 : memref<!tpu.dma_semaphore, #tpu.memory_space<semaphore_mem>>)
    %dma_wait3A_88 = arith.constant 1 : i32
    %dma_wait3A_89 = arith.constant 0 : i32
    %dma_wait3A_90 = tpu.memref_slice %arg6[%dma_wait3A_88, %dma_wait3A_89] : memref<4x200xi32, #tpu.memory_space<vmem>> -> memref<1x200xi32, #tpu.memory_space<vmem>>
    %dma_wait3A_91 = tpu.memref_squeeze %dma_wait3A_90 : memref<1x200xi32, #tpu.memory_space<vmem>> -> memref<200xi32, #tpu.memory_space<vmem>>
    %dma_wait3A_92 = arith.constant 0 : i32
    %dma_wait3A_93 = tpu.memref_slice %arg2[%dma_wait3A_92] : memref<3276800xi32, #tpu.memory_space<hbm>> -> memref<200xi32, #tpu.memory_space<hbm>>
    %dma_wait3A_94 = arith.constant 0 : i32
    %dma_wait3A_95 = tpu.memref_slice %arg6[%dma_wait3A_88, %dma_wait3A_94] : memref<4x200xi32, #tpu.memory_space<vmem>> -> memref<1x200xi32, #tpu.memory_space<vmem>>
    %dma_wait3A_96 = tpu.memref_squeeze %dma_wait3A_95 : memref<1x200xi32, #tpu.memory_space<vmem>> -> memref<200xi32, #tpu.memory_space<vmem>>
    %dma_wait3A_97 = arith.constant 0 : i32
    %dma_wait3A_98 = tpu.memref_slice %arg2[%dma_wait3A_97] : memref<3276800xi32, #tpu.memory_space<hbm>> -> memref<200xi32, #tpu.memory_space<hbm>>
    tpu.wait_dma2 semaphore(%arg10 : memref<!tpu.dma_semaphore, #tpu.memory_space<semaphore_mem>>) src(%dma_wait3A_98 : memref<200xi32, #tpu.memory_space<hbm>>) dst(%dma_wait3A_96 : memref<200xi32, #tpu.memory_space<vmem>>)
    %dma_start3A_99 = arith.constant 1 : i32
    %dma_start3A_100 = arith.constant 1 : i32
    %dma_start3A_101 = arith.constant 0 : i32
    %dma_start3A_102 = arith.constant 0 : i32
    %dma_start3A_103 = tpu.memref_slice %arg7[%dma_start3A_100, %dma_start3A_101, %dma_start3A_102] : memref<4x200x64xbf16, #tpu.memory_space<vmem>> -> memref<1x104x64xbf16, #tpu.memory_space<vmem>>
    %dma_start3A_104 = tpu.memref_squeeze %dma_start3A_103 : memref<1x104x64xbf16, #tpu.memory_space<vmem>> -> memref<104x64xbf16, #tpu.memory_space<vmem>>
    %dma_start3A_105 = arith.constant 0 : i32
    %dma_start3A_106 = tpu.memref_slice %arg6[%dma_start3A_99, %dma_start3A_105] : memref<4x200xi32, #tpu.memory_space<vmem>> -> memref<1x104xi32, #tpu.memory_space<vmem>>
    %dma_start3A_107 = tpu.memref_squeeze %dma_start3A_106 : memref<1x104xi32, #tpu.memory_space<vmem>> -> memref<104xi32, #tpu.memory_space<vmem>>
    %dma_start3A_108 = arith.constant 0 : i32
    %dma_start3A_109 = arith.constant 0 : i32
    %dma_start3A_110 = tpu.memref_slice %arg3[%dma_start3A_108, %dma_start3A_109] : memref<100000x64xbf16, #tpu.memory_space<hbm>> -> memref<100000x64xbf16, #tpu.memory_space<hbm>>
    tpu.enqueue_indirect_dma source(%dma_start3A_110 : memref<100000x64xbf16, #tpu.memory_space<hbm>>) target(%dma_start3A_104 : memref<104x64xbf16, #tpu.memory_space<vmem>>) offsets(%dma_start3A_107 : memref<104xi32, #tpu.memory_space<vmem>>) semaphore(%arg11 : memref<!tpu.dma_semaphore, #tpu.memory_space<semaphore_mem>>)
    %dma_start3A_111 = arith.constant 1 : i32
    %dma_start3A_112 = arith.constant 1 : i32
    %dma_start3A_113 = arith.constant 104 : i32
    %dma_start3A_114 = arith.constant 0 : i32
    %dma_start3A_115 = tpu.memref_slice %arg7[%dma_start3A_112, %dma_start3A_113, %dma_start3A_114] : memref<4x200x64xbf16, #tpu.memory_space<vmem>> -> memref<1x96x64xbf16, #tpu.memory_space<vmem>>
    %dma_start3A_116 = tpu.memref_squeeze %dma_start3A_115 : memref<1x96x64xbf16, #tpu.memory_space<vmem>> -> memref<96x64xbf16, #tpu.memory_space<vmem>>
    %dma_start3A_117 = arith.constant 104 : i32
    %dma_start3A_118 = tpu.memref_slice %arg6[%dma_start3A_111, %dma_start3A_117] : memref<4x200xi32, #tpu.memory_space<vmem>> -> memref<1x96xi32, #tpu.memory_space<vmem>>
    %dma_start3A_119 = tpu.memref_squeeze %dma_start3A_118 : memref<1x96xi32, #tpu.memory_space<vmem>> -> memref<96xi32, #tpu.memory_space<vmem>>
    %dma_start3A_120 = arith.constant 0 : i32
    %dma_start3A_121 = arith.constant 0 : i32
    %dma_start3A_122 = tpu.memref_slice %arg3[%dma_start3A_120, %dma_start3A_121] : memref<100000x64xbf16, #tpu.memory_space<hbm>> -> memref<100000x64xbf16, #tpu.memory_space<hbm>>
    tpu.enqueue_indirect_dma source(%dma_start3A_122 : memref<100000x64xbf16, #tpu.memory_space<hbm>>) target(%dma_start3A_116 : memref<96x64xbf16, #tpu.memory_space<vmem>>) offsets(%dma_start3A_119 : memref<96xi32, #tpu.memory_space<vmem>>) semaphore(%arg11 : memref<!tpu.dma_semaphore, #tpu.memory_space<semaphore_mem>>)
    %scan3A = arith.constant 0 : i32
    %scan3A_123 = arith.constant 0 : i32
    %scan3A_124 = arith.constant 128 : i32
    %scan3A_125 = arith.addi %scan3A_123, %scan3A_124 : i32
    %scan3A_126 = arith.constant 1 : i32
    scf.for %scan3A_184 = %scan3A_123 to %scan3A_125 step %scan3A_126  : i32 {
      %mul3A_185 = arith.constant 4 : i32
      %mul3A_186 = arith.muli %scan3A_184, %mul3A_185 : i32
      %add3A_187 = arith.constant 0 : i32
      %add3A_188 = arith.addi %mul3A_186, %add3A_187 : i32
      %add3A_189 = arith.constant 2 : i32
      %add3A_190 = arith.addi %add3A_188, %add3A_189 : i32
      %lt3A = arith.constant 512 : i32
      %lt3A_191 = arith.cmpi slt, %add3A_190, %lt3A : i32
      %convert_element_type3A = arith.extui %lt3A_191 : i1 to i32
      %cond3A = arith.constant 0 : i32
      %cond3A_192 = arith.cmpi ne, %convert_element_type3A, %cond3A : i32
      scf.if %cond3A_192 {
        %dma_wait3A_588 = arith.constant 2 : i32
        %dma_wait3A_589 = arith.constant 0 : i32
        %dma_wait3A_590 = tpu.memref_slice %arg6[%dma_wait3A_588, %dma_wait3A_589] : memref<4x200xi32, #tpu.memory_space<vmem>> -> memref<1x200xi32, #tpu.memory_space<vmem>>
        %dma_wait3A_591 = tpu.memref_squeeze %dma_wait3A_590 : memref<1x200xi32, #tpu.memory_space<vmem>> -> memref<200xi32, #tpu.memory_space<vmem>>
        %dma_wait3A_592 = arith.constant 0 : i32
        %dma_wait3A_593 = tpu.memref_slice %arg2[%dma_wait3A_592] : memref<3276800xi32, #tpu.memory_space<hbm>> -> memref<200xi32, #tpu.memory_space<hbm>>
        %dma_wait3A_594 = arith.constant 0 : i32
        %dma_wait3A_595 = tpu.memref_slice %arg6[%dma_wait3A_588, %dma_wait3A_594] : memref<4x200xi32, #tpu.memory_space<vmem>> -> memref<1x200xi32, #tpu.memory_space<vmem>>
        %dma_wait3A_596 = tpu.memref_squeeze %dma_wait3A_595 : memref<1x200xi32, #tpu.memory_space<vmem>> -> memref<200xi32, #tpu.memory_space<vmem>>
        %dma_wait3A_597 = arith.constant 0 : i32
        %dma_wait3A_598 = tpu.memref_slice %arg2[%dma_wait3A_597] : memref<3276800xi32, #tpu.memory_space<hbm>> -> memref<200xi32, #tpu.memory_space<hbm>>
        tpu.wait_dma2 semaphore(%arg10 : memref<!tpu.dma_semaphore, #tpu.memory_space<semaphore_mem>>) src(%dma_wait3A_598 : memref<200xi32, #tpu.memory_space<hbm>>) dst(%dma_wait3A_596 : memref<200xi32, #tpu.memory_space<vmem>>)
        %dma_start3A_599 = arith.constant 2 : i32
        %dma_start3A_600 = arith.constant 2 : i32
        %dma_start3A_601 = arith.constant 0 : i32
        %dma_start3A_602 = arith.constant 0 : i32
        %dma_start3A_603 = tpu.memref_slice %arg7[%dma_start3A_600, %dma_start3A_601, %dma_start3A_602] : memref<4x200x64xbf16, #tpu.memory_space<vmem>> -> memref<1x104x64xbf16, #tpu.memory_space<vmem>>
        %dma_start3A_604 = tpu.memref_squeeze %dma_start3A_603 : memref<1x104x64xbf16, #tpu.memory_space<vmem>> -> memref<104x64xbf16, #tpu.memory_space<vmem>>
        %dma_start3A_605 = arith.constant 0 : i32
        %dma_start3A_606 = tpu.memref_slice %arg6[%dma_start3A_599, %dma_start3A_605] : memref<4x200xi32, #tpu.memory_space<vmem>> -> memref<1x104xi32, #tpu.memory_space<vmem>>
        %dma_start3A_607 = tpu.memref_squeeze %dma_start3A_606 : memref<1x104xi32, #tpu.memory_space<vmem>> -> memref<104xi32, #tpu.memory_space<vmem>>
        %dma_start3A_608 = arith.constant 0 : i32
        %dma_start3A_609 = arith.constant 0 : i32
        %dma_start3A_610 = tpu.memref_slice %arg3[%dma_start3A_608, %dma_start3A_609] : memref<100000x64xbf16, #tpu.memory_space<hbm>> -> memref<100000x64xbf16, #tpu.memory_space<hbm>>
        tpu.enqueue_indirect_dma source(%dma_start3A_610 : memref<100000x64xbf16, #tpu.memory_space<hbm>>) target(%dma_start3A_604 : memref<104x64xbf16, #tpu.memory_space<vmem>>) offsets(%dma_start3A_607 : memref<104xi32, #tpu.memory_space<vmem>>) semaphore(%arg11 : memref<!tpu.dma_semaphore, #tpu.memory_space<semaphore_mem>>)
        %dma_start3A_611 = arith.constant 2 : i32
        %dma_start3A_612 = arith.constant 2 : i32
        %dma_start3A_613 = arith.constant 104 : i32
        %dma_start3A_614 = arith.constant 0 : i32
        %dma_start3A_615 = tpu.memref_slice %arg7[%dma_start3A_612, %dma_start3A_613, %dma_start3A_614] : memref<4x200x64xbf16, #tpu.memory_space<vmem>> -> memref<1x96x64xbf16, #tpu.memory_space<vmem>>
        %dma_start3A_616 = tpu.memref_squeeze %dma_start3A_615 : memref<1x96x64xbf16, #tpu.memory_space<vmem>> -> memref<96x64xbf16, #tpu.memory_space<vmem>>
        %dma_start3A_617 = arith.constant 104 : i32
        %dma_start3A_618 = tpu.memref_slice %arg6[%dma_start3A_611, %dma_start3A_617] : memref<4x200xi32, #tpu.memory_space<vmem>> -> memref<1x96xi32, #tpu.memory_space<vmem>>
        %dma_start3A_619 = tpu.memref_squeeze %dma_start3A_618 : memref<1x96xi32, #tpu.memory_space<vmem>> -> memref<96xi32, #tpu.memory_space<vmem>>
        %dma_start3A_620 = arith.constant 0 : i32
        %dma_start3A_621 = arith.constant 0 : i32
        %dma_start3A_622 = tpu.memref_slice %arg3[%dma_start3A_620, %dma_start3A_621] : memref<100000x64xbf16, #tpu.memory_space<hbm>> -> memref<100000x64xbf16, #tpu.memory_space<hbm>>
        tpu.enqueue_indirect_dma source(%dma_start3A_622 : memref<100000x64xbf16, #tpu.memory_space<hbm>>) target(%dma_start3A_616 : memref<96x64xbf16, #tpu.memory_space<vmem>>) offsets(%dma_start3A_619 : memref<96xi32, #tpu.memory_space<vmem>>) semaphore(%arg11 : memref<!tpu.dma_semaphore, #tpu.memory_space<semaphore_mem>>)
      } else {
      }
      %dma_wait3A_193 = arith.constant 0 : i32
      %dma_wait3A_194 = arith.constant 0 : i32
      %dma_wait3A_195 = arith.constant 0 : i32
      %dma_wait3A_196 = tpu.memref_slice %arg7[%dma_wait3A_193, %dma_wait3A_194, %dma_wait3A_195] : memref<4x200x64xbf16, #tpu.memory_space<vmem>> -> memref<1x200x64xbf16, #tpu.memory_space<vmem>>
      %dma_wait3A_197 = tpu.memref_squeeze %dma_wait3A_196 : memref<1x200x64xbf16, #tpu.memory_space<vmem>> -> memref<200x64xbf16, #tpu.memory_space<vmem>>
      %dma_wait3A_198 = arith.constant 0 : i32
      %dma_wait3A_199 = arith.constant 0 : i32
      %dma_wait3A_200 = tpu.memref_slice %arg3[%dma_wait3A_198, %dma_wait3A_199] : memref<100000x64xbf16, #tpu.memory_space<hbm>> -> memref<200x64xbf16, #tpu.memory_space<hbm>>
      %dma_wait3A_201 = arith.constant 0 : i32
      %dma_wait3A_202 = arith.constant 0 : i32
      %dma_wait3A_203 = tpu.memref_slice %arg7[%dma_wait3A_193, %dma_wait3A_201, %dma_wait3A_202] : memref<4x200x64xbf16, #tpu.memory_space<vmem>> -> memref<1x200x64xbf16, #tpu.memory_space<vmem>>
      %dma_wait3A_204 = tpu.memref_squeeze %dma_wait3A_203 : memref<1x200x64xbf16, #tpu.memory_space<vmem>> -> memref<200x64xbf16, #tpu.memory_space<vmem>>
      %dma_wait3A_205 = arith.constant 0 : i32
      %dma_wait3A_206 = arith.constant 0 : i32
      %dma_wait3A_207 = tpu.memref_slice %arg3[%dma_wait3A_205, %dma_wait3A_206] : memref<100000x64xbf16, #tpu.memory_space<hbm>> -> memref<200x64xbf16, #tpu.memory_space<hbm>>
      tpu.wait_dma2 semaphore(%arg11 : memref<!tpu.dma_semaphore, #tpu.memory_space<semaphore_mem>>) src(%dma_wait3A_207 : memref<200x64xbf16, #tpu.memory_space<hbm>>) dst(%dma_wait3A_204 : memref<200x64xbf16, #tpu.memory_space<vmem>>)
      %add3A_208 = arith.constant 4 : i32
      %add3A_209 = arith.addi %add3A_188, %add3A_208 : i32
      %lt3A_210 = arith.constant 512 : i32
      %lt3A_211 = arith.cmpi slt, %add3A_209, %lt3A_210 : i32
      %convert_element_type3A_212 = arith.extui %lt3A_211 : i1 to i32
      %cond3A_213 = arith.constant 0 : i32
      %cond3A_214 = arith.cmpi ne, %convert_element_type3A_212, %cond3A_213 : i32
      scf.if %cond3A_214 {
        %add3A_588 = arith.constant 4 : i32
        %add3A_589 = arith.addi %add3A_188, %add3A_588 : i32
        %add3A_590 = arith.addi %mul3A_2, %add3A_589 : i32
        %mul3A_591 = arith.constant 200 : i32
        %mul3A_592 = arith.muli %add3A_590, %mul3A_591 : i32
        %dma_start3A_593 = arith.constant 0 : i32
        %dma_start3A_594 = arith.constant 0 : i32
        %dma_start3A_595 = tpu.memref_slice %arg6[%dma_start3A_593, %dma_start3A_594] : memref<4x200xi32, #tpu.memory_space<vmem>> -> memref<1x200xi32, #tpu.memory_space<vmem>>
        %dma_start3A_596 = tpu.memref_squeeze %dma_start3A_595 : memref<1x200xi32, #tpu.memory_space<vmem>> -> memref<200xi32, #tpu.memory_space<vmem>>
        %dma_start3A_597 = tpu.memref_slice %arg2[%mul3A_592] : memref<3276800xi32, #tpu.memory_space<hbm>> -> memref<200xi32, #tpu.memory_space<hbm>>
        %dma_start3A_598 = arith.constant 0 : i32
        %dma_start3A_599 = tpu.memref_slice %arg6[%dma_start3A_593, %dma_start3A_598] : memref<4x200xi32, #tpu.memory_space<vmem>> -> memref<1x200xi32, #tpu.memory_space<vmem>>
        %dma_start3A_600 = tpu.memref_squeeze %dma_start3A_599 : memref<1x200xi32, #tpu.memory_space<vmem>> -> memref<200xi32, #tpu.memory_space<vmem>>
        %dma_start3A_601 = tpu.memref_slice %arg2[%mul3A_592] : memref<3276800xi32, #tpu.memory_space<hbm>> -> memref<200xi32, #tpu.memory_space<hbm>>
        tpu.enqueue_dma source(%dma_start3A_601 : memref<200xi32, #tpu.memory_space<hbm>>) target(%dma_start3A_600 : memref<200xi32, #tpu.memory_space<vmem>>) target_semaphore(%arg10 : memref<!tpu.dma_semaphore, #tpu.memory_space<semaphore_mem>>)
      } else {
      }
      %broadcast_in_dim3A = arith.constant 0.000000e+00 : f32
      %broadcast_in_dim3A_215 = vector.broadcast %broadcast_in_dim3A : f32 to vector<16xf32>
      %scan3A_216 = arith.constant 0 : i32
      %scan3A_217 = arith.constant 25 : i32
      %scan3A_218 = arith.addi %scan3A_216, %scan3A_217 : i32
      %scan3A_219 = arith.constant 1 : i32
      %scan3A_220:4 = scf.for %scan3A_588 = %scan3A_216 to %scan3A_218 step %scan3A_219 iter_args(%scan3A_589 = %broadcast_in_dim3A_215, %scan3A_590 = %broadcast_in_dim3A_215, %scan3A_591 = %broadcast_in_dim3A_215, %scan3A_592 = %broadcast_in_dim3A_215) -> (vector<16xf32>, vector<16xf32>, vector<16xf32>, vector<16xf32>)  : i32 {
        %mul3A_593 = arith.constant 8 : i32
        %mul3A_594 = arith.muli %scan3A_588, %mul3A_593 : i32
        %add3A_595 = arith.constant 0 : i32
        %add3A_596 = arith.addi %mul3A_594, %add3A_595 : i32
        %get3A = arith.constant 0 : i32
        %get3A_597 = arith.index_cast %get3A : i32 to index
        %get3A_598 = arith.index_cast %add3A_596 : i32 to index
        %get3A_599 = arith.constant 0 : index
        %get3A_600 = tpu.vector_load %arg7[%get3A_597, %get3A_598, %get3A_599] {strides = array<i32>} : memref<4x200x64xbf16, #tpu.memory_space<vmem>>, vector<32xbf16>,
        %get3A_601 = arith.constant 0 : i32
        %get3A_602 = arith.index_cast %get3A_601 : i32 to index
        %get3A_603 = arith.index_cast %add3A_596 : i32 to index
        %get3A_604 = arith.constant 32 : index
        %get3A_605 = tpu.vector_load %arg7[%get3A_602, %get3A_603, %get3A_604] {strides = array<i32>} : memref<4x200x64xbf16, #tpu.memory_space<vmem>>, vector<32xbf16>,
        %unpack3A = tpu.unpack_subelements %get3A_600, 0 {pack_format = #tpu.pack_format<interleaved>} : vector<32xbf16> -> vector<16xf32>
        %unpack3A_606 = tpu.unpack_subelements %get3A_600, 1 {pack_format = #tpu.pack_format<interleaved>} : vector<32xbf16> -> vector<16xf32>
        %unpack3A_607 = tpu.unpack_subelements %get3A_605, 0 {pack_format = #tpu.pack_format<interleaved>} : vector<32xbf16> -> vector<16xf32>
        %unpack3A_608 = tpu.unpack_subelements %get3A_605, 1 {pack_format = #tpu.pack_format<interleaved>} : vector<32xbf16> -> vector<16xf32>
        %add3A_609 = arith.addf %scan3A_589, %unpack3A : vector<16xf32>
        %add3A_610 = arith.addf %scan3A_590, %unpack3A_606 : vector<16xf32>
        %add3A_611 = arith.addf %scan3A_591, %unpack3A_607 : vector<16xf32>
        %add3A_612 = arith.addf %scan3A_592, %unpack3A_608 : vector<16xf32>
        %mul3A_613 = arith.constant 8 : i32
        %mul3A_614 = arith.muli %scan3A_588, %mul3A_613 : i32
        %add3A_615 = arith.constant 1 : i32
        %add3A_616 = arith.addi %mul3A_614, %add3A_615 : i32
        %get3A_617 = arith.constant 0 : i32
        %get3A_618 = arith.index_cast %get3A_617 : i32 to index
        %get3A_619 = arith.index_cast %add3A_616 : i32 to index
        %get3A_620 = arith.constant 0 : index
        %get3A_621 = tpu.vector_load %arg7[%get3A_618, %get3A_619, %get3A_620] {strides = array<i32>} : memref<4x200x64xbf16, #tpu.memory_space<vmem>>, vector<32xbf16>,
        %get3A_622 = arith.constant 0 : i32
        %get3A_623 = arith.index_cast %get3A_622 : i32 to index
        %get3A_624 = arith.index_cast %add3A_616 : i32 to index
        %get3A_625 = arith.constant 32 : index
        %get3A_626 = tpu.vector_load %arg7[%get3A_623, %get3A_624, %get3A_625] {strides = array<i32>} : memref<4x200x64xbf16, #tpu.memory_space<vmem>>, vector<32xbf16>,
        %unpack3A_627 = tpu.unpack_subelements %get3A_621, 0 {pack_format = #tpu.pack_format<interleaved>} : vector<32xbf16> -> vector<16xf32>
        %unpack3A_628 = tpu.unpack_subelements %get3A_621, 1 {pack_format = #tpu.pack_format<interleaved>} : vector<32xbf16> -> vector<16xf32>
        %unpack3A_629 = tpu.unpack_subelements %get3A_626, 0 {pack_format = #tpu.pack_format<interleaved>} : vector<32xbf16> -> vector<16xf32>
        %unpack3A_630 = tpu.unpack_subelements %get3A_626, 1 {pack_format = #tpu.pack_format<interleaved>} : vector<32xbf16> -> vector<16xf32>
        %add3A_631 = arith.addf %add3A_609, %unpack3A_627 : vector<16xf32>
        %add3A_632 = arith.addf %add3A_610, %unpack3A_628 : vector<16xf32>
        %add3A_633 = arith.addf %add3A_611, %unpack3A_629 : vector<16xf32>
        %add3A_634 = arith.addf %add3A_612, %unpack3A_630 : vector<16xf32>
        %mul3A_635 = arith.constant 8 : i32
        %mul3A_636 = arith.muli %scan3A_588, %mul3A_635 : i32
        %add3A_637 = arith.constant 2 : i32
        %add3A_638 = arith.addi %mul3A_636, %add3A_637 : i32
        %get3A_639 = arith.constant 0 : i32
        %get3A_640 = arith.index_cast %get3A_639 : i32 to index
        %get3A_641 = arith.index_cast %add3A_638 : i32 to index
        %get3A_642 = arith.constant 0 : index
        %get3A_643 = tpu.vector_load %arg7[%get3A_640, %get3A_641, %get3A_642] {strides = array<i32>} : memref<4x200x64xbf16, #tpu.memory_space<vmem>>, vector<32xbf16>,
        %get3A_644 = arith.constant 0 : i32
        %get3A_645 = arith.index_cast %get3A_644 : i32 to index
        %get3A_646 = arith.index_cast %add3A_638 : i32 to index
        %get3A_647 = arith.constant 32 : index
        %get3A_648 = tpu.vector_load %arg7[%get3A_645, %get3A_646, %get3A_647] {strides = array<i32>} : memref<4x200x64xbf16, #tpu.memory_space<vmem>>, vector<32xbf16>,
        %unpack3A_649 = tpu.unpack_subelements %get3A_643, 0 {pack_format = #tpu.pack_format<interleaved>} : vector<32xbf16> -> vector<16xf32>
        %unpack3A_650 = tpu.unpack_subelements %get3A_643, 1 {pack_format = #tpu.pack_format<interleaved>} : vector<32xbf16> -> vector<16xf32>
        %unpack3A_651 = tpu.unpack_subelements %get3A_648, 0 {pack_format = #tpu.pack_format<interleaved>} : vector<32xbf16> -> vector<16xf32>
        %unpack3A_652 = tpu.unpack_subelements %get3A_648, 1 {pack_format = #tpu.pack_format<interleaved>} : vector<32xbf16> -> vector<16xf32>
        %add3A_653 = arith.addf %add3A_631, %unpack3A_649 : vector<16xf32>
        %add3A_654 = arith.addf %add3A_632, %unpack3A_650 : vector<16xf32>
        %add3A_655 = arith.addf %add3A_633, %unpack3A_651 : vector<16xf32>
        %add3A_656 = arith.addf %add3A_634, %unpack3A_652 : vector<16xf32>
        %mul3A_657 = arith.constant 8 : i32
        %mul3A_658 = arith.muli %scan3A_588, %mul3A_657 : i32
        %add3A_659 = arith.constant 3 : i32
        %add3A_660 = arith.addi %mul3A_658, %add3A_659 : i32
        %get3A_661 = arith.constant 0 : i32
        %get3A_662 = arith.index_cast %get3A_661 : i32 to index
        %get3A_663 = arith.index_cast %add3A_660 : i32 to index
        %get3A_664 = arith.constant 0 : index
        %get3A_665 = tpu.vector_load %arg7[%get3A_662, %get3A_663, %get3A_664] {strides = array<i32>} : memref<4x200x64xbf16, #tpu.memory_space<vmem>>, vector<32xbf16>,
        %get3A_666 = arith.constant 0 : i32
        %get3A_667 = arith.index_cast %get3A_666 : i32 to index
        %get3A_668 = arith.index_cast %add3A_660 : i32 to index
        %get3A_669 = arith.constant 32 : index
        %get3A_670 = tpu.vector_load %arg7[%get3A_667, %get3A_668, %get3A_669] {strides = array<i32>} : memref<4x200x64xbf16, #tpu.memory_space<vmem>>, vector<32xbf16>,
        %unpack3A_671 = tpu.unpack_subelements %get3A_665, 0 {pack_format = #tpu.pack_format<interleaved>} : vector<32xbf16> -> vector<16xf32>
        %unpack3A_672 = tpu.unpack_subelements %get3A_665, 1 {pack_format = #tpu.pack_format<interleaved>} : vector<32xbf16> -> vector<16xf32>
        %unpack3A_673 = tpu.unpack_subelements %get3A_670, 0 {pack_format = #tpu.pack_format<interleaved>} : vector<32xbf16> -> vector<16xf32>
        %unpack3A_674 = tpu.unpack_subelements %get3A_670, 1 {pack_format = #tpu.pack_format<interleaved>} : vector<32xbf16> -> vector<16xf32>
        %add3A_675 = arith.addf %add3A_653, %unpack3A_671 : vector<16xf32>
        %add3A_676 = arith.addf %add3A_654, %unpack3A_672 : vector<16xf32>
        %add3A_677 = arith.addf %add3A_655, %unpack3A_673 : vector<16xf32>
        %add3A_678 = arith.addf %add3A_656, %unpack3A_674 : vector<16xf32>
        %mul3A_679 = arith.constant 8 : i32
        %mul3A_680 = arith.muli %scan3A_588, %mul3A_679 : i32
        %add3A_681 = arith.constant 4 : i32
        %add3A_682 = arith.addi %mul3A_680, %add3A_681 : i32
        %get3A_683 = arith.constant 0 : i32
        %get3A_684 = arith.index_cast %get3A_683 : i32 to index
        %get3A_685 = arith.index_cast %add3A_682 : i32 to index
        %get3A_686 = arith.constant 0 : index
        %get3A_687 = tpu.vector_load %arg7[%get3A_684, %get3A_685, %get3A_686] {strides = array<i32>} : memref<4x200x64xbf16, #tpu.memory_space<vmem>>, vector<32xbf16>,
        %get3A_688 = arith.constant 0 : i32
        %get3A_689 = arith.index_cast %get3A_688 : i32 to index
        %get3A_690 = arith.index_cast %add3A_682 : i32 to index
        %get3A_691 = arith.constant 32 : index
        %get3A_692 = tpu.vector_load %arg7[%get3A_689, %get3A_690, %get3A_691] {strides = array<i32>} : memref<4x200x64xbf16, #tpu.memory_space<vmem>>, vector<32xbf16>,
        %unpack3A_693 = tpu.unpack_subelements %get3A_687, 0 {pack_format = #tpu.pack_format<interleaved>} : vector<32xbf16> -> vector<16xf32>
        %unpack3A_694 = tpu.unpack_subelements %get3A_687, 1 {pack_format = #tpu.pack_format<interleaved>} : vector<32xbf16> -> vector<16xf32>
        %unpack3A_695 = tpu.unpack_subelements %get3A_692, 0 {pack_format = #tpu.pack_format<interleaved>} : vector<32xbf16> -> vector<16xf32>
        %unpack3A_696 = tpu.unpack_subelements %get3A_692, 1 {pack_format = #tpu.pack_format<interleaved>} : vector<32xbf16> -> vector<16xf32>
        %add3A_697 = arith.addf %add3A_675, %unpack3A_693 : vector<16xf32>
        %add3A_698 = arith.addf %add3A_676, %unpack3A_694 : vector<16xf32>
        %add3A_699 = arith.addf %add3A_677, %unpack3A_695 : vector<16xf32>
        %add3A_700 = arith.addf %add3A_678, %unpack3A_696 : vector<16xf32>
        %mul3A_701 = arith.constant 8 : i32
        %mul3A_702 = arith.muli %scan3A_588, %mul3A_701 : i32
        %add3A_703 = arith.constant 5 : i32
        %add3A_704 = arith.addi %mul3A_702, %add3A_703 : i32
        %get3A_705 = arith.constant 0 : i32
        %get3A_706 = arith.index_cast %get3A_705 : i32 to index
        %get3A_707 = arith.index_cast %add3A_704 : i32 to index
        %get3A_708 = arith.constant 0 : index
        %get3A_709 = tpu.vector_load %arg7[%get3A_706, %get3A_707, %get3A_708] {strides = array<i32>} : memref<4x200x64xbf16, #tpu.memory_space<vmem>>, vector<32xbf16>,
        %get3A_710 = arith.constant 0 : i32
        %get3A_711 = arith.index_cast %get3A_710 : i32 to index
        %get3A_712 = arith.index_cast %add3A_704 : i32 to index
        %get3A_713 = arith.constant 32 : index
        %get3A_714 = tpu.vector_load %arg7[%get3A_711, %get3A_712, %get3A_713] {strides = array<i32>} : memref<4x200x64xbf16, #tpu.memory_space<vmem>>, vector<32xbf16>,
        %unpack3A_715 = tpu.unpack_subelements %get3A_709, 0 {pack_format = #tpu.pack_format<interleaved>} : vector<32xbf16> -> vector<16xf32>
        %unpack3A_716 = tpu.unpack_subelements %get3A_709, 1 {pack_format = #tpu.pack_format<interleaved>} : vector<32xbf16> -> vector<16xf32>
        %unpack3A_717 = tpu.unpack_subelements %get3A_714, 0 {pack_format = #tpu.pack_format<interleaved>} : vector<32xbf16> -> vector<16xf32>
        %unpack3A_718 = tpu.unpack_subelements %get3A_714, 1 {pack_format = #tpu.pack_format<interleaved>} : vector<32xbf16> -> vector<16xf32>
        %add3A_719 = arith.addf %add3A_697, %unpack3A_715 : vector<16xf32>
        %add3A_720 = arith.addf %add3A_698, %unpack3A_716 : vector<16xf32>
        %add3A_721 = arith.addf %add3A_699, %unpack3A_717 : vector<16xf32>
        %add3A_722 = arith.addf %add3A_700, %unpack3A_718 : vector<16xf32>
        %mul3A_723 = arith.constant 8 : i32
        %mul3A_724 = arith.muli %scan3A_588, %mul3A_723 : i32
        %add3A_725 = arith.constant 6 : i32
        %add3A_726 = arith.addi %mul3A_724, %add3A_725 : i32
        %get3A_727 = arith.constant 0 : i32
        %get3A_728 = arith.index_cast %get3A_727 : i32 to index
        %get3A_729 = arith.index_cast %add3A_726 : i32 to index
        %get3A_730 = arith.constant 0 : index
        %get3A_731 = tpu.vector_load %arg7[%get3A_728, %get3A_729, %get3A_730] {strides = array<i32>} : memref<4x200x64xbf16, #tpu.memory_space<vmem>>, vector<32xbf16>,
        %get3A_732 = arith.constant 0 : i32
        %get3A_733 = arith.index_cast %get3A_732 : i32 to index
        %get3A_734 = arith.index_cast %add3A_726 : i32 to index
        %get3A_735 = arith.constant 32 : index
        %get3A_736 = tpu.vector_load %arg7[%get3A_733, %get3A_734, %get3A_735] {strides = array<i32>} : memref<4x200x64xbf16, #tpu.memory_space<vmem>>, vector<32xbf16>,
        %unpack3A_737 = tpu.unpack_subelements %get3A_731, 0 {pack_format = #tpu.pack_format<interleaved>} : vector<32xbf16> -> vector<16xf32>
        %unpack3A_738 = tpu.unpack_subelements %get3A_731, 1 {pack_format = #tpu.pack_format<interleaved>} : vector<32xbf16> -> vector<16xf32>
        %unpack3A_739 = tpu.unpack_subelements %get3A_736, 0 {pack_format = #tpu.pack_format<interleaved>} : vector<32xbf16> -> vector<16xf32>
        %unpack3A_740 = tpu.unpack_subelements %get3A_736, 1 {pack_format = #tpu.pack_format<interleaved>} : vector<32xbf16> -> vector<16xf32>
        %add3A_741 = arith.addf %add3A_719, %unpack3A_737 : vector<16xf32>
        %add3A_742 = arith.addf %add3A_720, %unpack3A_738 : vector<16xf32>
        %add3A_743 = arith.addf %add3A_721, %unpack3A_739 : vector<16xf32>
        %add3A_744 = arith.addf %add3A_722, %unpack3A_740 : vector<16xf32>
        %mul3A_745 = arith.constant 8 : i32
        %mul3A_746 = arith.muli %scan3A_588, %mul3A_745 : i32
        %add3A_747 = arith.constant 7 : i32
        %add3A_748 = arith.addi %mul3A_746, %add3A_747 : i32
        %get3A_749 = arith.constant 0 : i32
        %get3A_750 = arith.index_cast %get3A_749 : i32 to index
        %get3A_751 = arith.index_cast %add3A_748 : i32 to index
        %get3A_752 = arith.constant 0 : index
        %get3A_753 = tpu.vector_load %arg7[%get3A_750, %get3A_751, %get3A_752] {strides = array<i32>} : memref<4x200x64xbf16, #tpu.memory_space<vmem>>, vector<32xbf16>,
        %get3A_754 = arith.constant 0 : i32
        %get3A_755 = arith.index_cast %get3A_754 : i32 to index
        %get3A_756 = arith.index_cast %add3A_748 : i32 to index
        %get3A_757 = arith.constant 32 : index
        %get3A_758 = tpu.vector_load %arg7[%get3A_755, %get3A_756, %get3A_757] {strides = array<i32>} : memref<4x200x64xbf16, #tpu.memory_space<vmem>>, vector<32xbf16>,
        %unpack3A_759 = tpu.unpack_subelements %get3A_753, 0 {pack_format = #tpu.pack_format<interleaved>} : vector<32xbf16> -> vector<16xf32>
        %unpack3A_760 = tpu.unpack_subelements %get3A_753, 1 {pack_format = #tpu.pack_format<interleaved>} : vector<32xbf16> -> vector<16xf32>
        %unpack3A_761 = tpu.unpack_subelements %get3A_758, 0 {pack_format = #tpu.pack_format<interleaved>} : vector<32xbf16> -> vector<16xf32>
        %unpack3A_762 = tpu.unpack_subelements %get3A_758, 1 {pack_format = #tpu.pack_format<interleaved>} : vector<32xbf16> -> vector<16xf32>
        %add3A_763 = arith.addf %add3A_741, %unpack3A_759 : vector<16xf32>
        %add3A_764 = arith.addf %add3A_742, %unpack3A_760 : vector<16xf32>
        %add3A_765 = arith.addf %add3A_743, %unpack3A_761 : vector<16xf32>
        %add3A_766 = arith.addf %add3A_744, %unpack3A_762 : vector<16xf32>
        scf.yield %add3A_763, %add3A_764, %add3A_765, %add3A_766 : vector<16xf32>, vector<16xf32>, vector<16xf32>, vector<16xf32>
      }
      %scan3A_221 = arith.constant 25 : i32
      %broadcast_in_dim3A_222 = vector.broadcast %add3A_188 : i32 to vector<16xi32>
      %gather3A = tpu.vector_load_idx %arg9[%broadcast_in_dim3A_222] : memref<512xf32, #tpu.memory_space<vmem>>[vector<16xi32>], vector<16xf32>,
      %ge3A = arith.constant 4 : i32
      %ge3A_223 = arith.cmpi sge, %add3A_188, %ge3A : i32
      %convert_element_type3A_224 = arith.extui %ge3A_223 : i1 to i32
      %cond3A_225 = arith.constant 0 : i32
      %cond3A_226 = arith.cmpi ne, %convert_element_type3A_224, %cond3A_225 : i32
      scf.if %cond3A_226 {
        %dma_wait3A_588 = arith.constant 0 : i32
        %dma_wait3A_589 = arith.constant 0 : i32
        %dma_wait3A_590 = arith.constant 0 : i32
        %dma_wait3A_591 = tpu.memref_slice %arg8[%dma_wait3A_588, %dma_wait3A_590] : memref<4x64xf32, #tpu.memory_space<vmem>> -> memref<1x64xf32, #tpu.memory_space<vmem>>
        %dma_wait3A_592 = tpu.memref_squeeze %dma_wait3A_591 : memref<1x64xf32, #tpu.memory_space<vmem>> -> memref<64xf32, #tpu.memory_space<vmem>>
        %dma_wait3A_593 = arith.constant 0 : i32
        %dma_wait3A_594 = tpu.memref_slice %arg5[%dma_wait3A_589, %dma_wait3A_593] : memref<8192x128xf32, #tpu.memory_space<hbm>> -> memref<1x64xf32, #tpu.memory_space<hbm>>
        %dma_wait3A_595 = tpu.memref_squeeze %dma_wait3A_594 : memref<1x64xf32, #tpu.memory_space<hbm>> -> memref<64xf32, #tpu.memory_space<hbm>>
        %dma_wait3A_596 = arith.constant 0 : i32
        %dma_wait3A_597 = tpu.memref_slice %arg5[%dma_wait3A_589, %dma_wait3A_596] : memref<8192x128xf32, #tpu.memory_space<hbm>> -> memref<1x64xf32, #tpu.memory_space<hbm>>
        %dma_wait3A_598 = tpu.memref_squeeze %dma_wait3A_597 : memref<1x64xf32, #tpu.memory_space<hbm>> -> memref<64xf32, #tpu.memory_space<hbm>>
        %dma_wait3A_599 = arith.constant 0 : i32
        %dma_wait3A_600 = tpu.memref_slice %arg8[%dma_wait3A_588, %dma_wait3A_599] : memref<4x64xf32, #tpu.memory_space<vmem>> -> memref<1x64xf32, #tpu.memory_space<vmem>>
        %dma_wait3A_601 = tpu.memref_squeeze %dma_wait3A_600 : memref<1x64xf32, #tpu.memory_space<vmem>> -> memref<64xf32, #tpu.memory_space<vmem>>
        tpu.wait_dma2 semaphore(%arg12 : memref<!tpu.dma_semaphore, #tpu.memory_space<semaphore_mem>>) src(%dma_wait3A_601 : memref<64xf32, #tpu.memory_space<vmem>>) dst(%dma_wait3A_598 : memref<64xf32, #tpu.memory_space<hbm>>)
      } else {
      }
      %mul3A_227 = arith.mulf %scan3A_220#0, %gather3A : vector<16xf32>
      %swap3A = arith.constant 0 : i32
      %swap3A_228 = arith.index_cast %swap3A : i32 to index
      %swap3A_229 = arith.constant 0 : index
      %swap3A_230 = tpu.vector_load %arg8[%swap3A_228, %swap3A_229] {strides = array<i32>} : memref<4x64xf32, #tpu.memory_space<vmem>>, vector<16xf32>,
      tpu.vector_store %arg8[%swap3A_228, %swap3A_229], %mul3A_227 {strides = array<i32>} : memref<4x64xf32, #tpu.memory_space<vmem>>, vector<16xf32>,
      %mul3A_231 = arith.mulf %scan3A_220#1, %gather3A : vector<16xf32>
      %swap3A_232 = arith.constant 0 : i32
      %swap3A_233 = arith.index_cast %swap3A_232 : i32 to index
      %swap3A_234 = arith.constant 16 : index
      %swap3A_235 = tpu.vector_load %arg8[%swap3A_233, %swap3A_234] {strides = array<i32>} : memref<4x64xf32, #tpu.memory_space<vmem>>, vector<16xf32>,
      tpu.vector_store %arg8[%swap3A_233, %swap3A_234], %mul3A_231 {strides = array<i32>} : memref<4x64xf32, #tpu.memory_space<vmem>>, vector<16xf32>,
      %mul3A_236 = arith.mulf %scan3A_220#2, %gather3A : vector<16xf32>
      %swap3A_237 = arith.constant 0 : i32
      %swap3A_238 = arith.index_cast %swap3A_237 : i32 to index
      %swap3A_239 = arith.constant 32 : index
      %swap3A_240 = tpu.vector_load %arg8[%swap3A_238, %swap3A_239] {strides = array<i32>} : memref<4x64xf32, #tpu.memory_space<vmem>>, vector<16xf32>,
      tpu.vector_store %arg8[%swap3A_238, %swap3A_239], %mul3A_236 {strides = array<i32>} : memref<4x64xf32, #tpu.memory_space<vmem>>, vector<16xf32>,
      %mul3A_241 = arith.mulf %scan3A_220#3, %gather3A : vector<16xf32>
      %swap3A_242 = arith.constant 0 : i32
      %swap3A_243 = arith.index_cast %swap3A_242 : i32 to index
      %swap3A_244 = arith.constant 48 : index
      %swap3A_245 = tpu.vector_load %arg8[%swap3A_243, %swap3A_244] {strides = array<i32>} : memref<4x64xf32, #tpu.memory_space<vmem>>, vector<16xf32>,
      tpu.vector_store %arg8[%swap3A_243, %swap3A_244], %mul3A_241 {strides = array<i32>} : memref<4x64xf32, #tpu.memory_space<vmem>>, vector<16xf32>,
      %add3A_246 = arith.addi %mul3A_2, %add3A_188 : i32
      %jit3A = arith.constant 2 : i32
      %div3A = arith.divsi %add3A_246, %jit3A : i32
      %sign3A = arith.constant 0 : i32
      %sign3A_247 = arith.cmpi sgt, %add3A_246, %sign3A : i32
      %sign3A_248 = arith.extui %sign3A_247 : i1 to i32
      %sign3A_249 = arith.constant 0 : i32
      %sign3A_250 = arith.cmpi slt, %add3A_246, %sign3A_249 : i32
      %sign3A_251 = arith.extui %sign3A_250 : i1 to i32
      %sign3A_252 = arith.subi %sign3A_248, %sign3A_251 : i32
      %sign3A_253 = arith.constant 0 : i32
      %sign3A_254 = arith.cmpi sgt, %jit3A, %sign3A_253 : i32
      %sign3A_255 = arith.extui %sign3A_254 : i1 to i32
      %sign3A_256 = arith.constant 0 : i32
      %sign3A_257 = arith.cmpi slt, %jit3A, %sign3A_256 : i32
      %sign3A_258 = arith.extui %sign3A_257 : i1 to i32
      %sign3A_259 = arith.subi %sign3A_255, %sign3A_258 : i32
      %ne3A = arith.cmpi ne, %sign3A_252, %sign3A_259 : i32
      %rem3A = arith.remsi %add3A_246, %jit3A : i32
      %ne3A_260 = arith.constant 0 : i32
      %ne3A_261 = arith.cmpi ne, %rem3A, %ne3A_260 : i32
      %and3A = arith.andi %ne3A, %ne3A_261 : i1
      %sub3A = arith.constant 1 : i32
      %sub3A_262 = arith.subi %div3A, %sub3A : i32
      %select_n3A = arith.select %and3A, %sub3A_262, %div3A : i32
      %dma_start3A_263 = arith.constant 0 : i32
      %dma_start3A_264 = arith.constant 0 : i32
      %dma_start3A_265 = tpu.memref_slice %arg8[%dma_start3A_263, %dma_start3A_264] : memref<4x64xf32, #tpu.memory_space<vmem>> -> memref<1x64xf32, #tpu.memory_space<vmem>>
      %dma_start3A_266 = tpu.memref_squeeze %dma_start3A_265 : memref<1x64xf32, #tpu.memory_space<vmem>> -> memref<64xf32, #tpu.memory_space<vmem>>
      %dma_start3A_267 = arith.constant 0 : i32
      %dma_start3A_268 = tpu.memref_slice %arg5[%select_n3A, %dma_start3A_267] : memref<8192x128xf32, #tpu.memory_space<hbm>> -> memref<1x64xf32, #tpu.memory_space<hbm>>
      %dma_start3A_269 = tpu.memref_squeeze %dma_start3A_268 : memref<1x64xf32, #tpu.memory_space<hbm>> -> memref<64xf32, #tpu.memory_space<hbm>>
      %dma_start3A_270 = arith.constant 0 : i32
      %dma_start3A_271 = tpu.memref_slice %arg5[%select_n3A, %dma_start3A_270] : memref<8192x128xf32, #tpu.memory_space<hbm>> -> memref<1x64xf32, #tpu.memory_space<hbm>>
      %dma_start3A_272 = tpu.memref_squeeze %dma_start3A_271 : memref<1x64xf32, #tpu.memory_space<hbm>> -> memref<64xf32, #tpu.memory_space<hbm>>
      %dma_start3A_273 = arith.constant 0 : i32
      %dma_start3A_274 = tpu.memref_slice %arg8[%dma_start3A_263, %dma_start3A_273] : memref<4x64xf32, #tpu.memory_space<vmem>> -> memref<1x64xf32, #tpu.memory_space<vmem>>
      %dma_start3A_275 = tpu.memref_squeeze %dma_start3A_274 : memref<1x64xf32, #tpu.memory_space<vmem>> -> memref<64xf32, #tpu.memory_space<vmem>>
      tpu.enqueue_dma source(%dma_start3A_275 : memref<64xf32, #tpu.memory_space<vmem>>) target(%dma_start3A_272 : memref<64xf32, #tpu.memory_space<hbm>>) target_semaphore(%arg12 : memref<!tpu.dma_semaphore, #tpu.memory_space<semaphore_mem>>)
      %add3A_276 = arith.constant 1 : i32
      %add3A_277 = arith.addi %mul3A_186, %add3A_276 : i32
      %add3A_278 = arith.constant 2 : i32
      %add3A_279 = arith.addi %add3A_277, %add3A_278 : i32
      %lt3A_280 = arith.constant 512 : i32
      %lt3A_281 = arith.cmpi slt, %add3A_279, %lt3A_280 : i32
      %convert_element_type3A_282 = arith.extui %lt3A_281 : i1 to i32
      %cond3A_283 = arith.constant 0 : i32
      %cond3A_284 = arith.cmpi ne, %convert_element_type3A_282, %cond3A_283 : i32
      scf.if %cond3A_284 {
        %dma_wait3A_588 = arith.constant 3 : i32
        %dma_wait3A_589 = arith.constant 0 : i32
        %dma_wait3A_590 = tpu.memref_slice %arg6[%dma_wait3A_588, %dma_wait3A_589] : memref<4x200xi32, #tpu.memory_space<vmem>> -> memref<1x200xi32, #tpu.memory_space<vmem>>
        %dma_wait3A_591 = tpu.memref_squeeze %dma_wait3A_590 : memref<1x200xi32, #tpu.memory_space<vmem>> -> memref<200xi32, #tpu.memory_space<vmem>>
        %dma_wait3A_592 = arith.constant 0 : i32
        %dma_wait3A_593 = tpu.memref_slice %arg2[%dma_wait3A_592] : memref<3276800xi32, #tpu.memory_space<hbm>> -> memref<200xi32, #tpu.memory_space<hbm>>
        %dma_wait3A_594 = arith.constant 0 : i32
        %dma_wait3A_595 = tpu.memref_slice %arg6[%dma_wait3A_588, %dma_wait3A_594] : memref<4x200xi32, #tpu.memory_space<vmem>> -> memref<1x200xi32, #tpu.memory_space<vmem>>
        %dma_wait3A_596 = tpu.memref_squeeze %dma_wait3A_595 : memref<1x200xi32, #tpu.memory_space<vmem>> -> memref<200xi32, #tpu.memory_space<vmem>>
        %dma_wait3A_597 = arith.constant 0 : i32
        %dma_wait3A_598 = tpu.memref_slice %arg2[%dma_wait3A_597] : memref<3276800xi32, #tpu.memory_space<hbm>> -> memref<200xi32, #tpu.memory_space<hbm>>
        tpu.wait_dma2 semaphore(%arg10 : memref<!tpu.dma_semaphore, #tpu.memory_space<semaphore_mem>>) src(%dma_wait3A_598 : memref<200xi32, #tpu.memory_space<hbm>>) dst(%dma_wait3A_596 : memref<200xi32, #tpu.memory_space<vmem>>)
        %dma_start3A_599 = arith.constant 3 : i32
        %dma_start3A_600 = arith.constant 3 : i32
        %dma_start3A_601 = arith.constant 0 : i32
        %dma_start3A_602 = arith.constant 0 : i32
        %dma_start3A_603 = tpu.memref_slice %arg7[%dma_start3A_600, %dma_start3A_601, %dma_start3A_602] : memref<4x200x64xbf16, #tpu.memory_space<vmem>> -> memref<1x104x64xbf16, #tpu.memory_space<vmem>>
        %dma_start3A_604 = tpu.memref_squeeze %dma_start3A_603 : memref<1x104x64xbf16, #tpu.memory_space<vmem>> -> memref<104x64xbf16, #tpu.memory_space<vmem>>
        %dma_start3A_605 = arith.constant 0 : i32
        %dma_start3A_606 = tpu.memref_slice %arg6[%dma_start3A_599, %dma_start3A_605] : memref<4x200xi32, #tpu.memory_space<vmem>> -> memref<1x104xi32, #tpu.memory_space<vmem>>
        %dma_start3A_607 = tpu.memref_squeeze %dma_start3A_606 : memref<1x104xi32, #tpu.memory_space<vmem>> -> memref<104xi32, #tpu.memory_space<vmem>>
        %dma_start3A_608 = arith.constant 0 : i32
        %dma_start3A_609 = arith.constant 0 : i32
        %dma_start3A_610 = tpu.memref_slice %arg3[%dma_start3A_608, %dma_start3A_609] : memref<100000x64xbf16, #tpu.memory_space<hbm>> -> memref<100000x64xbf16, #tpu.memory_space<hbm>>
        tpu.enqueue_indirect_dma source(%dma_start3A_610 : memref<100000x64xbf16, #tpu.memory_space<hbm>>) target(%dma_start3A_604 : memref<104x64xbf16, #tpu.memory_space<vmem>>) offsets(%dma_start3A_607 : memref<104xi32, #tpu.memory_space<vmem>>) semaphore(%arg11 : memref<!tpu.dma_semaphore, #tpu.memory_space<semaphore_mem>>)
        %dma_start3A_611 = arith.constant 3 : i32
        %dma_start3A_612 = arith.constant 3 : i32
        %dma_start3A_613 = arith.constant 104 : i32
        %dma_start3A_614 = arith.constant 0 : i32
        %dma_start3A_615 = tpu.memref_slice %arg7[%dma_start3A_612, %dma_start3A_613, %dma_start3A_614] : memref<4x200x64xbf16, #tpu.memory_space<vmem>> -> memref<1x96x64xbf16, #tpu.memory_space<vmem>>
        %dma_start3A_616 = tpu.memref_squeeze %dma_start3A_615 : memref<1x96x64xbf16, #tpu.memory_space<vmem>> -> memref<96x64xbf16, #tpu.memory_space<vmem>>
        %dma_start3A_617 = arith.constant 104 : i32
        %dma_start3A_618 = tpu.memref_slice %arg6[%dma_start3A_611, %dma_start3A_617] : memref<4x200xi32, #tpu.memory_space<vmem>> -> memref<1x96xi32, #tpu.memory_space<vmem>>
        %dma_start3A_619 = tpu.memref_squeeze %dma_start3A_618 : memref<1x96xi32, #tpu.memory_space<vmem>> -> memref<96xi32, #tpu.memory_space<vmem>>
        %dma_start3A_620 = arith.constant 0 : i32
        %dma_start3A_621 = arith.constant 0 : i32
        %dma_start3A_622 = tpu.memref_slice %arg3[%dma_start3A_620, %dma_start3A_621] : memref<100000x64xbf16, #tpu.memory_space<hbm>> -> memref<100000x64xbf16, #tpu.memory_space<hbm>>
        tpu.enqueue_indirect_dma source(%dma_start3A_622 : memref<100000x64xbf16, #tpu.memory_space<hbm>>) target(%dma_start3A_616 : memref<96x64xbf16, #tpu.memory_space<vmem>>) offsets(%dma_start3A_619 : memref<96xi32, #tpu.memory_space<vmem>>) semaphore(%arg11 : memref<!tpu.dma_semaphore, #tpu.memory_space<semaphore_mem>>)
      } else {
      }
      %dma_wait3A_285 = arith.constant 1 : i32
      %dma_wait3A_286 = arith.constant 0 : i32
      %dma_wait3A_287 = arith.constant 0 : i32
      %dma_wait3A_288 = tpu.memref_slice %arg7[%dma_wait3A_285, %dma_wait3A_286, %dma_wait3A_287] : memref<4x200x64xbf16, #tpu.memory_space<vmem>> -> memref<1x200x64xbf16, #tpu.memory_space<vmem>>
      %dma_wait3A_289 = tpu.memref_squeeze %dma_wait3A_288 : memref<1x200x64xbf16, #tpu.memory_space<vmem>> -> memref<200x64xbf16, #tpu.memory_space<vmem>>
      %dma_wait3A_290 = arith.constant 0 : i32
      %dma_wait3A_291 = arith.constant 0 : i32
      %dma_wait3A_292 = tpu.memref_slice %arg3[%dma_wait3A_290, %dma_wait3A_291] : memref<100000x64xbf16, #tpu.memory_space<hbm>> -> memref<200x64xbf16, #tpu.memory_space<hbm>>
      %dma_wait3A_293 = arith.constant 0 : i32
      %dma_wait3A_294 = arith.constant 0 : i32
      %dma_wait3A_295 = tpu.memref_slice %arg7[%dma_wait3A_285, %dma_wait3A_293, %dma_wait3A_294] : memref<4x200x64xbf16, #tpu.memory_space<vmem>> -> memref<1x200x64xbf16, #tpu.memory_space<vmem>>
      %dma_wait3A_296 = tpu.memref_squeeze %dma_wait3A_295 : memref<1x200x64xbf16, #tpu.memory_space<vmem>> -> memref<200x64xbf16, #tpu.memory_space<vmem>>
      %dma_wait3A_297 = arith.constant 0 : i32
      %dma_wait3A_298 = arith.constant 0 : i32
      %dma_wait3A_299 = tpu.memref_slice %arg3[%dma_wait3A_297, %dma_wait3A_298] : memref<100000x64xbf16, #tpu.memory_space<hbm>> -> memref<200x64xbf16, #tpu.memory_space<hbm>>
      tpu.wait_dma2 semaphore(%arg11 : memref<!tpu.dma_semaphore, #tpu.memory_space<semaphore_mem>>) src(%dma_wait3A_299 : memref<200x64xbf16, #tpu.memory_space<hbm>>) dst(%dma_wait3A_296 : memref<200x64xbf16, #tpu.memory_space<vmem>>)
      %add3A_300 = arith.constant 4 : i32
      %add3A_301 = arith.addi %add3A_277, %add3A_300 : i32
      %lt3A_302 = arith.constant 512 : i32
      %lt3A_303 = arith.cmpi slt, %add3A_301, %lt3A_302 : i32
      %convert_element_type3A_304 = arith.extui %lt3A_303 : i1 to i32
      %cond3A_305 = arith.constant 0 : i32
      %cond3A_306 = arith.cmpi ne, %convert_element_type3A_304, %cond3A_305 : i32
      scf.if %cond3A_306 {
        %add3A_588 = arith.constant 4 : i32
        %add3A_589 = arith.addi %add3A_277, %add3A_588 : i32
        %add3A_590 = arith.addi %mul3A_2, %add3A_589 : i32
        %mul3A_591 = arith.constant 200 : i32
        %mul3A_592 = arith.muli %add3A_590, %mul3A_591 : i32
        %dma_start3A_593 = arith.constant 1 : i32
        %dma_start3A_594 = arith.constant 0 : i32
        %dma_start3A_595 = tpu.memref_slice %arg6[%dma_start3A_593, %dma_start3A_594] : memref<4x200xi32, #tpu.memory_space<vmem>> -> memref<1x200xi32, #tpu.memory_space<vmem>>
        %dma_start3A_596 = tpu.memref_squeeze %dma_start3A_595 : memref<1x200xi32, #tpu.memory_space<vmem>> -> memref<200xi32, #tpu.memory_space<vmem>>
        %dma_start3A_597 = tpu.memref_slice %arg2[%mul3A_592] : memref<3276800xi32, #tpu.memory_space<hbm>> -> memref<200xi32, #tpu.memory_space<hbm>>
        %dma_start3A_598 = arith.constant 0 : i32
        %dma_start3A_599 = tpu.memref_slice %arg6[%dma_start3A_593, %dma_start3A_598] : memref<4x200xi32, #tpu.memory_space<vmem>> -> memref<1x200xi32, #tpu.memory_space<vmem>>
        %dma_start3A_600 = tpu.memref_squeeze %dma_start3A_599 : memref<1x200xi32, #tpu.memory_space<vmem>> -> memref<200xi32, #tpu.memory_space<vmem>>
        %dma_start3A_601 = tpu.memref_slice %arg2[%mul3A_592] : memref<3276800xi32, #tpu.memory_space<hbm>> -> memref<200xi32, #tpu.memory_space<hbm>>
        tpu.enqueue_dma source(%dma_start3A_601 : memref<200xi32, #tpu.memory_space<hbm>>) target(%dma_start3A_600 : memref<200xi32, #tpu.memory_space<vmem>>) target_semaphore(%arg10 : memref<!tpu.dma_semaphore, #tpu.memory_space<semaphore_mem>>)
      } else {
      }
      %broadcast_in_dim3A_307 = arith.constant 0.000000e+00 : f32
      %broadcast_in_dim3A_308 = vector.broadcast %broadcast_in_dim3A_307 : f32 to vector<16xf32>
      %scan3A_309 = arith.constant 0 : i32
      %scan3A_310 = arith.constant 25 : i32
      %scan3A_311 = arith.addi %scan3A_309, %scan3A_310 : i32
      %scan3A_312 = arith.constant 1 : i32
      %scan3A_313:4 = scf.for %scan3A_588 = %scan3A_309 to %scan3A_311 step %scan3A_312 iter_args(%scan3A_589 = %broadcast_in_dim3A_308, %scan3A_590 = %broadcast_in_dim3A_308, %scan3A_591 = %broadcast_in_dim3A_308, %scan3A_592 = %broadcast_in_dim3A_308) -> (vector<16xf32>, vector<16xf32>, vector<16xf32>, vector<16xf32>)  : i32 {
        %mul3A_593 = arith.constant 8 : i32
        %mul3A_594 = arith.muli %scan3A_588, %mul3A_593 : i32
        %add3A_595 = arith.constant 0 : i32
        %add3A_596 = arith.addi %mul3A_594, %add3A_595 : i32
        %get3A = arith.constant 1 : i32
        %get3A_597 = arith.index_cast %get3A : i32 to index
        %get3A_598 = arith.index_cast %add3A_596 : i32 to index
        %get3A_599 = arith.constant 0 : index
        %get3A_600 = tpu.vector_load %arg7[%get3A_597, %get3A_598, %get3A_599] {strides = array<i32>} : memref<4x200x64xbf16, #tpu.memory_space<vmem>>, vector<32xbf16>,
        %get3A_601 = arith.constant 1 : i32
        %get3A_602 = arith.index_cast %get3A_601 : i32 to index
        %get3A_603 = arith.index_cast %add3A_596 : i32 to index
        %get3A_604 = arith.constant 32 : index
        %get3A_605 = tpu.vector_load %arg7[%get3A_602, %get3A_603, %get3A_604] {strides = array<i32>} : memref<4x200x64xbf16, #tpu.memory_space<vmem>>, vector<32xbf16>,
        %unpack3A = tpu.unpack_subelements %get3A_600, 0 {pack_format = #tpu.pack_format<interleaved>} : vector<32xbf16> -> vector<16xf32>
        %unpack3A_606 = tpu.unpack_subelements %get3A_600, 1 {pack_format = #tpu.pack_format<interleaved>} : vector<32xbf16> -> vector<16xf32>
        %unpack3A_607 = tpu.unpack_subelements %get3A_605, 0 {pack_format = #tpu.pack_format<interleaved>} : vector<32xbf16> -> vector<16xf32>
        %unpack3A_608 = tpu.unpack_subelements %get3A_605, 1 {pack_format = #tpu.pack_format<interleaved>} : vector<32xbf16> -> vector<16xf32>
        %add3A_609 = arith.addf %scan3A_589, %unpack3A : vector<16xf32>
        %add3A_610 = arith.addf %scan3A_590, %unpack3A_606 : vector<16xf32>
        %add3A_611 = arith.addf %scan3A_591, %unpack3A_607 : vector<16xf32>
        %add3A_612 = arith.addf %scan3A_592, %unpack3A_608 : vector<16xf32>
        %mul3A_613 = arith.constant 8 : i32
        %mul3A_614 = arith.muli %scan3A_588, %mul3A_613 : i32
        %add3A_615 = arith.constant 1 : i32
        %add3A_616 = arith.addi %mul3A_614, %add3A_615 : i32
        %get3A_617 = arith.constant 1 : i32
        %get3A_618 = arith.index_cast %get3A_617 : i32 to index
        %get3A_619 = arith.index_cast %add3A_616 : i32 to index
        %get3A_620 = arith.constant 0 : index
        %get3A_621 = tpu.vector_load %arg7[%get3A_618, %get3A_619, %get3A_620] {strides = array<i32>} : memref<4x200x64xbf16, #tpu.memory_space<vmem>>, vector<32xbf16>,
        %get3A_622 = arith.constant 1 : i32
        %get3A_623 = arith.index_cast %get3A_622 : i32 to index
        %get3A_624 = arith.index_cast %add3A_616 : i32 to index
        %get3A_625 = arith.constant 32 : index
        %get3A_626 = tpu.vector_load %arg7[%get3A_623, %get3A_624, %get3A_625] {strides = array<i32>} : memref<4x200x64xbf16, #tpu.memory_space<vmem>>, vector<32xbf16>,
        %unpack3A_627 = tpu.unpack_subelements %get3A_621, 0 {pack_format = #tpu.pack_format<interleaved>} : vector<32xbf16> -> vector<16xf32>
        %unpack3A_628 = tpu.unpack_subelements %get3A_621, 1 {pack_format = #tpu.pack_format<interleaved>} : vector<32xbf16> -> vector<16xf32>
        %unpack3A_629 = tpu.unpack_subelements %get3A_626, 0 {pack_format = #tpu.pack_format<interleaved>} : vector<32xbf16> -> vector<16xf32>
        %unpack3A_630 = tpu.unpack_subelements %get3A_626, 1 {pack_format = #tpu.pack_format<interleaved>} : vector<32xbf16> -> vector<16xf32>
        %add3A_631 = arith.addf %add3A_609, %unpack3A_627 : vector<16xf32>
        %add3A_632 = arith.addf %add3A_610, %unpack3A_628 : vector<16xf32>
        %add3A_633 = arith.addf %add3A_611, %unpack3A_629 : vector<16xf32>
        %add3A_634 = arith.addf %add3A_612, %unpack3A_630 : vector<16xf32>
        %mul3A_635 = arith.constant 8 : i32
        %mul3A_636 = arith.muli %scan3A_588, %mul3A_635 : i32
        %add3A_637 = arith.constant 2 : i32
        %add3A_638 = arith.addi %mul3A_636, %add3A_637 : i32
        %get3A_639 = arith.constant 1 : i32
        %get3A_640 = arith.index_cast %get3A_639 : i32 to index
        %get3A_641 = arith.index_cast %add3A_638 : i32 to index
        %get3A_642 = arith.constant 0 : index
        %get3A_643 = tpu.vector_load %arg7[%get3A_640, %get3A_641, %get3A_642] {strides = array<i32>} : memref<4x200x64xbf16, #tpu.memory_space<vmem>>, vector<32xbf16>,
        %get3A_644 = arith.constant 1 : i32
        %get3A_645 = arith.index_cast %get3A_644 : i32 to index
        %get3A_646 = arith.index_cast %add3A_638 : i32 to index
        %get3A_647 = arith.constant 32 : index
        %get3A_648 = tpu.vector_load %arg7[%get3A_645, %get3A_646, %get3A_647] {strides = array<i32>} : memref<4x200x64xbf16, #tpu.memory_space<vmem>>, vector<32xbf16>,
        %unpack3A_649 = tpu.unpack_subelements %get3A_643, 0 {pack_format = #tpu.pack_format<interleaved>} : vector<32xbf16> -> vector<16xf32>
        %unpack3A_650 = tpu.unpack_subelements %get3A_643, 1 {pack_format = #tpu.pack_format<interleaved>} : vector<32xbf16> -> vector<16xf32>
        %unpack3A_651 = tpu.unpack_subelements %get3A_648, 0 {pack_format = #tpu.pack_format<interleaved>} : vector<32xbf16> -> vector<16xf32>
        %unpack3A_652 = tpu.unpack_subelements %get3A_648, 1 {pack_format = #tpu.pack_format<interleaved>} : vector<32xbf16> -> vector<16xf32>
        %add3A_653 = arith.addf %add3A_631, %unpack3A_649 : vector<16xf32>
        %add3A_654 = arith.addf %add3A_632, %unpack3A_650 : vector<16xf32>
        %add3A_655 = arith.addf %add3A_633, %unpack3A_651 : vector<16xf32>
        %add3A_656 = arith.addf %add3A_634, %unpack3A_652 : vector<16xf32>
        %mul3A_657 = arith.constant 8 : i32
        %mul3A_658 = arith.muli %scan3A_588, %mul3A_657 : i32
        %add3A_659 = arith.constant 3 : i32
        %add3A_660 = arith.addi %mul3A_658, %add3A_659 : i32
        %get3A_661 = arith.constant 1 : i32
        %get3A_662 = arith.index_cast %get3A_661 : i32 to index
        %get3A_663 = arith.index_cast %add3A_660 : i32 to index
        %get3A_664 = arith.constant 0 : index
        %get3A_665 = tpu.vector_load %arg7[%get3A_662, %get3A_663, %get3A_664] {strides = array<i32>} : memref<4x200x64xbf16, #tpu.memory_space<vmem>>, vector<32xbf16>,
        %get3A_666 = arith.constant 1 : i32
        %get3A_667 = arith.index_cast %get3A_666 : i32 to index
        %get3A_668 = arith.index_cast %add3A_660 : i32 to index
        %get3A_669 = arith.constant 32 : index
        %get3A_670 = tpu.vector_load %arg7[%get3A_667, %get3A_668, %get3A_669] {strides = array<i32>} : memref<4x200x64xbf16, #tpu.memory_space<vmem>>, vector<32xbf16>,
        %unpack3A_671 = tpu.unpack_subelements %get3A_665, 0 {pack_format = #tpu.pack_format<interleaved>} : vector<32xbf16> -> vector<16xf32>
        %unpack3A_672 = tpu.unpack_subelements %get3A_665, 1 {pack_format = #tpu.pack_format<interleaved>} : vector<32xbf16> -> vector<16xf32>
        %unpack3A_673 = tpu.unpack_subelements %get3A_670, 0 {pack_format = #tpu.pack_format<interleaved>} : vector<32xbf16> -> vector<16xf32>
        %unpack3A_674 = tpu.unpack_subelements %get3A_670, 1 {pack_format = #tpu.pack_format<interleaved>} : vector<32xbf16> -> vector<16xf32>
        %add3A_675 = arith.addf %add3A_653, %unpack3A_671 : vector<16xf32>
        %add3A_676 = arith.addf %add3A_654, %unpack3A_672 : vector<16xf32>
        %add3A_677 = arith.addf %add3A_655, %unpack3A_673 : vector<16xf32>
        %add3A_678 = arith.addf %add3A_656, %unpack3A_674 : vector<16xf32>
        %mul3A_679 = arith.constant 8 : i32
        %mul3A_680 = arith.muli %scan3A_588, %mul3A_679 : i32
        %add3A_681 = arith.constant 4 : i32
        %add3A_682 = arith.addi %mul3A_680, %add3A_681 : i32
        %get3A_683 = arith.constant 1 : i32
        %get3A_684 = arith.index_cast %get3A_683 : i32 to index
        %get3A_685 = arith.index_cast %add3A_682 : i32 to index
        %get3A_686 = arith.constant 0 : index
        %get3A_687 = tpu.vector_load %arg7[%get3A_684, %get3A_685, %get3A_686] {strides = array<i32>} : memref<4x200x64xbf16, #tpu.memory_space<vmem>>, vector<32xbf16>,
        %get3A_688 = arith.constant 1 : i32
        %get3A_689 = arith.index_cast %get3A_688 : i32 to index
        %get3A_690 = arith.index_cast %add3A_682 : i32 to index
        %get3A_691 = arith.constant 32 : index
        %get3A_692 = tpu.vector_load %arg7[%get3A_689, %get3A_690, %get3A_691] {strides = array<i32>} : memref<4x200x64xbf16, #tpu.memory_space<vmem>>, vector<32xbf16>,
        %unpack3A_693 = tpu.unpack_subelements %get3A_687, 0 {pack_format = #tpu.pack_format<interleaved>} : vector<32xbf16> -> vector<16xf32>
        %unpack3A_694 = tpu.unpack_subelements %get3A_687, 1 {pack_format = #tpu.pack_format<interleaved>} : vector<32xbf16> -> vector<16xf32>
        %unpack3A_695 = tpu.unpack_subelements %get3A_692, 0 {pack_format = #tpu.pack_format<interleaved>} : vector<32xbf16> -> vector<16xf32>
        %unpack3A_696 = tpu.unpack_subelements %get3A_692, 1 {pack_format = #tpu.pack_format<interleaved>} : vector<32xbf16> -> vector<16xf32>
        %add3A_697 = arith.addf %add3A_675, %unpack3A_693 : vector<16xf32>
        %add3A_698 = arith.addf %add3A_676, %unpack3A_694 : vector<16xf32>
        %add3A_699 = arith.addf %add3A_677, %unpack3A_695 : vector<16xf32>
        %add3A_700 = arith.addf %add3A_678, %unpack3A_696 : vector<16xf32>
        %mul3A_701 = arith.constant 8 : i32
        %mul3A_702 = arith.muli %scan3A_588, %mul3A_701 : i32
        %add3A_703 = arith.constant 5 : i32
        %add3A_704 = arith.addi %mul3A_702, %add3A_703 : i32
        %get3A_705 = arith.constant 1 : i32
        %get3A_706 = arith.index_cast %get3A_705 : i32 to index
        %get3A_707 = arith.index_cast %add3A_704 : i32 to index
        %get3A_708 = arith.constant 0 : index
        %get3A_709 = tpu.vector_load %arg7[%get3A_706, %get3A_707, %get3A_708] {strides = array<i32>} : memref<4x200x64xbf16, #tpu.memory_space<vmem>>, vector<32xbf16>,
        %get3A_710 = arith.constant 1 : i32
        %get3A_711 = arith.index_cast %get3A_710 : i32 to index
        %get3A_712 = arith.index_cast %add3A_704 : i32 to index
        %get3A_713 = arith.constant 32 : index
        %get3A_714 = tpu.vector_load %arg7[%get3A_711, %get3A_712, %get3A_713] {strides = array<i32>} : memref<4x200x64xbf16, #tpu.memory_space<vmem>>, vector<32xbf16>,
        %unpack3A_715 = tpu.unpack_subelements %get3A_709, 0 {pack_format = #tpu.pack_format<interleaved>} : vector<32xbf16> -> vector<16xf32>
        %unpack3A_716 = tpu.unpack_subelements %get3A_709, 1 {pack_format = #tpu.pack_format<interleaved>} : vector<32xbf16> -> vector<16xf32>
        %unpack3A_717 = tpu.unpack_subelements %get3A_714, 0 {pack_format = #tpu.pack_format<interleaved>} : vector<32xbf16> -> vector<16xf32>
        %unpack3A_718 = tpu.unpack_subelements %get3A_714, 1 {pack_format = #tpu.pack_format<interleaved>} : vector<32xbf16> -> vector<16xf32>
        %add3A_719 = arith.addf %add3A_697, %unpack3A_715 : vector<16xf32>
        %add3A_720 = arith.addf %add3A_698, %unpack3A_716 : vector<16xf32>
        %add3A_721 = arith.addf %add3A_699, %unpack3A_717 : vector<16xf32>
        %add3A_722 = arith.addf %add3A_700, %unpack3A_718 : vector<16xf32>
        %mul3A_723 = arith.constant 8 : i32
        %mul3A_724 = arith.muli %scan3A_588, %mul3A_723 : i32
        %add3A_725 = arith.constant 6 : i32
        %add3A_726 = arith.addi %mul3A_724, %add3A_725 : i32
        %get3A_727 = arith.constant 1 : i32
        %get3A_728 = arith.index_cast %get3A_727 : i32 to index
        %get3A_729 = arith.index_cast %add3A_726 : i32 to index
        %get3A_730 = arith.constant 0 : index
        %get3A_731 = tpu.vector_load %arg7[%get3A_728, %get3A_729, %get3A_730] {strides = array<i32>} : memref<4x200x64xbf16, #tpu.memory_space<vmem>>, vector<32xbf16>,
        %get3A_732 = arith.constant 1 : i32
        %get3A_733 = arith.index_cast %get3A_732 : i32 to index
        %get3A_734 = arith.index_cast %add3A_726 : i32 to index
        %get3A_735 = arith.constant 32 : index
        %get3A_736 = tpu.vector_load %arg7[%get3A_733, %get3A_734, %get3A_735] {strides = array<i32>} : memref<4x200x64xbf16, #tpu.memory_space<vmem>>, vector<32xbf16>,
        %unpack3A_737 = tpu.unpack_subelements %get3A_731, 0 {pack_format = #tpu.pack_format<interleaved>} : vector<32xbf16> -> vector<16xf32>
        %unpack3A_738 = tpu.unpack_subelements %get3A_731, 1 {pack_format = #tpu.pack_format<interleaved>} : vector<32xbf16> -> vector<16xf32>
        %unpack3A_739 = tpu.unpack_subelements %get3A_736, 0 {pack_format = #tpu.pack_format<interleaved>} : vector<32xbf16> -> vector<16xf32>
        %unpack3A_740 = tpu.unpack_subelements %get3A_736, 1 {pack_format = #tpu.pack_format<interleaved>} : vector<32xbf16> -> vector<16xf32>
        %add3A_741 = arith.addf %add3A_719, %unpack3A_737 : vector<16xf32>
        %add3A_742 = arith.addf %add3A_720, %unpack3A_738 : vector<16xf32>
        %add3A_743 = arith.addf %add3A_721, %unpack3A_739 : vector<16xf32>
        %add3A_744 = arith.addf %add3A_722, %unpack3A_740 : vector<16xf32>
        %mul3A_745 = arith.constant 8 : i32
        %mul3A_746 = arith.muli %scan3A_588, %mul3A_745 : i32
        %add3A_747 = arith.constant 7 : i32
        %add3A_748 = arith.addi %mul3A_746, %add3A_747 : i32
        %get3A_749 = arith.constant 1 : i32
        %get3A_750 = arith.index_cast %get3A_749 : i32 to index
        %get3A_751 = arith.index_cast %add3A_748 : i32 to index
        %get3A_752 = arith.constant 0 : index
        %get3A_753 = tpu.vector_load %arg7[%get3A_750, %get3A_751, %get3A_752] {strides = array<i32>} : memref<4x200x64xbf16, #tpu.memory_space<vmem>>, vector<32xbf16>,
        %get3A_754 = arith.constant 1 : i32
        %get3A_755 = arith.index_cast %get3A_754 : i32 to index
        %get3A_756 = arith.index_cast %add3A_748 : i32 to index
        %get3A_757 = arith.constant 32 : index
        %get3A_758 = tpu.vector_load %arg7[%get3A_755, %get3A_756, %get3A_757] {strides = array<i32>} : memref<4x200x64xbf16, #tpu.memory_space<vmem>>, vector<32xbf16>,
        %unpack3A_759 = tpu.unpack_subelements %get3A_753, 0 {pack_format = #tpu.pack_format<interleaved>} : vector<32xbf16> -> vector<16xf32>
        %unpack3A_760 = tpu.unpack_subelements %get3A_753, 1 {pack_format = #tpu.pack_format<interleaved>} : vector<32xbf16> -> vector<16xf32>
        %unpack3A_761 = tpu.unpack_subelements %get3A_758, 0 {pack_format = #tpu.pack_format<interleaved>} : vector<32xbf16> -> vector<16xf32>
        %unpack3A_762 = tpu.unpack_subelements %get3A_758, 1 {pack_format = #tpu.pack_format<interleaved>} : vector<32xbf16> -> vector<16xf32>
        %add3A_763 = arith.addf %add3A_741, %unpack3A_759 : vector<16xf32>
        %add3A_764 = arith.addf %add3A_742, %unpack3A_760 : vector<16xf32>
        %add3A_765 = arith.addf %add3A_743, %unpack3A_761 : vector<16xf32>
        %add3A_766 = arith.addf %add3A_744, %unpack3A_762 : vector<16xf32>
        scf.yield %add3A_763, %add3A_764, %add3A_765, %add3A_766 : vector<16xf32>, vector<16xf32>, vector<16xf32>, vector<16xf32>
      }
      %scan3A_314 = arith.constant 25 : i32
      %broadcast_in_dim3A_315 = vector.broadcast %add3A_277 : i32 to vector<16xi32>
      %gather3A_316 = tpu.vector_load_idx %arg9[%broadcast_in_dim3A_315] : memref<512xf32, #tpu.memory_space<vmem>>[vector<16xi32>], vector<16xf32>,
      %ge3A_317 = arith.constant 4 : i32
      %ge3A_318 = arith.cmpi sge, %add3A_277, %ge3A_317 : i32
      %convert_element_type3A_319 = arith.extui %ge3A_318 : i1 to i32
      %cond3A_320 = arith.constant 0 : i32
      %cond3A_321 = arith.cmpi ne, %convert_element_type3A_319, %cond3A_320 : i32
      scf.if %cond3A_321 {
        %dma_wait3A_588 = arith.constant 1 : i32
        %dma_wait3A_589 = arith.constant 0 : i32
        %dma_wait3A_590 = arith.constant 0 : i32
        %dma_wait3A_591 = tpu.memref_slice %arg8[%dma_wait3A_588, %dma_wait3A_590] : memref<4x64xf32, #tpu.memory_space<vmem>> -> memref<1x64xf32, #tpu.memory_space<vmem>>
        %dma_wait3A_592 = tpu.memref_squeeze %dma_wait3A_591 : memref<1x64xf32, #tpu.memory_space<vmem>> -> memref<64xf32, #tpu.memory_space<vmem>>
        %dma_wait3A_593 = arith.constant 0 : i32
        %dma_wait3A_594 = tpu.memref_slice %arg5[%dma_wait3A_589, %dma_wait3A_593] : memref<8192x128xf32, #tpu.memory_space<hbm>> -> memref<1x64xf32, #tpu.memory_space<hbm>>
        %dma_wait3A_595 = tpu.memref_squeeze %dma_wait3A_594 : memref<1x64xf32, #tpu.memory_space<hbm>> -> memref<64xf32, #tpu.memory_space<hbm>>
        %dma_wait3A_596 = arith.constant 0 : i32
        %dma_wait3A_597 = tpu.memref_slice %arg5[%dma_wait3A_589, %dma_wait3A_596] : memref<8192x128xf32, #tpu.memory_space<hbm>> -> memref<1x64xf32, #tpu.memory_space<hbm>>
        %dma_wait3A_598 = tpu.memref_squeeze %dma_wait3A_597 : memref<1x64xf32, #tpu.memory_space<hbm>> -> memref<64xf32, #tpu.memory_space<hbm>>
        %dma_wait3A_599 = arith.constant 0 : i32
        %dma_wait3A_600 = tpu.memref_slice %arg8[%dma_wait3A_588, %dma_wait3A_599] : memref<4x64xf32, #tpu.memory_space<vmem>> -> memref<1x64xf32, #tpu.memory_space<vmem>>
        %dma_wait3A_601 = tpu.memref_squeeze %dma_wait3A_600 : memref<1x64xf32, #tpu.memory_space<vmem>> -> memref<64xf32, #tpu.memory_space<vmem>>
        tpu.wait_dma2 semaphore(%arg12 : memref<!tpu.dma_semaphore, #tpu.memory_space<semaphore_mem>>) src(%dma_wait3A_601 : memref<64xf32, #tpu.memory_space<vmem>>) dst(%dma_wait3A_598 : memref<64xf32, #tpu.memory_space<hbm>>)
      } else {
      }
      %mul3A_322 = arith.mulf %scan3A_313#0, %gather3A_316 : vector<16xf32>
      %swap3A_323 = arith.constant 1 : i32
      %swap3A_324 = arith.index_cast %swap3A_323 : i32 to index
      %swap3A_325 = arith.constant 0 : index
      %swap3A_326 = tpu.vector_load %arg8[%swap3A_324, %swap3A_325] {strides = array<i32>} : memref<4x64xf32, #tpu.memory_space<vmem>>, vector<16xf32>,
      tpu.vector_store %arg8[%swap3A_324, %swap3A_325], %mul3A_322 {strides = array<i32>} : memref<4x64xf32, #tpu.memory_space<vmem>>, vector<16xf32>,
      %mul3A_327 = arith.mulf %scan3A_313#1, %gather3A_316 : vector<16xf32>
      %swap3A_328 = arith.constant 1 : i32
      %swap3A_329 = arith.index_cast %swap3A_328 : i32 to index
      %swap3A_330 = arith.constant 16 : index
      %swap3A_331 = tpu.vector_load %arg8[%swap3A_329, %swap3A_330] {strides = array<i32>} : memref<4x64xf32, #tpu.memory_space<vmem>>, vector<16xf32>,
      tpu.vector_store %arg8[%swap3A_329, %swap3A_330], %mul3A_327 {strides = array<i32>} : memref<4x64xf32, #tpu.memory_space<vmem>>, vector<16xf32>,
      %mul3A_332 = arith.mulf %scan3A_313#2, %gather3A_316 : vector<16xf32>
      %swap3A_333 = arith.constant 1 : i32
      %swap3A_334 = arith.index_cast %swap3A_333 : i32 to index
      %swap3A_335 = arith.constant 32 : index
      %swap3A_336 = tpu.vector_load %arg8[%swap3A_334, %swap3A_335] {strides = array<i32>} : memref<4x64xf32, #tpu.memory_space<vmem>>, vector<16xf32>,
      tpu.vector_store %arg8[%swap3A_334, %swap3A_335], %mul3A_332 {strides = array<i32>} : memref<4x64xf32, #tpu.memory_space<vmem>>, vector<16xf32>,
      %mul3A_337 = arith.mulf %scan3A_313#3, %gather3A_316 : vector<16xf32>
      %swap3A_338 = arith.constant 1 : i32
      %swap3A_339 = arith.index_cast %swap3A_338 : i32 to index
      %swap3A_340 = arith.constant 48 : index
      %swap3A_341 = tpu.vector_load %arg8[%swap3A_339, %swap3A_340] {strides = array<i32>} : memref<4x64xf32, #tpu.memory_space<vmem>>, vector<16xf32>,
      tpu.vector_store %arg8[%swap3A_339, %swap3A_340], %mul3A_337 {strides = array<i32>} : memref<4x64xf32, #tpu.memory_space<vmem>>, vector<16xf32>,
      %add3A_342 = arith.addi %mul3A_2, %add3A_277 : i32
      %jit3A_343 = arith.constant 2 : i32
      %div3A_344 = arith.divsi %add3A_342, %jit3A_343 : i32
      %sign3A_345 = arith.constant 0 : i32
      %sign3A_346 = arith.cmpi sgt, %add3A_342, %sign3A_345 : i32
      %sign3A_347 = arith.extui %sign3A_346 : i1 to i32
      %sign3A_348 = arith.constant 0 : i32
      %sign3A_349 = arith.cmpi slt, %add3A_342, %sign3A_348 : i32
      %sign3A_350 = arith.extui %sign3A_349 : i1 to i32
      %sign3A_351 = arith.subi %sign3A_347, %sign3A_350 : i32
      %sign3A_352 = arith.constant 0 : i32
      %sign3A_353 = arith.cmpi sgt, %jit3A_343, %sign3A_352 : i32
      %sign3A_354 = arith.extui %sign3A_353 : i1 to i32
      %sign3A_355 = arith.constant 0 : i32
      %sign3A_356 = arith.cmpi slt, %jit3A_343, %sign3A_355 : i32
      %sign3A_357 = arith.extui %sign3A_356 : i1 to i32
      %sign3A_358 = arith.subi %sign3A_354, %sign3A_357 : i32
      %ne3A_359 = arith.cmpi ne, %sign3A_351, %sign3A_358 : i32
      %rem3A_360 = arith.remsi %add3A_342, %jit3A_343 : i32
      %ne3A_361 = arith.constant 0 : i32
      %ne3A_362 = arith.cmpi ne, %rem3A_360, %ne3A_361 : i32
      %and3A_363 = arith.andi %ne3A_359, %ne3A_362 : i1
      %sub3A_364 = arith.constant 1 : i32
      %sub3A_365 = arith.subi %div3A_344, %sub3A_364 : i32
      %select_n3A_366 = arith.select %and3A_363, %sub3A_365, %div3A_344 : i32
      %dma_start3A_367 = arith.constant 1 : i32
      %dma_start3A_368 = arith.constant 0 : i32
      %dma_start3A_369 = tpu.memref_slice %arg8[%dma_start3A_367, %dma_start3A_368] : memref<4x64xf32, #tpu.memory_space<vmem>> -> memref<1x64xf32, #tpu.memory_space<vmem>>
      %dma_start3A_370 = tpu.memref_squeeze %dma_start3A_369 : memref<1x64xf32, #tpu.memory_space<vmem>> -> memref<64xf32, #tpu.memory_space<vmem>>
      %dma_start3A_371 = arith.constant 64 : i32
      %dma_start3A_372 = tpu.memref_slice %arg5[%select_n3A_366, %dma_start3A_371] : memref<8192x128xf32, #tpu.memory_space<hbm>> -> memref<1x64xf32, #tpu.memory_space<hbm>>
      %dma_start3A_373 = tpu.memref_squeeze %dma_start3A_372 : memref<1x64xf32, #tpu.memory_space<hbm>> -> memref<64xf32, #tpu.memory_space<hbm>>
      %dma_start3A_374 = arith.constant 64 : i32
      %dma_start3A_375 = tpu.memref_slice %arg5[%select_n3A_366, %dma_start3A_374] : memref<8192x128xf32, #tpu.memory_space<hbm>> -> memref<1x64xf32, #tpu.memory_space<hbm>>
      %dma_start3A_376 = tpu.memref_squeeze %dma_start3A_375 : memref<1x64xf32, #tpu.memory_space<hbm>> -> memref<64xf32, #tpu.memory_space<hbm>>
      %dma_start3A_377 = arith.constant 0 : i32
      %dma_start3A_378 = tpu.memref_slice %arg8[%dma_start3A_367, %dma_start3A_377] : memref<4x64xf32, #tpu.memory_space<vmem>> -> memref<1x64xf32, #tpu.memory_space<vmem>>
      %dma_start3A_379 = tpu.memref_squeeze %dma_start3A_378 : memref<1x64xf32, #tpu.memory_space<vmem>> -> memref<64xf32, #tpu.memory_space<vmem>>
      tpu.enqueue_dma source(%dma_start3A_379 : memref<64xf32, #tpu.memory_space<vmem>>) target(%dma_start3A_376 : memref<64xf32, #tpu.memory_space<hbm>>) target_semaphore(%arg12 : memref<!tpu.dma_semaphore, #tpu.memory_space<semaphore_mem>>)
      %add3A_380 = arith.constant 2 : i32
      %add3A_381 = arith.addi %mul3A_186, %add3A_380 : i32
      %add3A_382 = arith.constant 2 : i32
      %add3A_383 = arith.addi %add3A_381, %add3A_382 : i32
      %lt3A_384 = arith.constant 512 : i32
      %lt3A_385 = arith.cmpi slt, %add3A_383, %lt3A_384 : i32
      %convert_element_type3A_386 = arith.extui %lt3A_385 : i1 to i32
      %cond3A_387 = arith.constant 0 : i32
      %cond3A_388 = arith.cmpi ne, %convert_element_type3A_386, %cond3A_387 : i32
      scf.if %cond3A_388 {
        %dma_wait3A_588 = arith.constant 0 : i32
        %dma_wait3A_589 = arith.constant 0 : i32
        %dma_wait3A_590 = tpu.memref_slice %arg6[%dma_wait3A_588, %dma_wait3A_589] : memref<4x200xi32, #tpu.memory_space<vmem>> -> memref<1x200xi32, #tpu.memory_space<vmem>>
        %dma_wait3A_591 = tpu.memref_squeeze %dma_wait3A_590 : memref<1x200xi32, #tpu.memory_space<vmem>> -> memref<200xi32, #tpu.memory_space<vmem>>
        %dma_wait3A_592 = arith.constant 0 : i32
        %dma_wait3A_593 = tpu.memref_slice %arg2[%dma_wait3A_592] : memref<3276800xi32, #tpu.memory_space<hbm>> -> memref<200xi32, #tpu.memory_space<hbm>>
        %dma_wait3A_594 = arith.constant 0 : i32
        %dma_wait3A_595 = tpu.memref_slice %arg6[%dma_wait3A_588, %dma_wait3A_594] : memref<4x200xi32, #tpu.memory_space<vmem>> -> memref<1x200xi32, #tpu.memory_space<vmem>>
        %dma_wait3A_596 = tpu.memref_squeeze %dma_wait3A_595 : memref<1x200xi32, #tpu.memory_space<vmem>> -> memref<200xi32, #tpu.memory_space<vmem>>
        %dma_wait3A_597 = arith.constant 0 : i32
        %dma_wait3A_598 = tpu.memref_slice %arg2[%dma_wait3A_597] : memref<3276800xi32, #tpu.memory_space<hbm>> -> memref<200xi32, #tpu.memory_space<hbm>>
        tpu.wait_dma2 semaphore(%arg10 : memref<!tpu.dma_semaphore, #tpu.memory_space<semaphore_mem>>) src(%dma_wait3A_598 : memref<200xi32, #tpu.memory_space<hbm>>) dst(%dma_wait3A_596 : memref<200xi32, #tpu.memory_space<vmem>>)
        %dma_start3A_599 = arith.constant 0 : i32
        %dma_start3A_600 = arith.constant 0 : i32
        %dma_start3A_601 = arith.constant 0 : i32
        %dma_start3A_602 = arith.constant 0 : i32
        %dma_start3A_603 = tpu.memref_slice %arg7[%dma_start3A_600, %dma_start3A_601, %dma_start3A_602] : memref<4x200x64xbf16, #tpu.memory_space<vmem>> -> memref<1x104x64xbf16, #tpu.memory_space<vmem>>
        %dma_start3A_604 = tpu.memref_squeeze %dma_start3A_603 : memref<1x104x64xbf16, #tpu.memory_space<vmem>> -> memref<104x64xbf16, #tpu.memory_space<vmem>>
        %dma_start3A_605 = arith.constant 0 : i32
        %dma_start3A_606 = tpu.memref_slice %arg6[%dma_start3A_599, %dma_start3A_605] : memref<4x200xi32, #tpu.memory_space<vmem>> -> memref<1x104xi32, #tpu.memory_space<vmem>>
        %dma_start3A_607 = tpu.memref_squeeze %dma_start3A_606 : memref<1x104xi32, #tpu.memory_space<vmem>> -> memref<104xi32, #tpu.memory_space<vmem>>
        %dma_start3A_608 = arith.constant 0 : i32
        %dma_start3A_609 = arith.constant 0 : i32
        %dma_start3A_610 = tpu.memref_slice %arg3[%dma_start3A_608, %dma_start3A_609] : memref<100000x64xbf16, #tpu.memory_space<hbm>> -> memref<100000x64xbf16, #tpu.memory_space<hbm>>
        tpu.enqueue_indirect_dma source(%dma_start3A_610 : memref<100000x64xbf16, #tpu.memory_space<hbm>>) target(%dma_start3A_604 : memref<104x64xbf16, #tpu.memory_space<vmem>>) offsets(%dma_start3A_607 : memref<104xi32, #tpu.memory_space<vmem>>) semaphore(%arg11 : memref<!tpu.dma_semaphore, #tpu.memory_space<semaphore_mem>>)
        %dma_start3A_611 = arith.constant 0 : i32
        %dma_start3A_612 = arith.constant 0 : i32
        %dma_start3A_613 = arith.constant 104 : i32
        %dma_start3A_614 = arith.constant 0 : i32
        %dma_start3A_615 = tpu.memref_slice %arg7[%dma_start3A_612, %dma_start3A_613, %dma_start3A_614] : memref<4x200x64xbf16, #tpu.memory_space<vmem>> -> memref<1x96x64xbf16, #tpu.memory_space<vmem>>
        %dma_start3A_616 = tpu.memref_squeeze %dma_start3A_615 : memref<1x96x64xbf16, #tpu.memory_space<vmem>> -> memref<96x64xbf16, #tpu.memory_space<vmem>>
        %dma_start3A_617 = arith.constant 104 : i32
        %dma_start3A_618 = tpu.memref_slice %arg6[%dma_start3A_611, %dma_start3A_617] : memref<4x200xi32, #tpu.memory_space<vmem>> -> memref<1x96xi32, #tpu.memory_space<vmem>>
        %dma_start3A_619 = tpu.memref_squeeze %dma_start3A_618 : memref<1x96xi32, #tpu.memory_space<vmem>> -> memref<96xi32, #tpu.memory_space<vmem>>
        %dma_start3A_620 = arith.constant 0 : i32
        %dma_start3A_621 = arith.constant 0 : i32
        %dma_start3A_622 = tpu.memref_slice %arg3[%dma_start3A_620, %dma_start3A_621] : memref<100000x64xbf16, #tpu.memory_space<hbm>> -> memref<100000x64xbf16, #tpu.memory_space<hbm>>
        tpu.enqueue_indirect_dma source(%dma_start3A_622 : memref<100000x64xbf16, #tpu.memory_space<hbm>>) target(%dma_start3A_616 : memref<96x64xbf16, #tpu.memory_space<vmem>>) offsets(%dma_start3A_619 : memref<96xi32, #tpu.memory_space<vmem>>) semaphore(%arg11 : memref<!tpu.dma_semaphore, #tpu.memory_space<semaphore_mem>>)
      } else {
      }
      %dma_wait3A_389 = arith.constant 2 : i32
      %dma_wait3A_390 = arith.constant 0 : i32
      %dma_wait3A_391 = arith.constant 0 : i32
      %dma_wait3A_392 = tpu.memref_slice %arg7[%dma_wait3A_389, %dma_wait3A_390, %dma_wait3A_391] : memref<4x200x64xbf16, #tpu.memory_space<vmem>> -> memref<1x200x64xbf16, #tpu.memory_space<vmem>>
      %dma_wait3A_393 = tpu.memref_squeeze %dma_wait3A_392 : memref<1x200x64xbf16, #tpu.memory_space<vmem>> -> memref<200x64xbf16, #tpu.memory_space<vmem>>
      %dma_wait3A_394 = arith.constant 0 : i32
      %dma_wait3A_395 = arith.constant 0 : i32
      %dma_wait3A_396 = tpu.memref_slice %arg3[%dma_wait3A_394, %dma_wait3A_395] : memref<100000x64xbf16, #tpu.memory_space<hbm>> -> memref<200x64xbf16, #tpu.memory_space<hbm>>
      %dma_wait3A_397 = arith.constant 0 : i32
      %dma_wait3A_398 = arith.constant 0 : i32
      %dma_wait3A_399 = tpu.memref_slice %arg7[%dma_wait3A_389, %dma_wait3A_397, %dma_wait3A_398] : memref<4x200x64xbf16, #tpu.memory_space<vmem>> -> memref<1x200x64xbf16, #tpu.memory_space<vmem>>
      %dma_wait3A_400 = tpu.memref_squeeze %dma_wait3A_399 : memref<1x200x64xbf16, #tpu.memory_space<vmem>> -> memref<200x64xbf16, #tpu.memory_space<vmem>>
      %dma_wait3A_401 = arith.constant 0 : i32
      %dma_wait3A_402 = arith.constant 0 : i32
      %dma_wait3A_403 = tpu.memref_slice %arg3[%dma_wait3A_401, %dma_wait3A_402] : memref<100000x64xbf16, #tpu.memory_space<hbm>> -> memref<200x64xbf16, #tpu.memory_space<hbm>>
      tpu.wait_dma2 semaphore(%arg11 : memref<!tpu.dma_semaphore, #tpu.memory_space<semaphore_mem>>) src(%dma_wait3A_403 : memref<200x64xbf16, #tpu.memory_space<hbm>>) dst(%dma_wait3A_400 : memref<200x64xbf16, #tpu.memory_space<vmem>>)
      %add3A_404 = arith.constant 4 : i32
      %add3A_405 = arith.addi %add3A_381, %add3A_404 : i32
      %lt3A_406 = arith.constant 512 : i32
      %lt3A_407 = arith.cmpi slt, %add3A_405, %lt3A_406 : i32
      %convert_element_type3A_408 = arith.extui %lt3A_407 : i1 to i32
      %cond3A_409 = arith.constant 0 : i32
      %cond3A_410 = arith.cmpi ne, %convert_element_type3A_408, %cond3A_409 : i32
      scf.if %cond3A_410 {
        %add3A_588 = arith.constant 4 : i32
        %add3A_589 = arith.addi %add3A_381, %add3A_588 : i32
        %add3A_590 = arith.addi %mul3A_2, %add3A_589 : i32
        %mul3A_591 = arith.constant 200 : i32
        %mul3A_592 = arith.muli %add3A_590, %mul3A_591 : i32
        %dma_start3A_593 = arith.constant 2 : i32
        %dma_start3A_594 = arith.constant 0 : i32
        %dma_start3A_595 = tpu.memref_slice %arg6[%dma_start3A_593, %dma_start3A_594] : memref<4x200xi32, #tpu.memory_space<vmem>> -> memref<1x200xi32, #tpu.memory_space<vmem>>
        %dma_start3A_596 = tpu.memref_squeeze %dma_start3A_595 : memref<1x200xi32, #tpu.memory_space<vmem>> -> memref<200xi32, #tpu.memory_space<vmem>>
        %dma_start3A_597 = tpu.memref_slice %arg2[%mul3A_592] : memref<3276800xi32, #tpu.memory_space<hbm>> -> memref<200xi32, #tpu.memory_space<hbm>>
        %dma_start3A_598 = arith.constant 0 : i32
        %dma_start3A_599 = tpu.memref_slice %arg6[%dma_start3A_593, %dma_start3A_598] : memref<4x200xi32, #tpu.memory_space<vmem>> -> memref<1x200xi32, #tpu.memory_space<vmem>>
        %dma_start3A_600 = tpu.memref_squeeze %dma_start3A_599 : memref<1x200xi32, #tpu.memory_space<vmem>> -> memref<200xi32, #tpu.memory_space<vmem>>
        %dma_start3A_601 = tpu.memref_slice %arg2[%mul3A_592] : memref<3276800xi32, #tpu.memory_space<hbm>> -> memref<200xi32, #tpu.memory_space<hbm>>
        tpu.enqueue_dma source(%dma_start3A_601 : memref<200xi32, #tpu.memory_space<hbm>>) target(%dma_start3A_600 : memref<200xi32, #tpu.memory_space<vmem>>) target_semaphore(%arg10 : memref<!tpu.dma_semaphore, #tpu.memory_space<semaphore_mem>>)
      } else {
      }
      %broadcast_in_dim3A_411 = arith.constant 0.000000e+00 : f32
      %broadcast_in_dim3A_412 = vector.broadcast %broadcast_in_dim3A_411 : f32 to vector<16xf32>
      %scan3A_413 = arith.constant 0 : i32
      %scan3A_414 = arith.constant 25 : i32
      %scan3A_415 = arith.addi %scan3A_413, %scan3A_414 : i32
      %scan3A_416 = arith.constant 1 : i32
      %scan3A_417:4 = scf.for %scan3A_588 = %scan3A_413 to %scan3A_415 step %scan3A_416 iter_args(%scan3A_589 = %broadcast_in_dim3A_412, %scan3A_590 = %broadcast_in_dim3A_412, %scan3A_591 = %broadcast_in_dim3A_412, %scan3A_592 = %broadcast_in_dim3A_412) -> (vector<16xf32>, vector<16xf32>, vector<16xf32>, vector<16xf32>)  : i32 {
        %mul3A_593 = arith.constant 8 : i32
        %mul3A_594 = arith.muli %scan3A_588, %mul3A_593 : i32
        %add3A_595 = arith.constant 0 : i32
        %add3A_596 = arith.addi %mul3A_594, %add3A_595 : i32
        %get3A = arith.constant 2 : i32
        %get3A_597 = arith.index_cast %get3A : i32 to index
        %get3A_598 = arith.index_cast %add3A_596 : i32 to index
        %get3A_599 = arith.constant 0 : index
        %get3A_600 = tpu.vector_load %arg7[%get3A_597, %get3A_598, %get3A_599] {strides = array<i32>} : memref<4x200x64xbf16, #tpu.memory_space<vmem>>, vector<32xbf16>,
        %get3A_601 = arith.constant 2 : i32
        %get3A_602 = arith.index_cast %get3A_601 : i32 to index
        %get3A_603 = arith.index_cast %add3A_596 : i32 to index
        %get3A_604 = arith.constant 32 : index
        %get3A_605 = tpu.vector_load %arg7[%get3A_602, %get3A_603, %get3A_604] {strides = array<i32>} : memref<4x200x64xbf16, #tpu.memory_space<vmem>>, vector<32xbf16>,
        %unpack3A = tpu.unpack_subelements %get3A_600, 0 {pack_format = #tpu.pack_format<interleaved>} : vector<32xbf16> -> vector<16xf32>
        %unpack3A_606 = tpu.unpack_subelements %get3A_600, 1 {pack_format = #tpu.pack_format<interleaved>} : vector<32xbf16> -> vector<16xf32>
        %unpack3A_607 = tpu.unpack_subelements %get3A_605, 0 {pack_format = #tpu.pack_format<interleaved>} : vector<32xbf16> -> vector<16xf32>
        %unpack3A_608 = tpu.unpack_subelements %get3A_605, 1 {pack_format = #tpu.pack_format<interleaved>} : vector<32xbf16> -> vector<16xf32>
        %add3A_609 = arith.addf %scan3A_589, %unpack3A : vector<16xf32>
        %add3A_610 = arith.addf %scan3A_590, %unpack3A_606 : vector<16xf32>
        %add3A_611 = arith.addf %scan3A_591, %unpack3A_607 : vector<16xf32>
        %add3A_612 = arith.addf %scan3A_592, %unpack3A_608 : vector<16xf32>
        %mul3A_613 = arith.constant 8 : i32
        %mul3A_614 = arith.muli %scan3A_588, %mul3A_613 : i32
        %add3A_615 = arith.constant 1 : i32
        %add3A_616 = arith.addi %mul3A_614, %add3A_615 : i32
        %get3A_617 = arith.constant 2 : i32
        %get3A_618 = arith.index_cast %get3A_617 : i32 to index
        %get3A_619 = arith.index_cast %add3A_616 : i32 to index
        %get3A_620 = arith.constant 0 : index
        %get3A_621 = tpu.vector_load %arg7[%get3A_618, %get3A_619, %get3A_620] {strides = array<i32>} : memref<4x200x64xbf16, #tpu.memory_space<vmem>>, vector<32xbf16>,
        %get3A_622 = arith.constant 2 : i32
        %get3A_623 = arith.index_cast %get3A_622 : i32 to index
        %get3A_624 = arith.index_cast %add3A_616 : i32 to index
        %get3A_625 = arith.constant 32 : index
        %get3A_626 = tpu.vector_load %arg7[%get3A_623, %get3A_624, %get3A_625] {strides = array<i32>} : memref<4x200x64xbf16, #tpu.memory_space<vmem>>, vector<32xbf16>,
        %unpack3A_627 = tpu.unpack_subelements %get3A_621, 0 {pack_format = #tpu.pack_format<interleaved>} : vector<32xbf16> -> vector<16xf32>
        %unpack3A_628 = tpu.unpack_subelements %get3A_621, 1 {pack_format = #tpu.pack_format<interleaved>} : vector<32xbf16> -> vector<16xf32>
        %unpack3A_629 = tpu.unpack_subelements %get3A_626, 0 {pack_format = #tpu.pack_format<interleaved>} : vector<32xbf16> -> vector<16xf32>
        %unpack3A_630 = tpu.unpack_subelements %get3A_626, 1 {pack_format = #tpu.pack_format<interleaved>} : vector<32xbf16> -> vector<16xf32>
        %add3A_631 = arith.addf %add3A_609, %unpack3A_627 : vector<16xf32>
        %add3A_632 = arith.addf %add3A_610, %unpack3A_628 : vector<16xf32>
        %add3A_633 = arith.addf %add3A_611, %unpack3A_629 : vector<16xf32>
        %add3A_634 = arith.addf %add3A_612, %unpack3A_630 : vector<16xf32>
        %mul3A_635 = arith.constant 8 : i32
        %mul3A_636 = arith.muli %scan3A_588, %mul3A_635 : i32
        %add3A_637 = arith.constant 2 : i32
        %add3A_638 = arith.addi %mul3A_636, %add3A_637 : i32
        %get3A_639 = arith.constant 2 : i32
        %get3A_640 = arith.index_cast %get3A_639 : i32 to index
        %get3A_641 = arith.index_cast %add3A_638 : i32 to index
        %get3A_642 = arith.constant 0 : index
        %get3A_643 = tpu.vector_load %arg7[%get3A_640, %get3A_641, %get3A_642] {strides = array<i32>} : memref<4x200x64xbf16, #tpu.memory_space<vmem>>, vector<32xbf16>,
        %get3A_644 = arith.constant 2 : i32
        %get3A_645 = arith.index_cast %get3A_644 : i32 to index
        %get3A_646 = arith.index_cast %add3A_638 : i32 to index
        %get3A_647 = arith.constant 32 : index
        %get3A_648 = tpu.vector_load %arg7[%get3A_645, %get3A_646, %get3A_647] {strides = array<i32>} : memref<4x200x64xbf16, #tpu.memory_space<vmem>>, vector<32xbf16>,
        %unpack3A_649 = tpu.unpack_subelements %get3A_643, 0 {pack_format = #tpu.pack_format<interleaved>} : vector<32xbf16> -> vector<16xf32>
        %unpack3A_650 = tpu.unpack_subelements %get3A_643, 1 {pack_format = #tpu.pack_format<interleaved>} : vector<32xbf16> -> vector<16xf32>
        %unpack3A_651 = tpu.unpack_subelements %get3A_648, 0 {pack_format = #tpu.pack_format<interleaved>} : vector<32xbf16> -> vector<16xf32>
        %unpack3A_652 = tpu.unpack_subelements %get3A_648, 1 {pack_format = #tpu.pack_format<interleaved>} : vector<32xbf16> -> vector<16xf32>
        %add3A_653 = arith.addf %add3A_631, %unpack3A_649 : vector<16xf32>
        %add3A_654 = arith.addf %add3A_632, %unpack3A_650 : vector<16xf32>
        %add3A_655 = arith.addf %add3A_633, %unpack3A_651 : vector<16xf32>
        %add3A_656 = arith.addf %add3A_634, %unpack3A_652 : vector<16xf32>
        %mul3A_657 = arith.constant 8 : i32
        %mul3A_658 = arith.muli %scan3A_588, %mul3A_657 : i32
        %add3A_659 = arith.constant 3 : i32
        %add3A_660 = arith.addi %mul3A_658, %add3A_659 : i32
        %get3A_661 = arith.constant 2 : i32
        %get3A_662 = arith.index_cast %get3A_661 : i32 to index
        %get3A_663 = arith.index_cast %add3A_660 : i32 to index
        %get3A_664 = arith.constant 0 : index
        %get3A_665 = tpu.vector_load %arg7[%get3A_662, %get3A_663, %get3A_664] {strides = array<i32>} : memref<4x200x64xbf16, #tpu.memory_space<vmem>>, vector<32xbf16>,
        %get3A_666 = arith.constant 2 : i32
        %get3A_667 = arith.index_cast %get3A_666 : i32 to index
        %get3A_668 = arith.index_cast %add3A_660 : i32 to index
        %get3A_669 = arith.constant 32 : index
        %get3A_670 = tpu.vector_load %arg7[%get3A_667, %get3A_668, %get3A_669] {strides = array<i32>} : memref<4x200x64xbf16, #tpu.memory_space<vmem>>, vector<32xbf16>,
        %unpack3A_671 = tpu.unpack_subelements %get3A_665, 0 {pack_format = #tpu.pack_format<interleaved>} : vector<32xbf16> -> vector<16xf32>
        %unpack3A_672 = tpu.unpack_subelements %get3A_665, 1 {pack_format = #tpu.pack_format<interleaved>} : vector<32xbf16> -> vector<16xf32>
        %unpack3A_673 = tpu.unpack_subelements %get3A_670, 0 {pack_format = #tpu.pack_format<interleaved>} : vector<32xbf16> -> vector<16xf32>
        %unpack3A_674 = tpu.unpack_subelements %get3A_670, 1 {pack_format = #tpu.pack_format<interleaved>} : vector<32xbf16> -> vector<16xf32>
        %add3A_675 = arith.addf %add3A_653, %unpack3A_671 : vector<16xf32>
        %add3A_676 = arith.addf %add3A_654, %unpack3A_672 : vector<16xf32>
        %add3A_677 = arith.addf %add3A_655, %unpack3A_673 : vector<16xf32>
        %add3A_678 = arith.addf %add3A_656, %unpack3A_674 : vector<16xf32>
        %mul3A_679 = arith.constant 8 : i32
        %mul3A_680 = arith.muli %scan3A_588, %mul3A_679 : i32
        %add3A_681 = arith.constant 4 : i32
        %add3A_682 = arith.addi %mul3A_680, %add3A_681 : i32
        %get3A_683 = arith.constant 2 : i32
        %get3A_684 = arith.index_cast %get3A_683 : i32 to index
        %get3A_685 = arith.index_cast %add3A_682 : i32 to index
        %get3A_686 = arith.constant 0 : index
        %get3A_687 = tpu.vector_load %arg7[%get3A_684, %get3A_685, %get3A_686] {strides = array<i32>} : memref<4x200x64xbf16, #tpu.memory_space<vmem>>, vector<32xbf16>,
        %get3A_688 = arith.constant 2 : i32
        %get3A_689 = arith.index_cast %get3A_688 : i32 to index
        %get3A_690 = arith.index_cast %add3A_682 : i32 to index
        %get3A_691 = arith.constant 32 : index
        %get3A_692 = tpu.vector_load %arg7[%get3A_689, %get3A_690, %get3A_691] {strides = array<i32>} : memref<4x200x64xbf16, #tpu.memory_space<vmem>>, vector<32xbf16>,
        %unpack3A_693 = tpu.unpack_subelements %get3A_687, 0 {pack_format = #tpu.pack_format<interleaved>} : vector<32xbf16> -> vector<16xf32>
        %unpack3A_694 = tpu.unpack_subelements %get3A_687, 1 {pack_format = #tpu.pack_format<interleaved>} : vector<32xbf16> -> vector<16xf32>
        %unpack3A_695 = tpu.unpack_subelements %get3A_692, 0 {pack_format = #tpu.pack_format<interleaved>} : vector<32xbf16> -> vector<16xf32>
        %unpack3A_696 = tpu.unpack_subelements %get3A_692, 1 {pack_format = #tpu.pack_format<interleaved>} : vector<32xbf16> -> vector<16xf32>
        %add3A_697 = arith.addf %add3A_675, %unpack3A_693 : vector<16xf32>
        %add3A_698 = arith.addf %add3A_676, %unpack3A_694 : vector<16xf32>
        %add3A_699 = arith.addf %add3A_677, %unpack3A_695 : vector<16xf32>
        %add3A_700 = arith.addf %add3A_678, %unpack3A_696 : vector<16xf32>
        %mul3A_701 = arith.constant 8 : i32
        %mul3A_702 = arith.muli %scan3A_588, %mul3A_701 : i32
        %add3A_703 = arith.constant 5 : i32
        %add3A_704 = arith.addi %mul3A_702, %add3A_703 : i32
        %get3A_705 = arith.constant 2 : i32
        %get3A_706 = arith.index_cast %get3A_705 : i32 to index
        %get3A_707 = arith.index_cast %add3A_704 : i32 to index
        %get3A_708 = arith.constant 0 : index
        %get3A_709 = tpu.vector_load %arg7[%get3A_706, %get3A_707, %get3A_708] {strides = array<i32>} : memref<4x200x64xbf16, #tpu.memory_space<vmem>>, vector<32xbf16>,
        %get3A_710 = arith.constant 2 : i32
        %get3A_711 = arith.index_cast %get3A_710 : i32 to index
        %get3A_712 = arith.index_cast %add3A_704 : i32 to index
        %get3A_713 = arith.constant 32 : index
        %get3A_714 = tpu.vector_load %arg7[%get3A_711, %get3A_712, %get3A_713] {strides = array<i32>} : memref<4x200x64xbf16, #tpu.memory_space<vmem>>, vector<32xbf16>,
        %unpack3A_715 = tpu.unpack_subelements %get3A_709, 0 {pack_format = #tpu.pack_format<interleaved>} : vector<32xbf16> -> vector<16xf32>
        %unpack3A_716 = tpu.unpack_subelements %get3A_709, 1 {pack_format = #tpu.pack_format<interleaved>} : vector<32xbf16> -> vector<16xf32>
        %unpack3A_717 = tpu.unpack_subelements %get3A_714, 0 {pack_format = #tpu.pack_format<interleaved>} : vector<32xbf16> -> vector<16xf32>
        %unpack3A_718 = tpu.unpack_subelements %get3A_714, 1 {pack_format = #tpu.pack_format<interleaved>} : vector<32xbf16> -> vector<16xf32>
        %add3A_719 = arith.addf %add3A_697, %unpack3A_715 : vector<16xf32>
        %add3A_720 = arith.addf %add3A_698, %unpack3A_716 : vector<16xf32>
        %add3A_721 = arith.addf %add3A_699, %unpack3A_717 : vector<16xf32>
        %add3A_722 = arith.addf %add3A_700, %unpack3A_718 : vector<16xf32>
        %mul3A_723 = arith.constant 8 : i32
        %mul3A_724 = arith.muli %scan3A_588, %mul3A_723 : i32
        %add3A_725 = arith.constant 6 : i32
        %add3A_726 = arith.addi %mul3A_724, %add3A_725 : i32
        %get3A_727 = arith.constant 2 : i32
        %get3A_728 = arith.index_cast %get3A_727 : i32 to index
        %get3A_729 = arith.index_cast %add3A_726 : i32 to index
        %get3A_730 = arith.constant 0 : index
        %get3A_731 = tpu.vector_load %arg7[%get3A_728, %get3A_729, %get3A_730] {strides = array<i32>} : memref<4x200x64xbf16, #tpu.memory_space<vmem>>, vector<32xbf16>,
        %get3A_732 = arith.constant 2 : i32
        %get3A_733 = arith.index_cast %get3A_732 : i32 to index
        %get3A_734 = arith.index_cast %add3A_726 : i32 to index
        %get3A_735 = arith.constant 32 : index
        %get3A_736 = tpu.vector_load %arg7[%get3A_733, %get3A_734, %get3A_735] {strides = array<i32>} : memref<4x200x64xbf16, #tpu.memory_space<vmem>>, vector<32xbf16>,
        %unpack3A_737 = tpu.unpack_subelements %get3A_731, 0 {pack_format = #tpu.pack_format<interleaved>} : vector<32xbf16> -> vector<16xf32>
        %unpack3A_738 = tpu.unpack_subelements %get3A_731, 1 {pack_format = #tpu.pack_format<interleaved>} : vector<32xbf16> -> vector<16xf32>
        %unpack3A_739 = tpu.unpack_subelements %get3A_736, 0 {pack_format = #tpu.pack_format<interleaved>} : vector<32xbf16> -> vector<16xf32>
        %unpack3A_740 = tpu.unpack_subelements %get3A_736, 1 {pack_format = #tpu.pack_format<interleaved>} : vector<32xbf16> -> vector<16xf32>
        %add3A_741 = arith.addf %add3A_719, %unpack3A_737 : vector<16xf32>
        %add3A_742 = arith.addf %add3A_720, %unpack3A_738 : vector<16xf32>
        %add3A_743 = arith.addf %add3A_721, %unpack3A_739 : vector<16xf32>
        %add3A_744 = arith.addf %add3A_722, %unpack3A_740 : vector<16xf32>
        %mul3A_745 = arith.constant 8 : i32
        %mul3A_746 = arith.muli %scan3A_588, %mul3A_745 : i32
        %add3A_747 = arith.constant 7 : i32
        %add3A_748 = arith.addi %mul3A_746, %add3A_747 : i32
        %get3A_749 = arith.constant 2 : i32
        %get3A_750 = arith.index_cast %get3A_749 : i32 to index
        %get3A_751 = arith.index_cast %add3A_748 : i32 to index
        %get3A_752 = arith.constant 0 : index
        %get3A_753 = tpu.vector_load %arg7[%get3A_750, %get3A_751, %get3A_752] {strides = array<i32>} : memref<4x200x64xbf16, #tpu.memory_space<vmem>>, vector<32xbf16>,
        %get3A_754 = arith.constant 2 : i32
        %get3A_755 = arith.index_cast %get3A_754 : i32 to index
        %get3A_756 = arith.index_cast %add3A_748 : i32 to index
        %get3A_757 = arith.constant 32 : index
        %get3A_758 = tpu.vector_load %arg7[%get3A_755, %get3A_756, %get3A_757] {strides = array<i32>} : memref<4x200x64xbf16, #tpu.memory_space<vmem>>, vector<32xbf16>,
        %unpack3A_759 = tpu.unpack_subelements %get3A_753, 0 {pack_format = #tpu.pack_format<interleaved>} : vector<32xbf16> -> vector<16xf32>
        %unpack3A_760 = tpu.unpack_subelements %get3A_753, 1 {pack_format = #tpu.pack_format<interleaved>} : vector<32xbf16> -> vector<16xf32>
        %unpack3A_761 = tpu.unpack_subelements %get3A_758, 0 {pack_format = #tpu.pack_format<interleaved>} : vector<32xbf16> -> vector<16xf32>
        %unpack3A_762 = tpu.unpack_subelements %get3A_758, 1 {pack_format = #tpu.pack_format<interleaved>} : vector<32xbf16> -> vector<16xf32>
        %add3A_763 = arith.addf %add3A_741, %unpack3A_759 : vector<16xf32>
        %add3A_764 = arith.addf %add3A_742, %unpack3A_760 : vector<16xf32>
        %add3A_765 = arith.addf %add3A_743, %unpack3A_761 : vector<16xf32>
        %add3A_766 = arith.addf %add3A_744, %unpack3A_762 : vector<16xf32>
        scf.yield %add3A_763, %add3A_764, %add3A_765, %add3A_766 : vector<16xf32>, vector<16xf32>, vector<16xf32>, vector<16xf32>
      }
      %scan3A_418 = arith.constant 25 : i32
      %broadcast_in_dim3A_419 = vector.broadcast %add3A_381 : i32 to vector<16xi32>
      %gather3A_420 = tpu.vector_load_idx %arg9[%broadcast_in_dim3A_419] : memref<512xf32, #tpu.memory_space<vmem>>[vector<16xi32>], vector<16xf32>,
      %ge3A_421 = arith.constant 4 : i32
      %ge3A_422 = arith.cmpi sge, %add3A_381, %ge3A_421 : i32
      %convert_element_type3A_423 = arith.extui %ge3A_422 : i1 to i32
      %cond3A_424 = arith.constant 0 : i32
      %cond3A_425 = arith.cmpi ne, %convert_element_type3A_423, %cond3A_424 : i32
      scf.if %cond3A_425 {
        %dma_wait3A_588 = arith.constant 2 : i32
        %dma_wait3A_589 = arith.constant 0 : i32
        %dma_wait3A_590 = arith.constant 0 : i32
        %dma_wait3A_591 = tpu.memref_slice %arg8[%dma_wait3A_588, %dma_wait3A_590] : memref<4x64xf32, #tpu.memory_space<vmem>> -> memref<1x64xf32, #tpu.memory_space<vmem>>
        %dma_wait3A_592 = tpu.memref_squeeze %dma_wait3A_591 : memref<1x64xf32, #tpu.memory_space<vmem>> -> memref<64xf32, #tpu.memory_space<vmem>>
        %dma_wait3A_593 = arith.constant 0 : i32
        %dma_wait3A_594 = tpu.memref_slice %arg5[%dma_wait3A_589, %dma_wait3A_593] : memref<8192x128xf32, #tpu.memory_space<hbm>> -> memref<1x64xf32, #tpu.memory_space<hbm>>
        %dma_wait3A_595 = tpu.memref_squeeze %dma_wait3A_594 : memref<1x64xf32, #tpu.memory_space<hbm>> -> memref<64xf32, #tpu.memory_space<hbm>>
        %dma_wait3A_596 = arith.constant 0 : i32
        %dma_wait3A_597 = tpu.memref_slice %arg5[%dma_wait3A_589, %dma_wait3A_596] : memref<8192x128xf32, #tpu.memory_space<hbm>> -> memref<1x64xf32, #tpu.memory_space<hbm>>
        %dma_wait3A_598 = tpu.memref_squeeze %dma_wait3A_597 : memref<1x64xf32, #tpu.memory_space<hbm>> -> memref<64xf32, #tpu.memory_space<hbm>>
        %dma_wait3A_599 = arith.constant 0 : i32
        %dma_wait3A_600 = tpu.memref_slice %arg8[%dma_wait3A_588, %dma_wait3A_599] : memref<4x64xf32, #tpu.memory_space<vmem>> -> memref<1x64xf32, #tpu.memory_space<vmem>>
        %dma_wait3A_601 = tpu.memref_squeeze %dma_wait3A_600 : memref<1x64xf32, #tpu.memory_space<vmem>> -> memref<64xf32, #tpu.memory_space<vmem>>
        tpu.wait_dma2 semaphore(%arg12 : memref<!tpu.dma_semaphore, #tpu.memory_space<semaphore_mem>>) src(%dma_wait3A_601 : memref<64xf32, #tpu.memory_space<vmem>>) dst(%dma_wait3A_598 : memref<64xf32, #tpu.memory_space<hbm>>)
      } else {
      }
      %mul3A_426 = arith.mulf %scan3A_417#0, %gather3A_420 : vector<16xf32>
      %swap3A_427 = arith.constant 2 : i32
      %swap3A_428 = arith.index_cast %swap3A_427 : i32 to index
      %swap3A_429 = arith.constant 0 : index
      %swap3A_430 = tpu.vector_load %arg8[%swap3A_428, %swap3A_429] {strides = array<i32>} : memref<4x64xf32, #tpu.memory_space<vmem>>, vector<16xf32>,
      tpu.vector_store %arg8[%swap3A_428, %swap3A_429], %mul3A_426 {strides = array<i32>} : memref<4x64xf32, #tpu.memory_space<vmem>>, vector<16xf32>,
      %mul3A_431 = arith.mulf %scan3A_417#1, %gather3A_420 : vector<16xf32>
      %swap3A_432 = arith.constant 2 : i32
      %swap3A_433 = arith.index_cast %swap3A_432 : i32 to index
      %swap3A_434 = arith.constant 16 : index
      %swap3A_435 = tpu.vector_load %arg8[%swap3A_433, %swap3A_434] {strides = array<i32>} : memref<4x64xf32, #tpu.memory_space<vmem>>, vector<16xf32>,
      tpu.vector_store %arg8[%swap3A_433, %swap3A_434], %mul3A_431 {strides = array<i32>} : memref<4x64xf32, #tpu.memory_space<vmem>>, vector<16xf32>,
      %mul3A_436 = arith.mulf %scan3A_417#2, %gather3A_420 : vector<16xf32>
      %swap3A_437 = arith.constant 2 : i32
      %swap3A_438 = arith.index_cast %swap3A_437 : i32 to index
      %swap3A_439 = arith.constant 32 : index
      %swap3A_440 = tpu.vector_load %arg8[%swap3A_438, %swap3A_439] {strides = array<i32>} : memref<4x64xf32, #tpu.memory_space<vmem>>, vector<16xf32>,
      tpu.vector_store %arg8[%swap3A_438, %swap3A_439], %mul3A_436 {strides = array<i32>} : memref<4x64xf32, #tpu.memory_space<vmem>>, vector<16xf32>,
      %mul3A_441 = arith.mulf %scan3A_417#3, %gather3A_420 : vector<16xf32>
      %swap3A_442 = arith.constant 2 : i32
      %swap3A_443 = arith.index_cast %swap3A_442 : i32 to index
      %swap3A_444 = arith.constant 48 : index
      %swap3A_445 = tpu.vector_load %arg8[%swap3A_443, %swap3A_444] {strides = array<i32>} : memref<4x64xf32, #tpu.memory_space<vmem>>, vector<16xf32>,
      tpu.vector_store %arg8[%swap3A_443, %swap3A_444], %mul3A_441 {strides = array<i32>} : memref<4x64xf32, #tpu.memory_space<vmem>>, vector<16xf32>,
      %add3A_446 = arith.addi %mul3A_2, %add3A_381 : i32
      %jit3A_447 = arith.constant 2 : i32
      %div3A_448 = arith.divsi %add3A_446, %jit3A_447 : i32
      %sign3A_449 = arith.constant 0 : i32
      %sign3A_450 = arith.cmpi sgt, %add3A_446, %sign3A_449 : i32
      %sign3A_451 = arith.extui %sign3A_450 : i1 to i32
      %sign3A_452 = arith.constant 0 : i32
      %sign3A_453 = arith.cmpi slt, %add3A_446, %sign3A_452 : i32
      %sign3A_454 = arith.extui %sign3A_453 : i1 to i32
      %sign3A_455 = arith.subi %sign3A_451, %sign3A_454 : i32
      %sign3A_456 = arith.constant 0 : i32
      %sign3A_457 = arith.cmpi sgt, %jit3A_447, %sign3A_456 : i32
      %sign3A_458 = arith.extui %sign3A_457 : i1 to i32
      %sign3A_459 = arith.constant 0 : i32
      %sign3A_460 = arith.cmpi slt, %jit3A_447, %sign3A_459 : i32
      %sign3A_461 = arith.extui %sign3A_460 : i1 to i32
      %sign3A_462 = arith.subi %sign3A_458, %sign3A_461 : i32
      %ne3A_463 = arith.cmpi ne, %sign3A_455, %sign3A_462 : i32
      %rem3A_464 = arith.remsi %add3A_446, %jit3A_447 : i32
      %ne3A_465 = arith.constant 0 : i32
      %ne3A_466 = arith.cmpi ne, %rem3A_464, %ne3A_465 : i32
      %and3A_467 = arith.andi %ne3A_463, %ne3A_466 : i1
      %sub3A_468 = arith.constant 1 : i32
      %sub3A_469 = arith.subi %div3A_448, %sub3A_468 : i32
      %select_n3A_470 = arith.select %and3A_467, %sub3A_469, %div3A_448 : i32
      %dma_start3A_471 = arith.constant 2 : i32
      %dma_start3A_472 = arith.constant 0 : i32
      %dma_start3A_473 = tpu.memref_slice %arg8[%dma_start3A_471, %dma_start3A_472] : memref<4x64xf32, #tpu.memory_space<vmem>> -> memref<1x64xf32, #tpu.memory_space<vmem>>
      %dma_start3A_474 = tpu.memref_squeeze %dma_start3A_473 : memref<1x64xf32, #tpu.memory_space<vmem>> -> memref<64xf32, #tpu.memory_space<vmem>>
      %dma_start3A_475 = arith.constant 0 : i32
      %dma_start3A_476 = tpu.memref_slice %arg5[%select_n3A_470, %dma_start3A_475] : memref<8192x128xf32, #tpu.memory_space<hbm>> -> memref<1x64xf32, #tpu.memory_space<hbm>>
      %dma_start3A_477 = tpu.memref_squeeze %dma_start3A_476 : memref<1x64xf32, #tpu.memory_space<hbm>> -> memref<64xf32, #tpu.memory_space<hbm>>
      %dma_start3A_478 = arith.constant 0 : i32
      %dma_start3A_479 = tpu.memref_slice %arg5[%select_n3A_470, %dma_start3A_478] : memref<8192x128xf32, #tpu.memory_space<hbm>> -> memref<1x64xf32, #tpu.memory_space<hbm>>
      %dma_start3A_480 = tpu.memref_squeeze %dma_start3A_479 : memref<1x64xf32, #tpu.memory_space<hbm>> -> memref<64xf32, #tpu.memory_space<hbm>>
      %dma_start3A_481 = arith.constant 0 : i32
      %dma_start3A_482 = tpu.memref_slice %arg8[%dma_start3A_471, %dma_start3A_481] : memref<4x64xf32, #tpu.memory_space<vmem>> -> memref<1x64xf32, #tpu.memory_space<vmem>>
      %dma_start3A_483 = tpu.memref_squeeze %dma_start3A_482 : memref<1x64xf32, #tpu.memory_space<vmem>> -> memref<64xf32, #tpu.memory_space<vmem>>
      tpu.enqueue_dma source(%dma_start3A_483 : memref<64xf32, #tpu.memory_space<vmem>>) target(%dma_start3A_480 : memref<64xf32, #tpu.memory_space<hbm>>) target_semaphore(%arg12 : memref<!tpu.dma_semaphore, #tpu.memory_space<semaphore_mem>>)
      %add3A_484 = arith.constant 3 : i32
      %add3A_485 = arith.addi %mul3A_186, %add3A_484 : i32
      %add3A_486 = arith.constant 2 : i32
      %add3A_487 = arith.addi %add3A_485, %add3A_486 : i32
      %lt3A_488 = arith.constant 512 : i32
      %lt3A_489 = arith.cmpi slt, %add3A_487, %lt3A_488 : i32
      %convert_element_type3A_490 = arith.extui %lt3A_489 : i1 to i32
      %cond3A_491 = arith.constant 0 : i32
      %cond3A_492 = arith.cmpi ne, %convert_element_type3A_490, %cond3A_491 : i32
      scf.if %cond3A_492 {
        %dma_wait3A_588 = arith.constant 1 : i32
        %dma_wait3A_589 = arith.constant 0 : i32
        %dma_wait3A_590 = tpu.memref_slice %arg6[%dma_wait3A_588, %dma_wait3A_589] : memref<4x200xi32, #tpu.memory_space<vmem>> -> memref<1x200xi32, #tpu.memory_space<vmem>>
        %dma_wait3A_591 = tpu.memref_squeeze %dma_wait3A_590 : memref<1x200xi32, #tpu.memory_space<vmem>> -> memref<200xi32, #tpu.memory_space<vmem>>
        %dma_wait3A_592 = arith.constant 0 : i32
        %dma_wait3A_593 = tpu.memref_slice %arg2[%dma_wait3A_592] : memref<3276800xi32, #tpu.memory_space<hbm>> -> memref<200xi32, #tpu.memory_space<hbm>>
        %dma_wait3A_594 = arith.constant 0 : i32
        %dma_wait3A_595 = tpu.memref_slice %arg6[%dma_wait3A_588, %dma_wait3A_594] : memref<4x200xi32, #tpu.memory_space<vmem>> -> memref<1x200xi32, #tpu.memory_space<vmem>>
        %dma_wait3A_596 = tpu.memref_squeeze %dma_wait3A_595 : memref<1x200xi32, #tpu.memory_space<vmem>> -> memref<200xi32, #tpu.memory_space<vmem>>
        %dma_wait3A_597 = arith.constant 0 : i32
        %dma_wait3A_598 = tpu.memref_slice %arg2[%dma_wait3A_597] : memref<3276800xi32, #tpu.memory_space<hbm>> -> memref<200xi32, #tpu.memory_space<hbm>>
        tpu.wait_dma2 semaphore(%arg10 : memref<!tpu.dma_semaphore, #tpu.memory_space<semaphore_mem>>) src(%dma_wait3A_598 : memref<200xi32, #tpu.memory_space<hbm>>) dst(%dma_wait3A_596 : memref<200xi32, #tpu.memory_space<vmem>>)
        %dma_start3A_599 = arith.constant 1 : i32
        %dma_start3A_600 = arith.constant 1 : i32
        %dma_start3A_601 = arith.constant 0 : i32
        %dma_start3A_602 = arith.constant 0 : i32
        %dma_start3A_603 = tpu.memref_slice %arg7[%dma_start3A_600, %dma_start3A_601, %dma_start3A_602] : memref<4x200x64xbf16, #tpu.memory_space<vmem>> -> memref<1x104x64xbf16, #tpu.memory_space<vmem>>
        %dma_start3A_604 = tpu.memref_squeeze %dma_start3A_603 : memref<1x104x64xbf16, #tpu.memory_space<vmem>> -> memref<104x64xbf16, #tpu.memory_space<vmem>>
        %dma_start3A_605 = arith.constant 0 : i32
        %dma_start3A_606 = tpu.memref_slice %arg6[%dma_start3A_599, %dma_start3A_605] : memref<4x200xi32, #tpu.memory_space<vmem>> -> memref<1x104xi32, #tpu.memory_space<vmem>>
        %dma_start3A_607 = tpu.memref_squeeze %dma_start3A_606 : memref<1x104xi32, #tpu.memory_space<vmem>> -> memref<104xi32, #tpu.memory_space<vmem>>
        %dma_start3A_608 = arith.constant 0 : i32
        %dma_start3A_609 = arith.constant 0 : i32
        %dma_start3A_610 = tpu.memref_slice %arg3[%dma_start3A_608, %dma_start3A_609] : memref<100000x64xbf16, #tpu.memory_space<hbm>> -> memref<100000x64xbf16, #tpu.memory_space<hbm>>
        tpu.enqueue_indirect_dma source(%dma_start3A_610 : memref<100000x64xbf16, #tpu.memory_space<hbm>>) target(%dma_start3A_604 : memref<104x64xbf16, #tpu.memory_space<vmem>>) offsets(%dma_start3A_607 : memref<104xi32, #tpu.memory_space<vmem>>) semaphore(%arg11 : memref<!tpu.dma_semaphore, #tpu.memory_space<semaphore_mem>>)
        %dma_start3A_611 = arith.constant 1 : i32
        %dma_start3A_612 = arith.constant 1 : i32
        %dma_start3A_613 = arith.constant 104 : i32
        %dma_start3A_614 = arith.constant 0 : i32
        %dma_start3A_615 = tpu.memref_slice %arg7[%dma_start3A_612, %dma_start3A_613, %dma_start3A_614] : memref<4x200x64xbf16, #tpu.memory_space<vmem>> -> memref<1x96x64xbf16, #tpu.memory_space<vmem>>
        %dma_start3A_616 = tpu.memref_squeeze %dma_start3A_615 : memref<1x96x64xbf16, #tpu.memory_space<vmem>> -> memref<96x64xbf16, #tpu.memory_space<vmem>>
        %dma_start3A_617 = arith.constant 104 : i32
        %dma_start3A_618 = tpu.memref_slice %arg6[%dma_start3A_611, %dma_start3A_617] : memref<4x200xi32, #tpu.memory_space<vmem>> -> memref<1x96xi32, #tpu.memory_space<vmem>>
        %dma_start3A_619 = tpu.memref_squeeze %dma_start3A_618 : memref<1x96xi32, #tpu.memory_space<vmem>> -> memref<96xi32, #tpu.memory_space<vmem>>
        %dma_start3A_620 = arith.constant 0 : i32
        %dma_start3A_621 = arith.constant 0 : i32
        %dma_start3A_622 = tpu.memref_slice %arg3[%dma_start3A_620, %dma_start3A_621] : memref<100000x64xbf16, #tpu.memory_space<hbm>> -> memref<100000x64xbf16, #tpu.memory_space<hbm>>
        tpu.enqueue_indirect_dma source(%dma_start3A_622 : memref<100000x64xbf16, #tpu.memory_space<hbm>>) target(%dma_start3A_616 : memref<96x64xbf16, #tpu.memory_space<vmem>>) offsets(%dma_start3A_619 : memref<96xi32, #tpu.memory_space<vmem>>) semaphore(%arg11 : memref<!tpu.dma_semaphore, #tpu.memory_space<semaphore_mem>>)
      } else {
      }
      %dma_wait3A_493 = arith.constant 3 : i32
      %dma_wait3A_494 = arith.constant 0 : i32
      %dma_wait3A_495 = arith.constant 0 : i32
      %dma_wait3A_496 = tpu.memref_slice %arg7[%dma_wait3A_493, %dma_wait3A_494, %dma_wait3A_495] : memref<4x200x64xbf16, #tpu.memory_space<vmem>> -> memref<1x200x64xbf16, #tpu.memory_space<vmem>>
      %dma_wait3A_497 = tpu.memref_squeeze %dma_wait3A_496 : memref<1x200x64xbf16, #tpu.memory_space<vmem>> -> memref<200x64xbf16, #tpu.memory_space<vmem>>
      %dma_wait3A_498 = arith.constant 0 : i32
      %dma_wait3A_499 = arith.constant 0 : i32
      %dma_wait3A_500 = tpu.memref_slice %arg3[%dma_wait3A_498, %dma_wait3A_499] : memref<100000x64xbf16, #tpu.memory_space<hbm>> -> memref<200x64xbf16, #tpu.memory_space<hbm>>
      %dma_wait3A_501 = arith.constant 0 : i32
      %dma_wait3A_502 = arith.constant 0 : i32
      %dma_wait3A_503 = tpu.memref_slice %arg7[%dma_wait3A_493, %dma_wait3A_501, %dma_wait3A_502] : memref<4x200x64xbf16, #tpu.memory_space<vmem>> -> memref<1x200x64xbf16, #tpu.memory_space<vmem>>
      %dma_wait3A_504 = tpu.memref_squeeze %dma_wait3A_503 : memref<1x200x64xbf16, #tpu.memory_space<vmem>> -> memref<200x64xbf16, #tpu.memory_space<vmem>>
      %dma_wait3A_505 = arith.constant 0 : i32
      %dma_wait3A_506 = arith.constant 0 : i32
      %dma_wait3A_507 = tpu.memref_slice %arg3[%dma_wait3A_505, %dma_wait3A_506] : memref<100000x64xbf16, #tpu.memory_space<hbm>> -> memref<200x64xbf16, #tpu.memory_space<hbm>>
      tpu.wait_dma2 semaphore(%arg11 : memref<!tpu.dma_semaphore, #tpu.memory_space<semaphore_mem>>) src(%dma_wait3A_507 : memref<200x64xbf16, #tpu.memory_space<hbm>>) dst(%dma_wait3A_504 : memref<200x64xbf16, #tpu.memory_space<vmem>>)
      %add3A_508 = arith.constant 4 : i32
      %add3A_509 = arith.addi %add3A_485, %add3A_508 : i32
      %lt3A_510 = arith.constant 512 : i32
      %lt3A_511 = arith.cmpi slt, %add3A_509, %lt3A_510 : i32
      %convert_element_type3A_512 = arith.extui %lt3A_511 : i1 to i32
      %cond3A_513 = arith.constant 0 : i32
      %cond3A_514 = arith.cmpi ne, %convert_element_type3A_512, %cond3A_513 : i32
      scf.if %cond3A_514 {
        %add3A_588 = arith.constant 4 : i32
        %add3A_589 = arith.addi %add3A_485, %add3A_588 : i32
        %add3A_590 = arith.addi %mul3A_2, %add3A_589 : i32
        %mul3A_591 = arith.constant 200 : i32
        %mul3A_592 = arith.muli %add3A_590, %mul3A_591 : i32
        %dma_start3A_593 = arith.constant 3 : i32
        %dma_start3A_594 = arith.constant 0 : i32
        %dma_start3A_595 = tpu.memref_slice %arg6[%dma_start3A_593, %dma_start3A_594] : memref<4x200xi32, #tpu.memory_space<vmem>> -> memref<1x200xi32, #tpu.memory_space<vmem>>
        %dma_start3A_596 = tpu.memref_squeeze %dma_start3A_595 : memref<1x200xi32, #tpu.memory_space<vmem>> -> memref<200xi32, #tpu.memory_space<vmem>>
        %dma_start3A_597 = tpu.memref_slice %arg2[%mul3A_592] : memref<3276800xi32, #tpu.memory_space<hbm>> -> memref<200xi32, #tpu.memory_space<hbm>>
        %dma_start3A_598 = arith.constant 0 : i32
        %dma_start3A_599 = tpu.memref_slice %arg6[%dma_start3A_593, %dma_start3A_598] : memref<4x200xi32, #tpu.memory_space<vmem>> -> memref<1x200xi32, #tpu.memory_space<vmem>>
        %dma_start3A_600 = tpu.memref_squeeze %dma_start3A_599 : memref<1x200xi32, #tpu.memory_space<vmem>> -> memref<200xi32, #tpu.memory_space<vmem>>
        %dma_start3A_601 = tpu.memref_slice %arg2[%mul3A_592] : memref<3276800xi32, #tpu.memory_space<hbm>> -> memref<200xi32, #tpu.memory_space<hbm>>
        tpu.enqueue_dma source(%dma_start3A_601 : memref<200xi32, #tpu.memory_space<hbm>>) target(%dma_start3A_600 : memref<200xi32, #tpu.memory_space<vmem>>) target_semaphore(%arg10 : memref<!tpu.dma_semaphore, #tpu.memory_space<semaphore_mem>>)
      } else {
      }
      %broadcast_in_dim3A_515 = arith.constant 0.000000e+00 : f32
      %broadcast_in_dim3A_516 = vector.broadcast %broadcast_in_dim3A_515 : f32 to vector<16xf32>
      %scan3A_517 = arith.constant 0 : i32
      %scan3A_518 = arith.constant 25 : i32
      %scan3A_519 = arith.addi %scan3A_517, %scan3A_518 : i32
      %scan3A_520 = arith.constant 1 : i32
      %scan3A_521:4 = scf.for %scan3A_588 = %scan3A_517 to %scan3A_519 step %scan3A_520 iter_args(%scan3A_589 = %broadcast_in_dim3A_516, %scan3A_590 = %broadcast_in_dim3A_516, %scan3A_591 = %broadcast_in_dim3A_516, %scan3A_592 = %broadcast_in_dim3A_516) -> (vector<16xf32>, vector<16xf32>, vector<16xf32>, vector<16xf32>)  : i32 {
        %mul3A_593 = arith.constant 8 : i32
        %mul3A_594 = arith.muli %scan3A_588, %mul3A_593 : i32
        %add3A_595 = arith.constant 0 : i32
        %add3A_596 = arith.addi %mul3A_594, %add3A_595 : i32
        %get3A = arith.constant 3 : i32
        %get3A_597 = arith.index_cast %get3A : i32 to index
        %get3A_598 = arith.index_cast %add3A_596 : i32 to index
        %get3A_599 = arith.constant 0 : index
        %get3A_600 = tpu.vector_load %arg7[%get3A_597, %get3A_598, %get3A_599] {strides = array<i32>} : memref<4x200x64xbf16, #tpu.memory_space<vmem>>, vector<32xbf16>,
        %get3A_601 = arith.constant 3 : i32
        %get3A_602 = arith.index_cast %get3A_601 : i32 to index
        %get3A_603 = arith.index_cast %add3A_596 : i32 to index
        %get3A_604 = arith.constant 32 : index
        %get3A_605 = tpu.vector_load %arg7[%get3A_602, %get3A_603, %get3A_604] {strides = array<i32>} : memref<4x200x64xbf16, #tpu.memory_space<vmem>>, vector<32xbf16>,
        %unpack3A = tpu.unpack_subelements %get3A_600, 0 {pack_format = #tpu.pack_format<interleaved>} : vector<32xbf16> -> vector<16xf32>
        %unpack3A_606 = tpu.unpack_subelements %get3A_600, 1 {pack_format = #tpu.pack_format<interleaved>} : vector<32xbf16> -> vector<16xf32>
        %unpack3A_607 = tpu.unpack_subelements %get3A_605, 0 {pack_format = #tpu.pack_format<interleaved>} : vector<32xbf16> -> vector<16xf32>
        %unpack3A_608 = tpu.unpack_subelements %get3A_605, 1 {pack_format = #tpu.pack_format<interleaved>} : vector<32xbf16> -> vector<16xf32>
        %add3A_609 = arith.addf %scan3A_589, %unpack3A : vector<16xf32>
        %add3A_610 = arith.addf %scan3A_590, %unpack3A_606 : vector<16xf32>
        %add3A_611 = arith.addf %scan3A_591, %unpack3A_607 : vector<16xf32>
        %add3A_612 = arith.addf %scan3A_592, %unpack3A_608 : vector<16xf32>
        %mul3A_613 = arith.constant 8 : i32
        %mul3A_614 = arith.muli %scan3A_588, %mul3A_613 : i32
        %add3A_615 = arith.constant 1 : i32
        %add3A_616 = arith.addi %mul3A_614, %add3A_615 : i32
        %get3A_617 = arith.constant 3 : i32
        %get3A_618 = arith.index_cast %get3A_617 : i32 to index
        %get3A_619 = arith.index_cast %add3A_616 : i32 to index
        %get3A_620 = arith.constant 0 : index
        %get3A_621 = tpu.vector_load %arg7[%get3A_618, %get3A_619, %get3A_620] {strides = array<i32>} : memref<4x200x64xbf16, #tpu.memory_space<vmem>>, vector<32xbf16>,
        %get3A_622 = arith.constant 3 : i32
        %get3A_623 = arith.index_cast %get3A_622 : i32 to index
        %get3A_624 = arith.index_cast %add3A_616 : i32 to index
        %get3A_625 = arith.constant 32 : index
        %get3A_626 = tpu.vector_load %arg7[%get3A_623, %get3A_624, %get3A_625] {strides = array<i32>} : memref<4x200x64xbf16, #tpu.memory_space<vmem>>, vector<32xbf16>,
        %unpack3A_627 = tpu.unpack_subelements %get3A_621, 0 {pack_format = #tpu.pack_format<interleaved>} : vector<32xbf16> -> vector<16xf32>
        %unpack3A_628 = tpu.unpack_subelements %get3A_621, 1 {pack_format = #tpu.pack_format<interleaved>} : vector<32xbf16> -> vector<16xf32>
        %unpack3A_629 = tpu.unpack_subelements %get3A_626, 0 {pack_format = #tpu.pack_format<interleaved>} : vector<32xbf16> -> vector<16xf32>
        %unpack3A_630 = tpu.unpack_subelements %get3A_626, 1 {pack_format = #tpu.pack_format<interleaved>} : vector<32xbf16> -> vector<16xf32>
        %add3A_631 = arith.addf %add3A_609, %unpack3A_627 : vector<16xf32>
        %add3A_632 = arith.addf %add3A_610, %unpack3A_628 : vector<16xf32>
        %add3A_633 = arith.addf %add3A_611, %unpack3A_629 : vector<16xf32>
        %add3A_634 = arith.addf %add3A_612, %unpack3A_630 : vector<16xf32>
        %mul3A_635 = arith.constant 8 : i32
        %mul3A_636 = arith.muli %scan3A_588, %mul3A_635 : i32
        %add3A_637 = arith.constant 2 : i32
        %add3A_638 = arith.addi %mul3A_636, %add3A_637 : i32
        %get3A_639 = arith.constant 3 : i32
        %get3A_640 = arith.index_cast %get3A_639 : i32 to index
        %get3A_641 = arith.index_cast %add3A_638 : i32 to index
        %get3A_642 = arith.constant 0 : index
        %get3A_643 = tpu.vector_load %arg7[%get3A_640, %get3A_641, %get3A_642] {strides = array<i32>} : memref<4x200x64xbf16, #tpu.memory_space<vmem>>, vector<32xbf16>,
        %get3A_644 = arith.constant 3 : i32
        %get3A_645 = arith.index_cast %get3A_644 : i32 to index
        %get3A_646 = arith.index_cast %add3A_638 : i32 to index
        %get3A_647 = arith.constant 32 : index
        %get3A_648 = tpu.vector_load %arg7[%get3A_645, %get3A_646, %get3A_647] {strides = array<i32>} : memref<4x200x64xbf16, #tpu.memory_space<vmem>>, vector<32xbf16>,
        %unpack3A_649 = tpu.unpack_subelements %get3A_643, 0 {pack_format = #tpu.pack_format<interleaved>} : vector<32xbf16> -> vector<16xf32>
        %unpack3A_650 = tpu.unpack_subelements %get3A_643, 1 {pack_format = #tpu.pack_format<interleaved>} : vector<32xbf16> -> vector<16xf32>
        %unpack3A_651 = tpu.unpack_subelements %get3A_648, 0 {pack_format = #tpu.pack_format<interleaved>} : vector<32xbf16> -> vector<16xf32>
        %unpack3A_652 = tpu.unpack_subelements %get3A_648, 1 {pack_format = #tpu.pack_format<interleaved>} : vector<32xbf16> -> vector<16xf32>
        %add3A_653 = arith.addf %add3A_631, %unpack3A_649 : vector<16xf32>
        %add3A_654 = arith.addf %add3A_632, %unpack3A_650 : vector<16xf32>
        %add3A_655 = arith.addf %add3A_633, %unpack3A_651 : vector<16xf32>
        %add3A_656 = arith.addf %add3A_634, %unpack3A_652 : vector<16xf32>
        %mul3A_657 = arith.constant 8 : i32
        %mul3A_658 = arith.muli %scan3A_588, %mul3A_657 : i32
        %add3A_659 = arith.constant 3 : i32
        %add3A_660 = arith.addi %mul3A_658, %add3A_659 : i32
        %get3A_661 = arith.constant 3 : i32
        %get3A_662 = arith.index_cast %get3A_661 : i32 to index
        %get3A_663 = arith.index_cast %add3A_660 : i32 to index
        %get3A_664 = arith.constant 0 : index
        %get3A_665 = tpu.vector_load %arg7[%get3A_662, %get3A_663, %get3A_664] {strides = array<i32>} : memref<4x200x64xbf16, #tpu.memory_space<vmem>>, vector<32xbf16>,
        %get3A_666 = arith.constant 3 : i32
        %get3A_667 = arith.index_cast %get3A_666 : i32 to index
        %get3A_668 = arith.index_cast %add3A_660 : i32 to index
        %get3A_669 = arith.constant 32 : index
        %get3A_670 = tpu.vector_load %arg7[%get3A_667, %get3A_668, %get3A_669] {strides = array<i32>} : memref<4x200x64xbf16, #tpu.memory_space<vmem>>, vector<32xbf16>,
        %unpack3A_671 = tpu.unpack_subelements %get3A_665, 0 {pack_format = #tpu.pack_format<interleaved>} : vector<32xbf16> -> vector<16xf32>
        %unpack3A_672 = tpu.unpack_subelements %get3A_665, 1 {pack_format = #tpu.pack_format<interleaved>} : vector<32xbf16> -> vector<16xf32>
        %unpack3A_673 = tpu.unpack_subelements %get3A_670, 0 {pack_format = #tpu.pack_format<interleaved>} : vector<32xbf16> -> vector<16xf32>
        %unpack3A_674 = tpu.unpack_subelements %get3A_670, 1 {pack_format = #tpu.pack_format<interleaved>} : vector<32xbf16> -> vector<16xf32>
        %add3A_675 = arith.addf %add3A_653, %unpack3A_671 : vector<16xf32>
        %add3A_676 = arith.addf %add3A_654, %unpack3A_672 : vector<16xf32>
        %add3A_677 = arith.addf %add3A_655, %unpack3A_673 : vector<16xf32>
        %add3A_678 = arith.addf %add3A_656, %unpack3A_674 : vector<16xf32>
        %mul3A_679 = arith.constant 8 : i32
        %mul3A_680 = arith.muli %scan3A_588, %mul3A_679 : i32
        %add3A_681 = arith.constant 4 : i32
        %add3A_682 = arith.addi %mul3A_680, %add3A_681 : i32
        %get3A_683 = arith.constant 3 : i32
        %get3A_684 = arith.index_cast %get3A_683 : i32 to index
        %get3A_685 = arith.index_cast %add3A_682 : i32 to index
        %get3A_686 = arith.constant 0 : index
        %get3A_687 = tpu.vector_load %arg7[%get3A_684, %get3A_685, %get3A_686] {strides = array<i32>} : memref<4x200x64xbf16, #tpu.memory_space<vmem>>, vector<32xbf16>,
        %get3A_688 = arith.constant 3 : i32
        %get3A_689 = arith.index_cast %get3A_688 : i32 to index
        %get3A_690 = arith.index_cast %add3A_682 : i32 to index
        %get3A_691 = arith.constant 32 : index
        %get3A_692 = tpu.vector_load %arg7[%get3A_689, %get3A_690, %get3A_691] {strides = array<i32>} : memref<4x200x64xbf16, #tpu.memory_space<vmem>>, vector<32xbf16>,
        %unpack3A_693 = tpu.unpack_subelements %get3A_687, 0 {pack_format = #tpu.pack_format<interleaved>} : vector<32xbf16> -> vector<16xf32>
        %unpack3A_694 = tpu.unpack_subelements %get3A_687, 1 {pack_format = #tpu.pack_format<interleaved>} : vector<32xbf16> -> vector<16xf32>
        %unpack3A_695 = tpu.unpack_subelements %get3A_692, 0 {pack_format = #tpu.pack_format<interleaved>} : vector<32xbf16> -> vector<16xf32>
        %unpack3A_696 = tpu.unpack_subelements %get3A_692, 1 {pack_format = #tpu.pack_format<interleaved>} : vector<32xbf16> -> vector<16xf32>
        %add3A_697 = arith.addf %add3A_675, %unpack3A_693 : vector<16xf32>
        %add3A_698 = arith.addf %add3A_676, %unpack3A_694 : vector<16xf32>
        %add3A_699 = arith.addf %add3A_677, %unpack3A_695 : vector<16xf32>
        %add3A_700 = arith.addf %add3A_678, %unpack3A_696 : vector<16xf32>
        %mul3A_701 = arith.constant 8 : i32
        %mul3A_702 = arith.muli %scan3A_588, %mul3A_701 : i32
        %add3A_703 = arith.constant 5 : i32
        %add3A_704 = arith.addi %mul3A_702, %add3A_703 : i32
        %get3A_705 = arith.constant 3 : i32
        %get3A_706 = arith.index_cast %get3A_705 : i32 to index
        %get3A_707 = arith.index_cast %add3A_704 : i32 to index
        %get3A_708 = arith.constant 0 : index
        %get3A_709 = tpu.vector_load %arg7[%get3A_706, %get3A_707, %get3A_708] {strides = array<i32>} : memref<4x200x64xbf16, #tpu.memory_space<vmem>>, vector<32xbf16>,
        %get3A_710 = arith.constant 3 : i32
        %get3A_711 = arith.index_cast %get3A_710 : i32 to index
        %get3A_712 = arith.index_cast %add3A_704 : i32 to index
        %get3A_713 = arith.constant 32 : index
        %get3A_714 = tpu.vector_load %arg7[%get3A_711, %get3A_712, %get3A_713] {strides = array<i32>} : memref<4x200x64xbf16, #tpu.memory_space<vmem>>, vector<32xbf16>,
        %unpack3A_715 = tpu.unpack_subelements %get3A_709, 0 {pack_format = #tpu.pack_format<interleaved>} : vector<32xbf16> -> vector<16xf32>
        %unpack3A_716 = tpu.unpack_subelements %get3A_709, 1 {pack_format = #tpu.pack_format<interleaved>} : vector<32xbf16> -> vector<16xf32>
        %unpack3A_717 = tpu.unpack_subelements %get3A_714, 0 {pack_format = #tpu.pack_format<interleaved>} : vector<32xbf16> -> vector<16xf32>
        %unpack3A_718 = tpu.unpack_subelements %get3A_714, 1 {pack_format = #tpu.pack_format<interleaved>} : vector<32xbf16> -> vector<16xf32>
        %add3A_719 = arith.addf %add3A_697, %unpack3A_715 : vector<16xf32>
        %add3A_720 = arith.addf %add3A_698, %unpack3A_716 : vector<16xf32>
        %add3A_721 = arith.addf %add3A_699, %unpack3A_717 : vector<16xf32>
        %add3A_722 = arith.addf %add3A_700, %unpack3A_718 : vector<16xf32>
        %mul3A_723 = arith.constant 8 : i32
        %mul3A_724 = arith.muli %scan3A_588, %mul3A_723 : i32
        %add3A_725 = arith.constant 6 : i32
        %add3A_726 = arith.addi %mul3A_724, %add3A_725 : i32
        %get3A_727 = arith.constant 3 : i32
        %get3A_728 = arith.index_cast %get3A_727 : i32 to index
        %get3A_729 = arith.index_cast %add3A_726 : i32 to index
        %get3A_730 = arith.constant 0 : index
        %get3A_731 = tpu.vector_load %arg7[%get3A_728, %get3A_729, %get3A_730] {strides = array<i32>} : memref<4x200x64xbf16, #tpu.memory_space<vmem>>, vector<32xbf16>,
        %get3A_732 = arith.constant 3 : i32
        %get3A_733 = arith.index_cast %get3A_732 : i32 to index
        %get3A_734 = arith.index_cast %add3A_726 : i32 to index
        %get3A_735 = arith.constant 32 : index
        %get3A_736 = tpu.vector_load %arg7[%get3A_733, %get3A_734, %get3A_735] {strides = array<i32>} : memref<4x200x64xbf16, #tpu.memory_space<vmem>>, vector<32xbf16>,
        %unpack3A_737 = tpu.unpack_subelements %get3A_731, 0 {pack_format = #tpu.pack_format<interleaved>} : vector<32xbf16> -> vector<16xf32>
        %unpack3A_738 = tpu.unpack_subelements %get3A_731, 1 {pack_format = #tpu.pack_format<interleaved>} : vector<32xbf16> -> vector<16xf32>
        %unpack3A_739 = tpu.unpack_subelements %get3A_736, 0 {pack_format = #tpu.pack_format<interleaved>} : vector<32xbf16> -> vector<16xf32>
        %unpack3A_740 = tpu.unpack_subelements %get3A_736, 1 {pack_format = #tpu.pack_format<interleaved>} : vector<32xbf16> -> vector<16xf32>
        %add3A_741 = arith.addf %add3A_719, %unpack3A_737 : vector<16xf32>
        %add3A_742 = arith.addf %add3A_720, %unpack3A_738 : vector<16xf32>
        %add3A_743 = arith.addf %add3A_721, %unpack3A_739 : vector<16xf32>
        %add3A_744 = arith.addf %add3A_722, %unpack3A_740 : vector<16xf32>
        %mul3A_745 = arith.constant 8 : i32
        %mul3A_746 = arith.muli %scan3A_588, %mul3A_745 : i32
        %add3A_747 = arith.constant 7 : i32
        %add3A_748 = arith.addi %mul3A_746, %add3A_747 : i32
        %get3A_749 = arith.constant 3 : i32
        %get3A_750 = arith.index_cast %get3A_749 : i32 to index
        %get3A_751 = arith.index_cast %add3A_748 : i32 to index
        %get3A_752 = arith.constant 0 : index
        %get3A_753 = tpu.vector_load %arg7[%get3A_750, %get3A_751, %get3A_752] {strides = array<i32>} : memref<4x200x64xbf16, #tpu.memory_space<vmem>>, vector<32xbf16>,
        %get3A_754 = arith.constant 3 : i32
        %get3A_755 = arith.index_cast %get3A_754 : i32 to index
        %get3A_756 = arith.index_cast %add3A_748 : i32 to index
        %get3A_757 = arith.constant 32 : index
        %get3A_758 = tpu.vector_load %arg7[%get3A_755, %get3A_756, %get3A_757] {strides = array<i32>} : memref<4x200x64xbf16, #tpu.memory_space<vmem>>, vector<32xbf16>,
        %unpack3A_759 = tpu.unpack_subelements %get3A_753, 0 {pack_format = #tpu.pack_format<interleaved>} : vector<32xbf16> -> vector<16xf32>
        %unpack3A_760 = tpu.unpack_subelements %get3A_753, 1 {pack_format = #tpu.pack_format<interleaved>} : vector<32xbf16> -> vector<16xf32>
        %unpack3A_761 = tpu.unpack_subelements %get3A_758, 0 {pack_format = #tpu.pack_format<interleaved>} : vector<32xbf16> -> vector<16xf32>
        %unpack3A_762 = tpu.unpack_subelements %get3A_758, 1 {pack_format = #tpu.pack_format<interleaved>} : vector<32xbf16> -> vector<16xf32>
        %add3A_763 = arith.addf %add3A_741, %unpack3A_759 : vector<16xf32>
        %add3A_764 = arith.addf %add3A_742, %unpack3A_760 : vector<16xf32>
        %add3A_765 = arith.addf %add3A_743, %unpack3A_761 : vector<16xf32>
        %add3A_766 = arith.addf %add3A_744, %unpack3A_762 : vector<16xf32>
        scf.yield %add3A_763, %add3A_764, %add3A_765, %add3A_766 : vector<16xf32>, vector<16xf32>, vector<16xf32>, vector<16xf32>
      }
      %scan3A_522 = arith.constant 25 : i32
      %broadcast_in_dim3A_523 = vector.broadcast %add3A_485 : i32 to vector<16xi32>
      %gather3A_524 = tpu.vector_load_idx %arg9[%broadcast_in_dim3A_523] : memref<512xf32, #tpu.memory_space<vmem>>[vector<16xi32>], vector<16xf32>,
      %ge3A_525 = arith.constant 4 : i32
      %ge3A_526 = arith.cmpi sge, %add3A_485, %ge3A_525 : i32
      %convert_element_type3A_527 = arith.extui %ge3A_526 : i1 to i32
      %cond3A_528 = arith.constant 0 : i32
      %cond3A_529 = arith.cmpi ne, %convert_element_type3A_527, %cond3A_528 : i32
      scf.if %cond3A_529 {
        %dma_wait3A_588 = arith.constant 3 : i32
        %dma_wait3A_589 = arith.constant 0 : i32
        %dma_wait3A_590 = arith.constant 0 : i32
        %dma_wait3A_591 = tpu.memref_slice %arg8[%dma_wait3A_588, %dma_wait3A_590] : memref<4x64xf32, #tpu.memory_space<vmem>> -> memref<1x64xf32, #tpu.memory_space<vmem>>
        %dma_wait3A_592 = tpu.memref_squeeze %dma_wait3A_591 : memref<1x64xf32, #tpu.memory_space<vmem>> -> memref<64xf32, #tpu.memory_space<vmem>>
        %dma_wait3A_593 = arith.constant 0 : i32
        %dma_wait3A_594 = tpu.memref_slice %arg5[%dma_wait3A_589, %dma_wait3A_593] : memref<8192x128xf32, #tpu.memory_space<hbm>> -> memref<1x64xf32, #tpu.memory_space<hbm>>
        %dma_wait3A_595 = tpu.memref_squeeze %dma_wait3A_594 : memref<1x64xf32, #tpu.memory_space<hbm>> -> memref<64xf32, #tpu.memory_space<hbm>>
        %dma_wait3A_596 = arith.constant 0 : i32
        %dma_wait3A_597 = tpu.memref_slice %arg5[%dma_wait3A_589, %dma_wait3A_596] : memref<8192x128xf32, #tpu.memory_space<hbm>> -> memref<1x64xf32, #tpu.memory_space<hbm>>
        %dma_wait3A_598 = tpu.memref_squeeze %dma_wait3A_597 : memref<1x64xf32, #tpu.memory_space<hbm>> -> memref<64xf32, #tpu.memory_space<hbm>>
        %dma_wait3A_599 = arith.constant 0 : i32
        %dma_wait3A_600 = tpu.memref_slice %arg8[%dma_wait3A_588, %dma_wait3A_599] : memref<4x64xf32, #tpu.memory_space<vmem>> -> memref<1x64xf32, #tpu.memory_space<vmem>>
        %dma_wait3A_601 = tpu.memref_squeeze %dma_wait3A_600 : memref<1x64xf32, #tpu.memory_space<vmem>> -> memref<64xf32, #tpu.memory_space<vmem>>
        tpu.wait_dma2 semaphore(%arg12 : memref<!tpu.dma_semaphore, #tpu.memory_space<semaphore_mem>>) src(%dma_wait3A_601 : memref<64xf32, #tpu.memory_space<vmem>>) dst(%dma_wait3A_598 : memref<64xf32, #tpu.memory_space<hbm>>)
      } else {
      }
      %mul3A_530 = arith.mulf %scan3A_521#0, %gather3A_524 : vector<16xf32>
      %swap3A_531 = arith.constant 3 : i32
      %swap3A_532 = arith.index_cast %swap3A_531 : i32 to index
      %swap3A_533 = arith.constant 0 : index
      %swap3A_534 = tpu.vector_load %arg8[%swap3A_532, %swap3A_533] {strides = array<i32>} : memref<4x64xf32, #tpu.memory_space<vmem>>, vector<16xf32>,
      tpu.vector_store %arg8[%swap3A_532, %swap3A_533], %mul3A_530 {strides = array<i32>} : memref<4x64xf32, #tpu.memory_space<vmem>>, vector<16xf32>,
      %mul3A_535 = arith.mulf %scan3A_521#1, %gather3A_524 : vector<16xf32>
      %swap3A_536 = arith.constant 3 : i32
      %swap3A_537 = arith.index_cast %swap3A_536 : i32 to index
      %swap3A_538 = arith.constant 16 : index
      %swap3A_539 = tpu.vector_load %arg8[%swap3A_537, %swap3A_538] {strides = array<i32>} : memref<4x64xf32, #tpu.memory_space<vmem>>, vector<16xf32>,
      tpu.vector_store %arg8[%swap3A_537, %swap3A_538], %mul3A_535 {strides = array<i32>} : memref<4x64xf32, #tpu.memory_space<vmem>>, vector<16xf32>,
      %mul3A_540 = arith.mulf %scan3A_521#2, %gather3A_524 : vector<16xf32>
      %swap3A_541 = arith.constant 3 : i32
      %swap3A_542 = arith.index_cast %swap3A_541 : i32 to index
      %swap3A_543 = arith.constant 32 : index
      %swap3A_544 = tpu.vector_load %arg8[%swap3A_542, %swap3A_543] {strides = array<i32>} : memref<4x64xf32, #tpu.memory_space<vmem>>, vector<16xf32>,
      tpu.vector_store %arg8[%swap3A_542, %swap3A_543], %mul3A_540 {strides = array<i32>} : memref<4x64xf32, #tpu.memory_space<vmem>>, vector<16xf32>,
      %mul3A_545 = arith.mulf %scan3A_521#3, %gather3A_524 : vector<16xf32>
      %swap3A_546 = arith.constant 3 : i32
      %swap3A_547 = arith.index_cast %swap3A_546 : i32 to index
      %swap3A_548 = arith.constant 48 : index
      %swap3A_549 = tpu.vector_load %arg8[%swap3A_547, %swap3A_548] {strides = array<i32>} : memref<4x64xf32, #tpu.memory_space<vmem>>, vector<16xf32>,
      tpu.vector_store %arg8[%swap3A_547, %swap3A_548], %mul3A_545 {strides = array<i32>} : memref<4x64xf32, #tpu.memory_space<vmem>>, vector<16xf32>,
      %add3A_550 = arith.addi %mul3A_2, %add3A_485 : i32
      %jit3A_551 = arith.constant 2 : i32
      %div3A_552 = arith.divsi %add3A_550, %jit3A_551 : i32
      %sign3A_553 = arith.constant 0 : i32
      %sign3A_554 = arith.cmpi sgt, %add3A_550, %sign3A_553 : i32
      %sign3A_555 = arith.extui %sign3A_554 : i1 to i32
      %sign3A_556 = arith.constant 0 : i32
      %sign3A_557 = arith.cmpi slt, %add3A_550, %sign3A_556 : i32
      %sign3A_558 = arith.extui %sign3A_557 : i1 to i32
      %sign3A_559 = arith.subi %sign3A_555, %sign3A_558 : i32
      %sign3A_560 = arith.constant 0 : i32
      %sign3A_561 = arith.cmpi sgt, %jit3A_551, %sign3A_560 : i32
      %sign3A_562 = arith.extui %sign3A_561 : i1 to i32
      %sign3A_563 = arith.constant 0 : i32
      %sign3A_564 = arith.cmpi slt, %jit3A_551, %sign3A_563 : i32
      %sign3A_565 = arith.extui %sign3A_564 : i1 to i32
      %sign3A_566 = arith.subi %sign3A_562, %sign3A_565 : i32
      %ne3A_567 = arith.cmpi ne, %sign3A_559, %sign3A_566 : i32
      %rem3A_568 = arith.remsi %add3A_550, %jit3A_551 : i32
      %ne3A_569 = arith.constant 0 : i32
      %ne3A_570 = arith.cmpi ne, %rem3A_568, %ne3A_569 : i32
      %and3A_571 = arith.andi %ne3A_567, %ne3A_570 : i1
      %sub3A_572 = arith.constant 1 : i32
      %sub3A_573 = arith.subi %div3A_552, %sub3A_572 : i32
      %select_n3A_574 = arith.select %and3A_571, %sub3A_573, %div3A_552 : i32
      %dma_start3A_575 = arith.constant 3 : i32
      %dma_start3A_576 = arith.constant 0 : i32
      %dma_start3A_577 = tpu.memref_slice %arg8[%dma_start3A_575, %dma_start3A_576] : memref<4x64xf32, #tpu.memory_space<vmem>> -> memref<1x64xf32, #tpu.memory_space<vmem>>
      %dma_start3A_578 = tpu.memref_squeeze %dma_start3A_577 : memref<1x64xf32, #tpu.memory_space<vmem>> -> memref<64xf32, #tpu.memory_space<vmem>>
      %dma_start3A_579 = arith.constant 64 : i32
      %dma_start3A_580 = tpu.memref_slice %arg5[%select_n3A_574, %dma_start3A_579] : memref<8192x128xf32, #tpu.memory_space<hbm>> -> memref<1x64xf32, #tpu.memory_space<hbm>>
      %dma_start3A_581 = tpu.memref_squeeze %dma_start3A_580 : memref<1x64xf32, #tpu.memory_space<hbm>> -> memref<64xf32, #tpu.memory_space<hbm>>
      %dma_start3A_582 = arith.constant 64 : i32
      %dma_start3A_583 = tpu.memref_slice %arg5[%select_n3A_574, %dma_start3A_582] : memref<8192x128xf32, #tpu.memory_space<hbm>> -> memref<1x64xf32, #tpu.memory_space<hbm>>
      %dma_start3A_584 = tpu.memref_squeeze %dma_start3A_583 : memref<1x64xf32, #tpu.memory_space<hbm>> -> memref<64xf32, #tpu.memory_space<hbm>>
      %dma_start3A_585 = arith.constant 0 : i32
      %dma_start3A_586 = tpu.memref_slice %arg8[%dma_start3A_575, %dma_start3A_585] : memref<4x64xf32, #tpu.memory_space<vmem>> -> memref<1x64xf32, #tpu.memory_space<vmem>>
      %dma_start3A_587 = tpu.memref_squeeze %dma_start3A_586 : memref<1x64xf32, #tpu.memory_space<vmem>> -> memref<64xf32, #tpu.memory_space<vmem>>
      tpu.enqueue_dma source(%dma_start3A_587 : memref<64xf32, #tpu.memory_space<vmem>>) target(%dma_start3A_584 : memref<64xf32, #tpu.memory_space<hbm>>) target_semaphore(%arg12 : memref<!tpu.dma_semaphore, #tpu.memory_space<semaphore_mem>>)
    }
    %scan3A_127 = arith.constant 128 : i32
    %dma_wait3A_128 = arith.constant 0 : i32
    %dma_wait3A_129 = arith.constant 0 : i32
    %dma_wait3A_130 = arith.constant 0 : i32
    %dma_wait3A_131 = tpu.memref_slice %arg8[%dma_wait3A_128, %dma_wait3A_130] : memref<4x64xf32, #tpu.memory_space<vmem>> -> memref<1x64xf32, #tpu.memory_space<vmem>>
    %dma_wait3A_132 = tpu.memref_squeeze %dma_wait3A_131 : memref<1x64xf32, #tpu.memory_space<vmem>> -> memref<64xf32, #tpu.memory_space<vmem>>
    %dma_wait3A_133 = arith.constant 0 : i32
    %dma_wait3A_134 = tpu.memref_slice %arg5[%dma_wait3A_129, %dma_wait3A_133] : memref<8192x128xf32, #tpu.memory_space<hbm>> -> memref<1x64xf32, #tpu.memory_space<hbm>>
    %dma_wait3A_135 = tpu.memref_squeeze %dma_wait3A_134 : memref<1x64xf32, #tpu.memory_space<hbm>> -> memref<64xf32, #tpu.memory_space<hbm>>
    %dma_wait3A_136 = arith.constant 0 : i32
    %dma_wait3A_137 = tpu.memref_slice %arg5[%dma_wait3A_129, %dma_wait3A_136] : memref<8192x128xf32, #tpu.memory_space<hbm>> -> memref<1x64xf32, #tpu.memory_space<hbm>>
    %dma_wait3A_138 = tpu.memref_squeeze %dma_wait3A_137 : memref<1x64xf32, #tpu.memory_space<hbm>> -> memref<64xf32, #tpu.memory_space<hbm>>
    %dma_wait3A_139 = arith.constant 0 : i32
    %dma_wait3A_140 = tpu.memref_slice %arg8[%dma_wait3A_128, %dma_wait3A_139] : memref<4x64xf32, #tpu.memory_space<vmem>> -> memref<1x64xf32, #tpu.memory_space<vmem>>
    %dma_wait3A_141 = tpu.memref_squeeze %dma_wait3A_140 : memref<1x64xf32, #tpu.memory_space<vmem>> -> memref<64xf32, #tpu.memory_space<vmem>>
    tpu.wait_dma2 semaphore(%arg12 : memref<!tpu.dma_semaphore, #tpu.memory_space<semaphore_mem>>) src(%dma_wait3A_141 : memref<64xf32, #tpu.memory_space<vmem>>) dst(%dma_wait3A_138 : memref<64xf32, #tpu.memory_space<hbm>>)
    %dma_wait3A_142 = arith.constant 1 : i32
    %dma_wait3A_143 = arith.constant 0 : i32
    %dma_wait3A_144 = arith.constant 0 : i32
    %dma_wait3A_145 = tpu.memref_slice %arg8[%dma_wait3A_142, %dma_wait3A_144] : memref<4x64xf32, #tpu.memory_space<vmem>> -> memref<1x64xf32, #tpu.memory_space<vmem>>
    %dma_wait3A_146 = tpu.memref_squeeze %dma_wait3A_145 : memref<1x64xf32, #tpu.memory_space<vmem>> -> memref<64xf32, #tpu.memory_space<vmem>>
    %dma_wait3A_147 = arith.constant 0 : i32
    %dma_wait3A_148 = tpu.memref_slice %arg5[%dma_wait3A_143, %dma_wait3A_147] : memref<8192x128xf32, #tpu.memory_space<hbm>> -> memref<1x64xf32, #tpu.memory_space<hbm>>
    %dma_wait3A_149 = tpu.memref_squeeze %dma_wait3A_148 : memref<1x64xf32, #tpu.memory_space<hbm>> -> memref<64xf32, #tpu.memory_space<hbm>>
    %dma_wait3A_150 = arith.constant 0 : i32
    %dma_wait3A_151 = tpu.memref_slice %arg5[%dma_wait3A_143, %dma_wait3A_150] : memref<8192x128xf32, #tpu.memory_space<hbm>> -> memref<1x64xf32, #tpu.memory_space<hbm>>
    %dma_wait3A_152 = tpu.memref_squeeze %dma_wait3A_151 : memref<1x64xf32, #tpu.memory_space<hbm>> -> memref<64xf32, #tpu.memory_space<hbm>>
    %dma_wait3A_153 = arith.constant 0 : i32
    %dma_wait3A_154 = tpu.memref_slice %arg8[%dma_wait3A_142, %dma_wait3A_153] : memref<4x64xf32, #tpu.memory_space<vmem>> -> memref<1x64xf32, #tpu.memory_space<vmem>>
    %dma_wait3A_155 = tpu.memref_squeeze %dma_wait3A_154 : memref<1x64xf32, #tpu.memory_space<vmem>> -> memref<64xf32, #tpu.memory_space<vmem>>
    tpu.wait_dma2 semaphore(%arg12 : memref<!tpu.dma_semaphore, #tpu.memory_space<semaphore_mem>>) src(%dma_wait3A_155 : memref<64xf32, #tpu.memory_space<vmem>>) dst(%dma_wait3A_152 : memref<64xf32, #tpu.memory_space<hbm>>)
    %dma_wait3A_156 = arith.constant 2 : i32
    %dma_wait3A_157 = arith.constant 0 : i32
    %dma_wait3A_158 = arith.constant 0 : i32
    %dma_wait3A_159 = tpu.memref_slice %arg8[%dma_wait3A_156, %dma_wait3A_158] : memref<4x64xf32, #tpu.memory_space<vmem>> -> memref<1x64xf32, #tpu.memory_space<vmem>>
    %dma_wait3A_160 = tpu.memref_squeeze %dma_wait3A_159 : memref<1x64xf32, #tpu.memory_space<vmem>> -> memref<64xf32, #tpu.memory_space<vmem>>
    %dma_wait3A_161 = arith.constant 0 : i32
    %dma_wait3A_162 = tpu.memref_slice %arg5[%dma_wait3A_157, %dma_wait3A_161] : memref<8192x128xf32, #tpu.memory_space<hbm>> -> memref<1x64xf32, #tpu.memory_space<hbm>>
    %dma_wait3A_163 = tpu.memref_squeeze %dma_wait3A_162 : memref<1x64xf32, #tpu.memory_space<hbm>> -> memref<64xf32, #tpu.memory_space<hbm>>
    %dma_wait3A_164 = arith.constant 0 : i32
    %dma_wait3A_165 = tpu.memref_slice %arg5[%dma_wait3A_157, %dma_wait3A_164] : memref<8192x128xf32, #tpu.memory_space<hbm>> -> memref<1x64xf32, #tpu.memory_space<hbm>>
    %dma_wait3A_166 = tpu.memref_squeeze %dma_wait3A_165 : memref<1x64xf32, #tpu.memory_space<hbm>> -> memref<64xf32, #tpu.memory_space<hbm>>
    %dma_wait3A_167 = arith.constant 0 : i32
    %dma_wait3A_168 = tpu.memref_slice %arg8[%dma_wait3A_156, %dma_wait3A_167] : memref<4x64xf32, #tpu.memory_space<vmem>> -> memref<1x64xf32, #tpu.memory_space<vmem>>
    %dma_wait3A_169 = tpu.memref_squeeze %dma_wait3A_168 : memref<1x64xf32, #tpu.memory_space<vmem>> -> memref<64xf32, #tpu.memory_space<vmem>>
    tpu.wait_dma2 semaphore(%arg12 : memref<!tpu.dma_semaphore, #tpu.memory_space<semaphore_mem>>) src(%dma_wait3A_169 : memref<64xf32, #tpu.memory_space<vmem>>) dst(%dma_wait3A_166 : memref<64xf32, #tpu.memory_space<hbm>>)
    %dma_wait3A_170 = arith.constant 3 : i32
    %dma_wait3A_171 = arith.constant 0 : i32
    %dma_wait3A_172 = arith.constant 0 : i32
    %dma_wait3A_173 = tpu.memref_slice %arg8[%dma_wait3A_170, %dma_wait3A_172] : memref<4x64xf32, #tpu.memory_space<vmem>> -> memref<1x64xf32, #tpu.memory_space<vmem>>
    %dma_wait3A_174 = tpu.memref_squeeze %dma_wait3A_173 : memref<1x64xf32, #tpu.memory_space<vmem>> -> memref<64xf32, #tpu.memory_space<vmem>>
    %dma_wait3A_175 = arith.constant 0 : i32
    %dma_wait3A_176 = tpu.memref_slice %arg5[%dma_wait3A_171, %dma_wait3A_175] : memref<8192x128xf32, #tpu.memory_space<hbm>> -> memref<1x64xf32, #tpu.memory_space<hbm>>
    %dma_wait3A_177 = tpu.memref_squeeze %dma_wait3A_176 : memref<1x64xf32, #tpu.memory_space<hbm>> -> memref<64xf32, #tpu.memory_space<hbm>>
    %dma_wait3A_178 = arith.constant 0 : i32
    %dma_wait3A_179 = tpu.memref_slice %arg5[%dma_wait3A_171, %dma_wait3A_178] : memref<8192x128xf32, #tpu.memory_space<hbm>> -> memref<1x64xf32, #tpu.memory_space<hbm>>
    %dma_wait3A_180 = tpu.memref_squeeze %dma_wait3A_179 : memref<1x64xf32, #tpu.memory_space<hbm>> -> memref<64xf32, #tpu.memory_space<hbm>>
    %dma_wait3A_181 = arith.constant 0 : i32
    %dma_wait3A_182 = tpu.memref_slice %arg8[%dma_wait3A_170, %dma_wait3A_181] : memref<4x64xf32, #tpu.memory_space<vmem>> -> memref<1x64xf32, #tpu.memory_space<vmem>>
    %dma_wait3A_183 = tpu.memref_squeeze %dma_wait3A_182 : memref<1x64xf32, #tpu.memory_space<vmem>> -> memref<64xf32, #tpu.memory_space<vmem>>
    tpu.wait_dma2 semaphore(%arg12 : memref<!tpu.dma_semaphore, #tpu.memory_space<semaphore_mem>>) src(%dma_wait3A_183 : memref<64xf32, #tpu.memory_space<vmem>>) dst(%dma_wait3A_180 : memref<64xf32, #tpu.memory_space<hbm>>)
    return
  }
}

module attributes {stable_mosaic.version = 14 : i64} {
  func.func @body(%arg0: i32, %arg1: memref<2048x128xf32, #tpu.memory_space<vmem>>, %arg2: memref<128x400xf32, #tpu.memory_space<vmem>>, %arg3: memref<1x400xf32, #tpu.memory_space<vmem>>, %arg4: memref<400x4xf32, #tpu.memory_space<vmem>>, %arg5: memref<1x4xf32, #tpu.memory_space<vmem>>, %arg6: memref<2048x4xf32, #tpu.memory_space<vmem>>) attributes {dimension_semantics = [#tpu.dimension_semantics<arbitrary>], iteration_bounds = array<i64: 4>, scalar_prefetch = 0 : i64, scratch_operands = 0 : i64, tpu.core_type = #tpu.core_type<tc>, window_params = [{transform_indices = @transform_0, window_bounds = array<i64: 2048, 128>}, {pipeline_mode = #tpu.pipeline_mode<synchronous>, transform_indices = @transform_1, window_bounds = array<i64: 128, 400>}, {pipeline_mode = #tpu.pipeline_mode<synchronous>, transform_indices = @transform_2, window_bounds = array<i64: 1, 400>}, {pipeline_mode = #tpu.pipeline_mode<synchronous>, transform_indices = @transform_3, window_bounds = array<i64: 400, 4>}, {pipeline_mode = #tpu.pipeline_mode<synchronous>, transform_indices = @transform_4, window_bounds = array<i64: 1, 4>}, {transform_indices = @transform_5, window_bounds = array<i64: 2048, 4>}]} {
    %get3A = arith.constant 0 : index
    %get3A_0 = arith.constant 0 : index
    %get3A_1 = vector.load %arg1[%get3A, %get3A_0] : memref<2048x128xf32, #tpu.memory_space<vmem>>, vector<2048x128xf32>
    %get3A_2 = arith.constant 0 : index
    %get3A_3 = arith.constant 0 : index
    %get3A_4 = vector.load %arg2[%get3A_2, %get3A_3] : memref<128x400xf32, #tpu.memory_space<vmem>>, vector<128x400xf32>
    %dot_general3A = arith.constant dense<0.000000e+00> : vector<2048x400xf32>
    %dot_general3A_5 = tpu.matmul %get3A_1, %get3A_4, %dot_general3A {dimension_numbers = #tpu.dot_dimension_numbers<[1], [0], [0], [1], [0, 0, 1, 1], [], []>, transpose_lhs_hint = false} : vector<2048x128xf32>, vector<128x400xf32>, vector<2048x400xf32> -> vector<2048x400xf32>
    %get3A_6 = arith.constant 0 : index
    %get3A_7 = arith.constant 0 : index
    %get3A_8 = vector.load %arg3[%get3A_6, %get3A_7] : memref<1x400xf32, #tpu.memory_space<vmem>>, vector<1x400xf32>
    %add3A = vector.broadcast %get3A_8 : vector<1x400xf32> to vector<2048x400xf32>
    %add3A_9 = arith.addf %dot_general3A_5, %add3A : vector<2048x400xf32>
    %max3A = arith.constant 0.000000e+00 : f32
    %max3A_10 = vector.broadcast %max3A : f32 to vector<2048x400xf32>
    %max3A_11 = arith.maximumf %add3A_9, %max3A_10 : vector<2048x400xf32>
    %get3A_12 = arith.constant 0 : index
    %get3A_13 = arith.constant 0 : index
    %get3A_14 = vector.load %arg4[%get3A_12, %get3A_13] : memref<400x4xf32, #tpu.memory_space<vmem>>, vector<400x4xf32>
    %dot_general3A_15 = arith.constant dense<0.000000e+00> : vector<2048x4xf32>
    %dot_general3A_16 = tpu.matmul %max3A_11, %get3A_14, %dot_general3A_15 {dimension_numbers = #tpu.dot_dimension_numbers<[1], [0], [0], [1], [0, 0, 1, 1], [], []>, transpose_lhs_hint = false} : vector<2048x400xf32>, vector<400x4xf32>, vector<2048x4xf32> -> vector<2048x4xf32>
    %get3A_17 = arith.constant 0 : index
    %get3A_18 = arith.constant 0 : index
    %get3A_19 = vector.load %arg5[%get3A_17, %get3A_18] : memref<1x4xf32, #tpu.memory_space<vmem>>, vector<1x4xf32>
    %add3A_20 = vector.broadcast %get3A_19 : vector<1x4xf32> to vector<2048x4xf32>
    %add3A_21 = arith.addf %dot_general3A_16, %add3A_20 : vector<2048x4xf32>
    %swap3A = arith.constant 0 : index
    %swap3A_22 = arith.constant 0 : index
    %swap3A_23 = vector.load %arg6[%swap3A, %swap3A_22] : memref<2048x4xf32, #tpu.memory_space<vmem>>, vector<2048x4xf32>
    tpu.vector_store %arg6[%swap3A, %swap3A_22], %add3A_21 {strides = array<i32>} : memref<2048x4xf32, #tpu.memory_space<vmem>>, vector<2048x4xf32>,
    return
  }
  func.func @transform_0(%arg0: i32) -> (i32, i32) {
    %c0_i32 = arith.constant 0 : i32
    %c0_i32_0 = arith.constant 0 : i32
    return %arg0, %c0_i32 : i32, i32
  }
  func.func @transform_1(%arg0: i32) -> (i32, i32) {
    %c0_i32 = arith.constant 0 : i32
    %c0_i32_0 = arith.constant 0 : i32
    %c0_i32_1 = arith.constant 0 : i32
    return %c0_i32, %c0_i32_0 : i32, i32
  }
  func.func @transform_2(%arg0: i32) -> (i32, i32) {
    %c0_i32 = arith.constant 0 : i32
    %c0_i32_0 = arith.constant 0 : i32
    %c0_i32_1 = arith.constant 0 : i32
    return %c0_i32, %c0_i32_0 : i32, i32
  }
  func.func @transform_3(%arg0: i32) -> (i32, i32) {
    %c0_i32 = arith.constant 0 : i32
    %c0_i32_0 = arith.constant 0 : i32
    %c0_i32_1 = arith.constant 0 : i32
    return %c0_i32, %c0_i32_0 : i32, i32
  }
  func.func @transform_4(%arg0: i32) -> (i32, i32) {
    %c0_i32 = arith.constant 0 : i32
    %c0_i32_0 = arith.constant 0 : i32
    %c0_i32_1 = arith.constant 0 : i32
    return %c0_i32, %c0_i32_0 : i32, i32
  }
  func.func @transform_5(%arg0: i32) -> (i32, i32) {
    %c0_i32 = arith.constant 0 : i32
    %c0_i32_0 = arith.constant 0 : i32
    return %arg0, %c0_i32 : i32, i32
  }
}

</mosaic_0001>

<sc_bundles>
// kernel: kernel.4.cloned.1.call-start
scs
__scs_entry_jumppad:
0x0: {  	(pc) =	sbr.rel $0x88, $3  }
0x1: {  	(tag) =	ssettag $0x0;
	lr =	simm.s32 $0x1  }
0x2: {  	[smem:$0x3F9A] =	sst lr;
	_ =	strace $0xD0000000  }
0x3: {  	_ = 	snop  }
0x4: {  	_ = 	snop  }
0x5: {  	_ = 	snop  }
0x6: {  	_ = 	snop  }
0x7: {  	_ = 	snop  }
__scs_overlays_trampoline_lowered:
0x8: {  	[smem:$0x3FA9] =	sst s0  }
0x9: {  	[smem:$0x3FAA] =	sst s1  }
0xa: {  	[smem:$0x3FAB] =	sst s2  }
0xb: {  	[smem:$0x3FAC] =	sst s3  }
0xc: {  	[smem:$0x3FAD] =	sst s4  }
0xd: {  	[smem:$0x3FAE] =	sst s5  }
0xe: {  	[smem:$0x3FAF] =	sst s6  }
0xf: {  	[smem:$0x3FB0] =	sst s7  }
0x10: {  	[smem:$0x3FB1] =	sst s8  }
0x11: {  	[smem:$0x3FB2] =	sst s9;
	s0 =	simm.s32 @!p0 $0x0  }
0x12: {  	s1 =	sld [smem:$0x3F98];
	s0 =	simm.s32 @p0 $0x1  }
0x13: {  	[smem:$0x3FB3] =	sst s0;
	s0 =	simm.s32 @!p1 $0x0  }
0x14: {  	s2 =	sld [smem:$0x3F97];
	s0 =	simm.s32 @p1 $0x1  }
0x15: {  	[smem:$0x3FB4] =	sst s0;
	s0 =	simm.s32 @!p2 $0x0  }
0x16: {  	s3 =	sld [smem:$0x3FDB];
	s0 =	simm.s32 @p2 $0x1  }
0x17: {  	s4 =	simm.s32 $0x1BF5;
	[smem:$0x3FB6] =	sst s0  }
0x18: {  	s0 =	sld [smem:$0x3F99];
	_ =	swait.ge [sflag:s4], $0x0  }
0x19: {  	s7 =	sld [smem:$0x3F9A]  }
0x1a: {  	s8 =	sadd.s32 $0xFFFFE003, lr  }
0x1b: {  	s9 =	sadd.s32 $0xFFFFFEF7, lr;
	s5 =	simm.s32 $0xFFFFFFFF;
	p2 =	slt.u32 s8, $0xFFFFF086  }
0x1c: {  	p1 =	slt.u32 s9, $0xF7A;
	s5 =	simm.s32 @!p2 $0x0  }
0x1d: {  	s5 =	simm.s32 @p1 $0x1;
	p0 =	seq.s32 s7, s2  }
0x1e: {  	s7 =	smul.u32 @!p0 $0xF7A, s2;
	p2 =	seq.s32 @!p0 s5, $0x0  }
0x1f: {  	s9 =	smul.u32 $0xF7A, s1;
	s8 =	simm.s32 @!p0 $0x1BF5;
	p2 =	por !p2, p0  }
0x20: {  	[sflag:s8] =	ssyncset.s32 @!p0 $0xFFFFF086;
	s6 =	sadd.s32 @!p0 s3, s7;
	s7 =	simm.s32 @!p0 $0x108  }
0x21: {  	s3 =	sadd.s32 s3, s9;
	s6 =	sadd.s32 @!p0 $0x88, s6;
	s7 =	simm.s32 @p2 $0x1082  }
0x22: {  	[simem:s7], [sflag:s8] =	dma.local @!p0 [hbm:s6], $0xF7A  }
0x23: {  	s9 =	sor.u32 $0xD0000000, s2;
	s6 =	simm.s32 $0x108;
	_ =	swait.ge @!p0 [sflag:s8], $0x0  }
0x24: {  	s3 =	sadd.s32 $0x88, s3;
	s6 =	simm.s32 @!p1 $0x1082;
	[sflag:s4] =	ssyncset.s32 $0xFFFFF086  }
0x25: {  	[simem:s6], [sflag:s4] =	dma.local [hbm:s3], $0xF7A  }
0x26: {  	[smem:$0x3F9A] =	sst s1;
	(tag) =	ssettag s2;
	_ =	strace s9  }
0x27: {  	s1 =	sld [smem:$0x3FAA]  }
0x28: {  	s2 =	sld [smem:$0x3FAB]  }
0x29: {  	s4 =	sld [smem:$0x3FAD]  }
0x2a: {  	p0 =	seq.s32 s5, $0x0;
	s5 =	sld [smem:$0x3FAE]  }
0x2b: {  	s6 =	sld [smem:$0x3FAF]  }
0x2c: {  	s7 =	sld [smem:$0x3FB0]  }
0x2d: {  	s3 =	simm.s32 $0x108;
	s8 =	sld [smem:$0x3FB1]  }
0x2e: {  	s3 =	simm.s32 @!p0 $0x1082;
	s9 =	sld [smem:$0x3FB2]  }
0x2f: {  	lr =	sadd.s32 s0, s3;
	s0 =	sld [smem:$0x3FA9]  }
0x30: {  	s3 =	sld [smem:$0x3FAC]  }
0x31: {  	[smem:$0x3FB5] =	sst s10  }
0x32: {  	s10 =	sld [smem:$0x3FB3];
	_ =	sdelay $0x3  }
0x33: {  	p0 =	seq.s32 s10, $0x1;
	s10 =	sld [smem:$0x3FB5];
	_ =	sdelay $0x3  }
0x34: {  	[smem:$0x3FB5] =	sst s10  }
0x35: {  	s10 =	sld [smem:$0x3FB4];
	_ =	sdelay $0x3  }
0x36: {  	p1 =	seq.s32 s10, $0x1;
	s10 =	sld [smem:$0x3FB5];
	_ =	sdelay $0x3  }
0x37: {  	[smem:$0x3FB5] =	sst s10  }
0x38: {  	s10 =	sld [smem:$0x3FB6]  }
0x39: {  	_ = 	snop;
	(pc) =	sbr.ind lr, $3  }
0x3a: {  	_ = 	snop  }
0x3b: {  	_ = 	snop  }
0x3c: {  	p2 =	seq.s32 s10, $0x1;
	s10 =	sld [smem:$0x3FB5]  }
0x3d: {  	_ =	shalt  }
0x3e: {  	_ =	shalt  }
0x3f: {  	_ =	shalt  }
0x40: {  	_ =	shalt  }
0x41: {  	_ =	shalt  }
0x42: {  	_ =	shalt  }
0x43: {  	_ =	shalt  }
0x44: {  	_ =	shalt  }
0x45: {  	_ =	shalt  }
0x46: {  	_ =	shalt  }
0x47: {  	_ =	shalt  }
0x48: {  	_ =	shalt  }
0x49: {  	_ =	shalt  }
0x4a: {  	_ =	shalt  }
0x4b: {  	_ =	shalt  }
0x4c: {  	_ =	shalt  }
0x4d: {  	_ =	shalt  }
0x4e: {  	_ =	shalt  }
0x4f: {  	_ =	shalt  }
0x50: {  	_ =	shalt  }
0x51: {  	_ =	shalt  }
0x52: {  	_ =	shalt  }
0x53: {  	_ =	shalt  }
0x54: {  	_ =	shalt  }
0x55: {  	_ =	shalt  }
0x56: {  	_ =	shalt  }
0x57: {  	_ =	shalt  }
0x58: {  	_ =	shalt  }
0x59: {  	_ =	shalt  }
0x5a: {  	_ =	shalt  }
0x5b: {  	_ =	shalt  }
0x5c: {  	_ =	shalt  }
0x5d: {  	_ =	shalt  }
0x5e: {  	_ =	shalt  }
0x5f: {  	_ =	shalt  }
0x60: {  	_ =	shalt  }
0x61: {  	_ =	shalt  }
0x62: {  	_ =	shalt  }
0x63: {  	_ =	shalt  }
0x64: {  	_ =	shalt  }
0x65: {  	_ =	shalt  }
0x66: {  	_ =	shalt  }
0x67: {  	_ =	shalt  }
0x68: {  	_ =	shalt  }
0x69: {  	_ =	shalt  }
0x6a: {  	_ =	shalt  }
0x6b: {  	_ =	shalt  }
0x6c: {  	_ =	shalt  }
0x6d: {  	_ =	shalt  }
0x6e: {  	_ =	shalt  }
0x6f: {  	_ =	shalt  }
0x70: {  	_ =	shalt  }
0x71: {  	_ =	shalt  }
0x72: {  	_ =	shalt  }
0x73: {  	_ =	shalt  }
0x74: {  	_ =	shalt  }
0x75: {  	_ =	shalt  }
0x76: {  	_ =	shalt  }
0x77: {  	_ =	shalt  }
0x78: {  	_ =	shalt  }
0x79: {  	_ =	shalt  }
0x7a: {  	_ =	shalt  }
0x7b: {  	_ =	shalt  }
0x7c: {  	_ =	shalt  }
0x7d: {  	_ =	shalt  }
0x7e: {  	_ =	shalt  }
0x7f: {  	_ =	shalt  }
0x80: {  	_ =	shalt  }
0x81: {  	_ =	shalt  }
0x82: {  	_ =	shalt  }
0x83: {  	_ =	shalt  }
0x84: {  	_ =	shalt  }
0x85: {  	_ =	shalt  }
0x86: {  	_ =	shalt  }
0x87: {  	_ =	shalt  }
.Lfunc_end0:
.L_simem_size_0:
called_computation_lowered:
.L_overlay_start_0:
0x88: {  	s2 =	sld [smem:$0x3FD9]  }
0x89: {  	s3 =	sld [smem:$0x3FFE];
	_ =	sdelay $0x1  }
0x8a: {  	s1 =	srdreg.scid  }
0x8b: {  	s0 =	sand.u32 $0x1, s1  }
0x8c: {  	s17 =	sshll.u32 s0, $0xA;
	s2 =	sadd.s32 s3, s2  }
0x8d: {  	s2 =	sadd.s32 s2, s17  }
0x8e: {  	[smem:$0x3FC1] =	sst s2  }
0x8f: {  	_ = 	snop  }
0x90: {  	s2 =	sld [smem:$0x3FD0];
	(tm) =	ssettm $0x1  }
0x91: {  	s18 =	sld [smem:$0x3FFB];
	_ =	sdelay $0x3  }
0x92: {  	_ =	strace s18  }
0x93: {  	s3 =	sld [smem:$0x3FFC];
	_ =	sdelay $0x3  }
0x94: {  	_ =	strace s3  }
0x95: {  	s3 =	sld [smem:$0x3FFD];
	_ =	sdelay $0x3  }
0x96: {  	_ =	strace s3  }
0x97: {  	_ =	strace $0x8FFFFFFF  }
0x98: {  	s19 =	sld [smem:$0x3FDB];
	_ =	sdelay $0x1  }
0x99: {  	s4 =	simm.s32 $_scs_section_size  }
0x9a: {  	s5 =	simm.s32 $_size__tile_overlayer_lowered;
	s6 =	simm.s32 $_tile_overlayer_lowered  }
0x9b: {  	s22 =	simm.s32 $0x1BFF;
	s21 =	sshll.u32 s6, $0x1;
	s3 =	sadd.s32 s4, s19  }
0x9c: {  	s7 =	simm.s32 $0x0;
	s20 =	sshll.u32 s5, $0x1;
	s5 =	sadd.s32 s21, s3  }
0x9d: {  	[timem:s7], [sflag:s22] =	dma.local [hbm:s5], s20  }
0x9e: {  	_ =	swait.ge [sflag:s22], s20  }
0x9f: {  	s4 =	ssub.s32 $0x0, s20;
	[sflag:s22] =	ssyncset.done $0x0  }
0xa0: {  	[sflag:s22] =	ssyncadd.s32 s4;
	_ =	sdelay $0x1  }
0xa1: {  	s23 =	simm.s32 $0x1B8B  }
0xa2: {  	_ =	swait.ge [sflag:s23], $0x1  }
0xa3: {  	[sflag:s23] =	ssyncset.done $0x0  }
0xa4: {  	s25 =	simm.s32 $0x1B8E;
	s24 =	sld [smem:$0x3FFE];
	[sflag:s23] =	ssyncadd.s32 $0xFFFFFFFF  }
0xa5: {  	s26 =	simm.s32 $execute0_lowered;
	[smem:$0x3FD2] =	sst s25  }
0xa6: {  	s5 =	sshll.u32 s26, $0x1;
	_ =	strace $0x80000046;
	[dreg:$0x1] =	wrdreg $0xFFFFFFFF  }
0xa7: {  	s28 =	simm.s32 $_size_execute0_lowered;
	s3 =	sadd.s32 s3, s5;
	[dreg:$0x0] =	wrdreg $0x0  }
0xa8: {  	s5 =	sshll.u32 s28, $0x1;
	[dreg:$0x2] =	wrdreg s3  }
0xa9: {  	[dreg:$0x3] =	wrdreg s5  }
0xaa: {  	[dreg:$0x4] =	wrdreg $0xC0  }
0xab: {  	_ =	task [dreg:s7], $0x5FFFF  }
0xac: {  	[dreg:$0x1] =	wrdreg $0xFFFFFFFF  }
0xad: {  	[dreg:$0x0] =	wrdreg $0x60  }
0xae: {  	[dreg:$0x2] =	wrdreg s24  }
0xaf: {  	[dreg:$0x3] =	wrdreg s2  }
0xb0: {  	[dreg:$0x4] =	wrdreg $0x9  }
0xb1: {  	_ =	task.clear_ibuf [dreg:s7], $0x5FFFF;
	_ =	strace $0x90000046  }
0xb2: {  	s29 =	simm.s32 $0x9;
	_ =	strace $0x80000048  }
0xb3: {  	_ =	swait.ge [sflag:s29], $0x1  }
0xb4: {  	[sflag:s29] =	ssyncadd.s32 $0xFFFFFFFF  }
0xb5: {  	_ =	strace $0x90000048  }
0xb6: {  	_ =	sfence  }
0xb7: {  	s30 =	sld [smem:$0x0];
	_ =	sdelay $0x2  }
0xb8: {  	s31 =	sshll.u32 s1, $0xD;
	s1 =	sshrl.u32 s1, $0x2  }
0xb9: {  	s3 =	sand.u32 $0x4000, s31;
	s1 =	sadd.s32 s1, s30  }
0xba: {  	s0 =	sor.u32 s3, s0;
	s1 =	sshll.u32 s1, $0x11  }
0xbb: {  	s0 =	sor.u32 s1, s0  }
0xbc: {  	s0 =	sadd.s32 $0x8F2B, s0  }
0xbd: {  	[sflag:s0] =	ssyncadd.remote.s32 $0x1  }
0xbe: {  	_ =	sfence.sel $0xFFFF  }
0xbf: {  	[dreg:$0x0] =	wrdreg $0xFFFFFFFF;
	(pc) =	sbr.abs _section_cstart, $3  }
0xc0: {  	[dreg:$0x1] =	wrdreg $0xFFFFFFFF  }
0xc1: {  	_ =	task.clear_ibuf [dreg:s7], $0x2FFFF;
	_ =	strace $0x9FFFFFFF  }
0xc2: {  	(tm) =	ssettm $0x7FFFFFFF  }
0xc3: {  	_ =	shalt  }
tec
execute0_lowered:
.L_overlay_start_1:
0x0: {  	(tag) =	ssettag $0x1  }
0x1: {  	s0 =	rddreg [dreg:$0x0]  }
0x2: {  	s1 =	rddreg [dreg:$0x1];
	s2 =	simm.s32 $0x0;
	s3 =	srdreg.scid  }
0x3: {  	s4 =	stileid.u32;
	s18 =	simm.s32 $0x6820;
	s21 =	simm.s32 $0x190  }
0x4: {  	s22 =	simm.s32 $0x258;
	s23 =	simm.s32 $0x1;
	s24 =	simm.s32 $0x68  }
0x5: {  	s28 =	simm.s32 $0x2;
	s31 =	simm.s32 $0x2C0;
	s20 =	simm.s32 $0x5B20  }
0x6: {  	s10 =	simm.s32 $0x67E0;
	[smem:$0x7FF] =	sst s2;
	s3 =	sand.u32 $0x1, s3  }
0x7: {  	s4 =	sshll.u32 s4, $0x1;
	s5 =	sadd.s32 $0xC7E00, s0;
	s14 =	sadd.s32 $0xC7E08, s0  }
0x8: {  	_ =	strace $0x80000047;
	s6 =	ssub.s32 $0x2, s3;
	s7 =	sor.u32 s3, s4  }
0x9: {  	s3 =	sadd.s32 $0x63E00, s0;
	s8 =	sshrl.u32 s6, $0x1;
	s9 =	smul.u32 $0x3200, s7  }
0xa: {  	s8 =	ssub.s32 s6, s8;
	s6 =	sshll.u32 s7, $0x9;
	s7 =	sshll.u32 s7, $0x6  }
0xb: {  	s4 =	sadd.s32 $0x2200, s0;
	s9 =	sadd.s32 s3, s9;
	s1 =	sadd.s32 s1, s7  }
0xc: {  	s12 =	sor.u32 $0x4, s6;
	s13 =	sor.u32 $0x5, s6;
	[dreg:$0x4] =	wrdreg s1  }
0xd: {  	s15 =	sor.u32 $0x6, s6;
	s30 =	smax.u32 s8, $0x1;
	[dreg:$0x3] =	wrdreg s9  }
0xe: {  	s16 =	sor.u32 $0x7, s6;
	s25 =	sadd.s32 $0x19, s9;
	[dreg:$0x8] =	wrdreg s30  }
0xf: {  	s8 =	simm.s32 $0x6760;
	s26 =	sadd.s32 $0x32, s9;
	[dreg:$0x5] =	wrdreg s25  }
0x10: {  	s7 =	simm.s32 $0x0;
	s29 =	sadd.s32 $0x4B, s9;
	[dreg:$0x6] =	wrdreg s26  }
0x11: {  	s9 =	simm.s32 $0x67A0;
	[dreg:$0x7] =	wrdreg s29;
	s26 =	simm.s32 $0x60  }
.LBB2_1:
0x12: {  	[dreg:$0x9] =	wrdreg s7  }
0x13: {  	s0 =	rddreg [dreg:$0x4];
	s25 =	simm.s32 $0x4  }
0x14: {  	[tilespmem:s18], [sflag:$0x4] =	stream.linear.gather [hbm4b:s0+s2], $0x200, $0x38;
	[tilespmem:$0x6A20] =	vst v63  }
0x15: {  	_ =	swait.ge [sflag:s25], $0x200  }
0x16: {  	[sflag:s25] =	ssyncset.done $0x0  }
0x17: {  	s29 =	rddreg [dreg:$0x3];
	[sflag:s25] =	ssyncadd.s32 $0xFFFFFE00  }
0x18: {  	[tilespmem:s2], [sflag:$0x1] =	stream.linear.gather [hbm4b:s29+s2], $0xC8, $0x38;
	[tilespmem:$0x6A20] =	vst v63  }
0x19: {  	s1 =	simm.s32 $0xC8;
	s30 =	rddreg [dreg:$0x5]  }
0x1a: {  	[tilespmem:s1], [sflag:$0x1] =	stream.linear.gather [hbm4b:s30+s2], $0xC8, $0x38;
	[tilespmem:$0x6A20] =	vst v63  }
0x1b: {  	s7 =	rddreg [dreg:$0x6]  }
0x1c: {  	[tilespmem:s21], [sflag:$0x1] =	stream.linear.gather [hbm4b:s7+s2], $0xC8, $0x38;
	[tilespmem:$0x6A20] =	vst v63  }
0x1d: {  	s11 =	rddreg [dreg:$0x7]  }
0x1e: {  	[tilespmem:s22], [sflag:$0x1] =	stream.linear.gather [hbm4b:s11+s2], $0xC8, $0x38;
	[tilespmem:$0x6A20] =	vst v63  }
0x1f: {  	_ =	swait.ge [sflag:s23], $0xC8  }
0x20: {  	[sflag:s23] =	ssyncset.done $0x0  }
0x21: {  	s17 =	simm.s32 $0x320;
	[sflag:s23] =	ssyncadd.s32 $0xFFFFFF38  }
0x22: {  	[tilespmem:s17], [sflag:$0x2] =	stream.indirect.gather [hbm4b:s4+s24], $0x20, s2, s24, $0xb8;
	[tilespmem:$0x6A20] =	vst v63  }
0x23: {  	s19 =	simm.s32 $0x1020  }
0x24: {  	[tilespmem:s19], [sflag:$0x2] =	stream.indirect.gather [hbm4b:s4+s26], $0x20, s24, s26, $0xb8;
	[tilespmem:$0x6A20] =	vst v63  }
0x25: {  	_ =	swait.ge [sflag:s23], $0xC8  }
0x26: {  	[sflag:s23] =	ssyncset.done $0x0  }
0x27: {  	s25 =	simm.s32 $0x1C20;
	[sflag:s23] =	ssyncadd.s32 $0xFFFFFF38  }
0x28: {  	[tilespmem:s25], [sflag:$0x2] =	stream.indirect.gather [hbm4b:s4+s24], $0x20, s1, s24, $0xb8;
	[tilespmem:$0x6A20] =	vst v63  }
0x29: {  	s29 =	simm.s32 $0x130;
	s30 =	simm.s32 $0x2920;
	s7 =	simm.s32 $0x0  }
0x2a: {  	[tilespmem:s30], [sflag:$0x2] =	stream.indirect.gather [hbm4b:s4+s26], $0x20, s29, s26, $0xb8;
	[tilespmem:$0x6A20] =	vst v63  }
.LBB2_2:
0x2b: {  	_ =	swait.ge [sflag:s23], $0xC8  }
0x2c: {  	s0 =	simm.s32 $0x3520;
	[sflag:s23] =	ssyncset.done $0x0  }
0x2d: {  	s19 =	sshll.u32 s7, $0x2;
	p1 =	seq.s32 s7, $0x7F;
	[sflag:s23] =	ssyncadd.s32 $0xFFFFFF38  }
0x2e: {  	[tilespmem:s0], [sflag:$0x2] =	stream.indirect.gather [hbm4b:s4+s24], $0x20, s21, s24, $0xb8;
	[tilespmem:$0x6A20] =	vst v63  }
0x2f: {  	s30 =	simm.s32 $0x1F8;
	s1 =	simm.s32 $0x4220;
	s0 =	sadd.s32 @!p1 s19, s12  }
0x30: {  	[tilespmem:s1], [sflag:$0x2] =	stream.indirect.gather [hbm4b:s4+s26], $0x20, s30, s26, $0xb8;
	[tilespmem:$0x6A20] =	vst v63  }
0x31: {  	s0 =	smul.u32 @!p1 $0x19, s0;
	_ =	swait.ge [sflag:s28], $0x1900  }
0x32: {  	[sflag:s28] =	ssyncset.done $0x0  }
0x33: {  	s1 =	simm.s32 @!p1 $0x0;
	s0 =	sadd.s32 @!p1 s3, s0;
	[sflag:s28] =	ssyncadd.s32 $0xFFFFE700  }
0x34: {  	[tilespmem:s1], [sflag:$0x1] =	stream.linear.gather @!p1 [hbm4b:s0+s1], $0xC8, $0x38;
	[tilespmem:$0x6A20] =	vst v63  }
0x35: {  	s0 =	simm.s32 $0x0  }
0x36: {  	v1 =	vld [tilespmem:s0+$0x400]  }
0x37: {  	v5 =	vld [tilespmem:s0+$0x3E0]  }
0x38: {  	v3 =	vld [tilespmem:s0+$0x3C0]  }
0x39: {  	v10 =	vld [tilespmem:s0+$0x3A0]  }
0x3a: {  	v6 =	vld [tilespmem:s0+$0x380]  }
0x3b: {  	v2 =	vld [tilespmem:s0+$0x360]  }
0x3c: {  	v11 =	vld [tilespmem:s0+$0x340]  }
0x3d: {  	v4 =	vimm.f32 $0.0e+00;
	v9 =	vimm.f32 $0.0e+00;
	v7 =	vimm.f32 $0.0e+00;
	v12 =	vld [tilespmem:s0+$0x320]  }
0x3e: {  	v8 =	vimm.f32 $0.0e+00;
	s17 =	sor.u32 $0x2, s19;
	s1 =	simm.s32 $0x400;
	v13 =	vld [tilespmem:s0+$0x330];
	v0 =	vunpack.i.u.bf16.f32 v1;
	v1 =	vunpack.i.l.bf16.f32 v1  }
.LBB2_3:
0x3f: {  	p0 =	sne.s32 s1, $0x6000;
	v14 =	vunpack.i.u.bf16.f32 v3;
	v15 =	vunpack.i.u.bf16.f32 v5;
	v16 =	vunpack.i.l.bf16.f32 v5  }
0x40: {  	v17 =	vunpack.i.u.bf16.f32 v10;
	v10 =	vunpack.i.l.bf16.f32 v10;
	v18 =	vunpack.i.l.bf16.f32 v3;
	v5 =	vld [tilespmem:s0+$0x350]  }
0x41: {  	v19 =	vunpack.i.u.bf16.f32 v6;
	v6 =	vunpack.i.l.bf16.f32 v6;
	v3 =	vunpack.i.u.bf16.f32 v2  }
0x42: {  	v2 =	vunpack.i.l.bf16.f32 v2;
	v20 =	vunpack.i.u.bf16.f32 v11;
	v11 =	vunpack.i.l.bf16.f32 v11;
	v21 =	vld [tilespmem:s0+$0x370]  }
0x43: {  	v22 =	vunpack.i.u.bf16.f32 v12;
	v12 =	vunpack.i.l.bf16.f32 v12;
	v23 =	vunpack.i.u.bf16.f32 v13  }
0x44: {  	v13 =	vunpack.i.l.bf16.f32 v13;
	v4 =	vadd.f32 v12, v4;
	v9 =	vadd.f32 v22, v9;
	v12 =	vld [tilespmem:s0+$0x390]  }
0x45: {  	v7 =	vadd.f32 v13, v7;
	v8 =	vadd.f32 v23, v8;
	v13 =	vunpack.i.u.bf16.f32 v5  }
0x46: {  	v5 =	vunpack.i.l.bf16.f32 v5;
	v4 =	vadd.f32 v11, v4;
	v9 =	vadd.f32 v20, v9;
	v11 =	vld [tilespmem:s0+$0x3B0]  }
0x47: {  	v5 =	vadd.f32 v5, v7;
	v7 =	vadd.f32 v13, v8;
	v8 =	vunpack.i.u.bf16.f32 v21  }
0x48: {  	v13 =	vunpack.i.l.bf16.f32 v21;
	v2 =	vadd.f32 v2, v4;
	v3 =	vadd.f32 v3, v9;
	v4 =	vld [tilespmem:s0+$0x3D0]  }
0x49: {  	v5 =	vadd.f32 v13, v5;
	v7 =	vadd.f32 v8, v7;
	v8 =	vunpack.i.u.bf16.f32 v12  }
0x4a: {  	s11 =	sshra.s32 s1, $0x2;
	v9 =	vunpack.i.l.bf16.f32 v12;
	v2 =	vadd.f32 v6, v2;
	v3 =	vadd.f32 v19, v3;
	v12 =	vld [tilespmem:s0+$0x3F0]  }
0x4b: {  	v6 =	vadd.f32 v9, v5;
	v7 =	vadd.f32 v8, v7;
	v19 =	vld [tilespmem:s11+$0x400];
	v8 =	vunpack.i.u.bf16.f32 v11  }
0x4c: {  	v9 =	vunpack.i.l.bf16.f32 v11;
	v2 =	vadd.f32 v10, v2;
	v10 =	vadd.f32 v17, v3;
	v13 =	vld [tilespmem:s0+$0x410];
	s0 =	smov.u32 s11  }
0x4d: {  	v6 =	vadd.f32 v9, v6;
	v7 =	vadd.f32 v8, v7;
	v5 =	vld [tilespmem:s0+$0x3E0];
	v8 =	vunpack.i.u.bf16.f32 v4  }
0x4e: {  	v4 =	vunpack.i.l.bf16.f32 v4;
	v2 =	vadd.f32 v18, v2;
	v9 =	vadd.f32 v14, v10;
	v3 =	vld [tilespmem:s0+$0x3C0]  }
0x4f: {  	v4 =	vadd.f32 v4, v6;
	v7 =	vadd.f32 v8, v7;
	v10 =	vld [tilespmem:s0+$0x3A0];
	v8 =	vunpack.i.u.bf16.f32 v12  }
.Ltmp0:
0x50: {  	v11 =	vunpack.i.l.bf16.f32 v12;
	v12 =	vadd.f32 v16, v2;
	v9 =	vadd.f32 v15, v9;
	v6 =	vld [tilespmem:s0+$0x380];
	(pc) =	sbr.rel @p0 .LBB2_3-.Ltmp0, $4  }
0x51: {  	v14 =	vadd.f32 v11, v4;
	v8 =	vadd.f32 v8, v7;
	v2 =	vld [tilespmem:s0+$0x360];
	v15 =	vunpack.i.u.bf16.f32 v13  }
0x52: {  	v7 =	vunpack.i.l.bf16.f32 v13;
	v4 =	vadd.f32 v1, v12;
	v9 =	vadd.f32 v0, v9;
	v11 =	vld [tilespmem:s0+$0x340]  }
0x53: {  	v7 =	vadd.f32 v7, v14;
	v8 =	vadd.f32 v15, v8;
	v12 =	vld [tilespmem:s0+$0x320]  }
0x54: {  	s1 =	sadd.s32 $0x400, s1;
	v0 =	vunpack.i.u.bf16.f32 v19;
	v1 =	vunpack.i.l.bf16.f32 v19;
	v13 =	vld [tilespmem:s0+$0x330]  }
0x55: {  	v14 =	vunpack.i.u.bf16.f32 v3;
	v15 =	vunpack.i.u.bf16.f32 v5  }
0x56: {  	v5 =	vunpack.i.l.bf16.f32 v5;
	v16 =	vunpack.i.u.bf16.f32 v10;
	v10 =	vunpack.i.l.bf16.f32 v10  }
0x57: {  	v17 =	vld [tilespmem:s0+$0x350];
	v3 =	vunpack.i.l.bf16.f32 v3;
	v19 =	vunpack.i.u.bf16.f32 v6;
	v6 =	vunpack.i.l.bf16.f32 v6  }
0x58: {  	v18 =	vunpack.i.u.bf16.f32 v2;
	v2 =	vunpack.i.l.bf16.f32 v2;
	v20 =	vunpack.i.u.bf16.f32 v11  }
0x59: {  	v21 =	vunpack.i.u.bf16.f32 v12;
	v12 =	vunpack.i.l.bf16.f32 v12;
	v22 =	vunpack.i.u.bf16.f32 v13  }
0x5a: {  	v23 =	vld [tilespmem:s0+$0x370];
	v13 =	vunpack.i.l.bf16.f32 v13;
	v4 =	vadd.f32 v12, v4;
	v9 =	vadd.f32 v21, v9  }
0x5b: {  	v11 =	vunpack.i.l.bf16.f32 v11;
	v7 =	vadd.f32 v13, v7;
	v8 =	vadd.f32 v22, v8  }
0x5c: {  	v12 =	vld [tilespmem:s0+$0x390];
	v13 =	vunpack.i.u.bf16.f32 v17;
	v17 =	vunpack.i.l.bf16.f32 v17;
	v4 =	vadd.f32 v11, v4  }
0x5d: {  	v9 =	vadd.f32 v20, v9;
	v11 =	vmov s19;
	v7 =	vadd.f32 v17, v7  }
0x5e: {  	v62 =	vld [tilespmem:s0+$0x3B0];
	v8 =	vadd.f32 v13, v8;
	v2 =	vadd.f32 v2, v4;
	v4 =	vand.u32 $0xFFFFFFFC, v11  }
0x5f: {  	v11 =	vunpack.i.l.bf16.f32 v23;
	v9 =	vadd.f32 v18, v9;
	v4 =	vbroadcast v4, $0x0  }
0x60: {  	v63 =	vld [tilespmem:s0+$0x3D0];
	v13 =	vunpack.i.u.bf16.f32 v23;
	v7 =	vadd.f32 v11, v7;
	v2 =	vadd.f32 v6, v2  }
0x61: {  	v6 =	vadd.f32 v13, v8;
	v8 =	vunpack.i.l.bf16.f32 v12;
	v9 =	vadd.f32 v19, v9  }
0x62: {  	v11 =	vunpack.i.u.bf16.f32 v12;
	v12 =	vld [tilespmem:s0+$0x3F0];
	v7 =	vadd.f32 v8, v7;
	v2 =	vadd.f32 v10, v2  }
0x63: {  	v8 =	vunpack.i.l.bf16.f32 v62;
	v6 =	vadd.f32 v11, v6;
	v9 =	vadd.f32 v16, v9  }
0x64: {  	v10 =	vunpack.i.u.bf16.f32 v62;
	v11 =	vld [tilespmem:s0+$0x410];
	v7 =	vadd.f32 v8, v7;
	v2 =	vadd.f32 v3, v2  }
0x65: {  	v3 =	vadd.f32 v10, v6;
	v6 =	vunpack.i.l.bf16.f32 v63;
	v8 =	vadd.f32 v14, v9;
	v4 =	vld.idx.msk [tilespmem:v4+s18+$0x0], $0xffff  }
0x66: {  	v9 =	vunpack.i.u.bf16.f32 v63;
	v6 =	vadd.f32 v6, v7;
	v2 =	vadd.f32 v5, v2  }
0x67: {  	p0 =	seq.s32 s7, $0x0;
	v3 =	vadd.f32 v9, v3;
	v5 =	vunpack.i.l.bf16.f32 v12;
	v7 =	vadd.f32 v15, v8  }
0x68: {  	s0 =	simm.s32 @!p0 $0x3;
	v8 =	vunpack.i.u.bf16.f32 v12;
	v5 =	vadd.f32 v5, v6;
	v1 =	vadd.f32 v1, v2  }
0x69: {  	_ =	swait.ge @!p0 [sflag:s0], $0x40;
	v2 =	vadd.f32 v8, v3;
	v3 =	vunpack.i.l.bf16.f32 v11;
	v0 =	vadd.f32 v0, v7  }
0x6a: {  	[sflag:s0] =	ssyncset.done @!p0 $0x0;
	v6 =	vunpack.i.u.bf16.f32 v11;
	v3 =	vadd.f32 v3, v5;
	v1 =	vmul.f32 v4, v1  }
0x6b: {  	[sflag:s0] =	ssyncadd.s32 @!p0 $0xFFFFFFC0;
	v2 =	vadd.f32 v6, v2;
	v0 =	vmul.f32 v4, v0  }
0x6c: {  	[tilespmem:$0x6720] =	vst v1;
	v1 =	vmul.f32 v4, v3  }
0x6d: {  	s25 =	sadd.s32 s6, s19;
	[tilespmem:$0x6730] =	vst v0;
	v0 =	vmul.f32 v4, v2  }
0x6e: {  	s0 =	sshll.u32 s25, $0x3;
	[tilespmem:$0x6740] =	vst v1  }
0x6f: {  	s11 =	simm.s32 $0x6720;
	s1 =	sadd.s32 s5, s0;
	[tilespmem:$0x6750] =	vst v0  }
0x70: {  	[hbm4b:s1+s2] =	stream.linear.scatter [tilespmem:s11], [sflag:$0x3], $0x40, $0x38;
	[tilespmem:$0x6A20] =	vst v63  }
0x71: {  	_ =	swait.ge [sflag:s23], $0xC8  }
0x72: {  	[sflag:s23] =	ssyncset.done $0x0  }
0x73: {  	s30 =	simm.s32 $0x4E20;
	[sflag:s23] =	ssyncadd.s32 $0xFFFFFF38  }
0x74: {  	[tilespmem:s30], [sflag:$0x2] =	stream.indirect.gather [hbm4b:s4+s24], $0x20, s22, s24, $0xb8;
	[tilespmem:$0x6A20] =	vst v63  }
0x75: {  	s1 =	sadd.s32 @!p1 s19, s13  }
0x76: {  	[tilespmem:s20], [sflag:$0x2] =	stream.indirect.gather [hbm4b:s4+s26], $0x20, s31, s26, $0xb8;
	[tilespmem:$0x6A20] =	vst v63  }
0x77: {  	s1 =	smul.u32 @!p1 $0x19, s1;
	_ =	swait.ge [sflag:s28], $0x1900  }
0x78: {  	s25 =	simm.s32 @!p1 $0xC8;
	[sflag:s28] =	ssyncset.done $0x0  }
0x79: {  	s11 =	simm.s32 @!p1 $0x0;
	s1 =	sadd.s32 @!p1 s3, s1;
	[sflag:s28] =	ssyncadd.s32 $0xFFFFE700  }
0x7a: {  	[tilespmem:s25], [sflag:$0x1] =	stream.linear.gather @!p1 [hbm4b:s1+s11], $0xC8, $0x38;
	[tilespmem:$0x6A20] =	vst v63  }
0x7b: {  	s1 =	simm.s32 $0x0  }
0x7c: {  	v1 =	vld [tilespmem:s1+$0x1D00]  }
0x7d: {  	v5 =	vld [tilespmem:s1+$0x1CE0]  }
0x7e: {  	v3 =	vld [tilespmem:s1+$0x1CC0]  }
0x7f: {  	v10 =	vld [tilespmem:s1+$0x1CA0]  }
0x80: {  	v6 =	vld [tilespmem:s1+$0x1C80]  }
0x81: {  	v2 =	vld [tilespmem:s1+$0x1C60]  }
0x82: {  	v11 =	vld [tilespmem:s1+$0x1C40]  }
0x83: {  	v9 =	vimm.f32 $0.0e+00;
	v7 =	vimm.f32 $0.0e+00;
	v8 =	vimm.f32 $0.0e+00;
	v12 =	vld [tilespmem:s1+$0x1C20]  }
0x84: {  	s29 =	simm.s32 $0x400;
	v4 =	vimm.f32 $0.0e+00;
	s25 =	sor.u32 $0x1, s19;
	s11 =	sor.u32 $0x3, s19;
	v13 =	vld [tilespmem:s1+$0x1C30];
	v0 =	vunpack.i.u.bf16.f32 v1;
	v1 =	vunpack.i.l.bf16.f32 v1  }
.LBB2_5:
0x85: {  	p1 =	sne.s32 s29, $0x6000;
	v14 =	vunpack.i.u.bf16.f32 v3;
	v15 =	vunpack.i.u.bf16.f32 v5;
	v16 =	vunpack.i.l.bf16.f32 v5  }
0x86: {  	v17 =	vunpack.i.u.bf16.f32 v10;
	v10 =	vunpack.i.l.bf16.f32 v10;
	v18 =	vunpack.i.l.bf16.f32 v3;
	v5 =	vld [tilespmem:s1+$0x1C50]  }
0x87: {  	v19 =	vunpack.i.u.bf16.f32 v6;
	v6 =	vunpack.i.l.bf16.f32 v6;
	v3 =	vunpack.i.u.bf16.f32 v2  }
0x88: {  	v2 =	vunpack.i.l.bf16.f32 v2;
	v20 =	vunpack.i.u.bf16.f32 v11;
	v11 =	vunpack.i.l.bf16.f32 v11;
	v21 =	vld [tilespmem:s1+$0x1C70]  }
0x89: {  	v22 =	vunpack.i.u.bf16.f32 v12;
	v12 =	vunpack.i.l.bf16.f32 v12;
	v23 =	vunpack.i.u.bf16.f32 v13  }
0x8a: {  	v13 =	vunpack.i.l.bf16.f32 v13;
	v4 =	vadd.f32 v12, v4;
	v9 =	vadd.f32 v22, v9;
	v12 =	vld [tilespmem:s1+$0x1C90]  }
0x8b: {  	v7 =	vadd.f32 v13, v7;
	v8 =	vadd.f32 v23, v8;
	v13 =	vunpack.i.u.bf16.f32 v5  }
0x8c: {  	v5 =	vunpack.i.l.bf16.f32 v5;
	v4 =	vadd.f32 v11, v4;
	v9 =	vadd.f32 v20, v9;
	v11 =	vld [tilespmem:s1+$0x1CB0]  }
0x8d: {  	v5 =	vadd.f32 v5, v7;
	v7 =	vadd.f32 v13, v8;
	v8 =	vunpack.i.u.bf16.f32 v21  }
0x8e: {  	v13 =	vunpack.i.l.bf16.f32 v21;
	v2 =	vadd.f32 v2, v4;
	v3 =	vadd.f32 v3, v9;
	v4 =	vld [tilespmem:s1+$0x1CD0]  }
0x8f: {  	v5 =	vadd.f32 v13, v5;
	v7 =	vadd.f32 v8, v7;
	v8 =	vunpack.i.u.bf16.f32 v12  }
0x90: {  	s30 =	sshra.s32 s29, $0x2;
	v9 =	vunpack.i.l.bf16.f32 v12;
	v2 =	vadd.f32 v6, v2;
	v3 =	vadd.f32 v19, v3;
	v12 =	vld [tilespmem:s1+$0x1CF0]  }
0x91: {  	v6 =	vadd.f32 v9, v5;
	v7 =	vadd.f32 v8, v7;
	v19 =	vld [tilespmem:s30+$0x1D00];
	v8 =	vunpack.i.u.bf16.f32 v11  }
0x92: {  	v9 =	vunpack.i.l.bf16.f32 v11;
	v2 =	vadd.f32 v10, v2;
	v10 =	vadd.f32 v17, v3;
	v13 =	vld [tilespmem:s1+$0x1D10];
	s1 =	smov.u32 s30  }
0x93: {  	v6 =	vadd.f32 v9, v6;
	v7 =	vadd.f32 v8, v7;
	v5 =	vld [tilespmem:s1+$0x1CE0];
	v8 =	vunpack.i.u.bf16.f32 v4  }
0x94: {  	v4 =	vunpack.i.l.bf16.f32 v4;
	v2 =	vadd.f32 v18, v2;
	v9 =	vadd.f32 v14, v10;
	v3 =	vld [tilespmem:s1+$0x1CC0]  }
0x95: {  	v4 =	vadd.f32 v4, v6;
	v7 =	vadd.f32 v8, v7;
	v10 =	vld [tilespmem:s1+$0x1CA0];
	v8 =	vunpack.i.u.bf16.f32 v12  }
.Ltmp1:
0x96: {  	v11 =	vunpack.i.l.bf16.f32 v12;
	v12 =	vadd.f32 v16, v2;
	v9 =	vadd.f32 v15, v9;
	v6 =	vld [tilespmem:s1+$0x1C80];
	(pc) =	sbr.rel @p1 .LBB2_5-.Ltmp1, $4  }
0x97: {  	v14 =	vadd.f32 v11, v4;
	v8 =	vadd.f32 v8, v7;
	v2 =	vld [tilespmem:s1+$0x1C60];
	v15 =	vunpack.i.u.bf16.f32 v13  }
0x98: {  	v7 =	vunpack.i.l.bf16.f32 v13;
	v4 =	vadd.f32 v1, v12;
	v9 =	vadd.f32 v0, v9;
	v11 =	vld [tilespmem:s1+$0x1C40]  }
0x99: {  	v7 =	vadd.f32 v7, v14;
	v8 =	vadd.f32 v15, v8;
	v12 =	vld [tilespmem:s1+$0x1C20]  }
0x9a: {  	s29 =	sadd.s32 $0x400, s29;
	v0 =	vunpack.i.u.bf16.f32 v19;
	v1 =	vunpack.i.l.bf16.f32 v19;
	v13 =	vld [tilespmem:s1+$0x1C30]  }
0x9b: {  	v14 =	vunpack.i.u.bf16.f32 v3;
	v15 =	vunpack.i.u.bf16.f32 v5  }
0x9c: {  	v5 =	vunpack.i.l.bf16.f32 v5;
	v16 =	vunpack.i.u.bf16.f32 v10;
	v10 =	vunpack.i.l.bf16.f32 v10  }
0x9d: {  	v17 =	vld [tilespmem:s1+$0x1C50];
	v3 =	vunpack.i.l.bf16.f32 v3;
	v19 =	vunpack.i.u.bf16.f32 v6;
	v6 =	vunpack.i.l.bf16.f32 v6  }
0x9e: {  	v18 =	vunpack.i.u.bf16.f32 v2;
	v2 =	vunpack.i.l.bf16.f32 v2;
	v20 =	vunpack.i.u.bf16.f32 v11  }
0x9f: {  	v21 =	vunpack.i.u.bf16.f32 v12;
	v12 =	vunpack.i.l.bf16.f32 v12;
	v22 =	vunpack.i.u.bf16.f32 v13  }
0xa0: {  	v23 =	vld [tilespmem:s1+$0x1C70];
	v13 =	vunpack.i.l.bf16.f32 v13;
	v4 =	vadd.f32 v12, v4;
	v9 =	vadd.f32 v21, v9  }
0xa1: {  	v11 =	vunpack.i.l.bf16.f32 v11;
	v7 =	vadd.f32 v13, v7;
	v8 =	vadd.f32 v22, v8  }
0xa2: {  	v12 =	vld [tilespmem:s1+$0x1C90];
	v13 =	vunpack.i.u.bf16.f32 v17;
	v17 =	vunpack.i.l.bf16.f32 v17;
	v4 =	vadd.f32 v11, v4  }
0xa3: {  	v9 =	vadd.f32 v20, v9;
	v11 =	vmov s25;
	v7 =	vadd.f32 v17, v7  }
0xa4: {  	v62 =	vld [tilespmem:s1+$0x1CB0];
	v8 =	vadd.f32 v13, v8;
	v2 =	vadd.f32 v2, v4;
	v4 =	vand.u32 $0xFFFFFFFD, v11  }
0xa5: {  	v11 =	vunpack.i.l.bf16.f32 v23;
	v9 =	vadd.f32 v18, v9;
	v4 =	vbroadcast v4, $0x0  }
0xa6: {  	v63 =	vld [tilespmem:s1+$0x1CD0];
	v13 =	vunpack.i.u.bf16.f32 v23;
	v7 =	vadd.f32 v11, v7;
	v2 =	vadd.f32 v6, v2  }
0xa7: {  	v6 =	vadd.f32 v13, v8;
	v8 =	vunpack.i.l.bf16.f32 v12;
	v9 =	vadd.f32 v19, v9  }
0xa8: {  	v11 =	vunpack.i.u.bf16.f32 v12;
	v12 =	vld [tilespmem:s1+$0x1CF0];
	v7 =	vadd.f32 v8, v7;
	v2 =	vadd.f32 v10, v2  }
0xa9: {  	v8 =	vunpack.i.l.bf16.f32 v62;
	v6 =	vadd.f32 v11, v6;
	v9 =	vadd.f32 v16, v9  }
0xaa: {  	v10 =	vunpack.i.u.bf16.f32 v62;
	v11 =	vld [tilespmem:s1+$0x1D10];
	v7 =	vadd.f32 v8, v7;
	v2 =	vadd.f32 v3, v2  }
0xab: {  	v3 =	vadd.f32 v10, v6;
	v6 =	vunpack.i.l.bf16.f32 v63;
	v8 =	vadd.f32 v14, v9;
	v4 =	vld.idx.msk [tilespmem:v4+s18+$0x0], $0xffff  }
0xac: {  	v9 =	vunpack.i.u.bf16.f32 v63;
	v6 =	vadd.f32 v6, v7;
	v2 =	vadd.f32 v5, v2  }
0xad: {  	v3 =	vadd.f32 v9, v3;
	v5 =	vunpack.i.l.bf16.f32 v12;
	v7 =	vadd.f32 v15, v8  }
0xae: {  	s1 =	simm.s32 @!p0 $0x3;
	v8 =	vunpack.i.u.bf16.f32 v12;
	v5 =	vadd.f32 v5, v6;
	v1 =	vadd.f32 v1, v2  }
0xaf: {  	_ =	swait.ge @!p0 [sflag:s1], $0x40;
	v2 =	vadd.f32 v8, v3;
	v3 =	vunpack.i.l.bf16.f32 v11;
	v0 =	vadd.f32 v0, v7  }
0xb0: {  	[sflag:s1] =	ssyncset.done @!p0 $0x0;
	v6 =	vunpack.i.u.bf16.f32 v11;
	v3 =	vadd.f32 v3, v5;
	v1 =	vmul.f32 v4, v1  }
0xb1: {  	[sflag:s1] =	ssyncadd.s32 @!p0 $0xFFFFFFC0;
	v2 =	vadd.f32 v6, v2;
	v0 =	vmul.f32 v4, v0  }
0xb2: {  	[tilespmem:$0x6760] =	vst v1;
	v1 =	vmul.f32 v4, v3  }
0xb3: {  	[tilespmem:$0x6770] =	vst v0;
	v0 =	vmul.f32 v4, v2  }
0xb4: {  	[tilespmem:$0x6780] =	vst v1  }
0xb5: {  	p1 =	sne.s32 s7, $0x7F;
	s0 =	sadd.s32 s0, s14;
	[tilespmem:$0x6790] =	vst v0  }
0xb6: {  	[hbm4b:s0+s2] =	stream.linear.scatter [tilespmem:s8], [sflag:$0x3], $0x40, $0x38;
	[tilespmem:$0x6A20] =	vst v63  }
0xb7: {  	s0 =	simm.s32 @p1 $0x1  }
0xb8: {  	_ =	swait.ge @p1 [sflag:s0], $0xC8  }
0xb9: {  	s25 =	simm.s32 @p1 $0x320;
	[sflag:s0] =	ssyncset.done @p1 $0x0  }
0xba: {  	s1 =	simm.s32 @p1 $0x0;
	[sflag:s0] =	ssyncadd.s32 @p1 $0xFFFFFF38;
	s0 =	simm.s32 @p1 $0x68  }
0xbb: {  	[tilespmem:s25], [sflag:$0x2] =	stream.indirect.gather @p1 [hbm4b:s4+s0], $0x20, s1, s0, $0xb8;
	[tilespmem:$0x6A20] =	vst v63  }
0xbc: {  	s29 =	simm.s32 @p1 $0x1020;
	s25 =	simm.s32 @p1 $0x60  }
0xbd: {  	[tilespmem:s29], [sflag:$0x2] =	stream.indirect.gather @p1 [hbm4b:s4+s25], $0x20, s0, s25, $0xb8;
	[tilespmem:$0x6A20] =	vst v63  }
0xbe: {  	s0 =	simm.s32 @p1 $0x2;
	s25 =	sadd.s32 @p1 s19, s15  }
0xbf: {  	_ =	swait.ge @p1 [sflag:s0], $0x1900;
	s25 =	smul.u32 @p1 $0x19, s25  }
0xc0: {  	[sflag:s0] =	ssyncset.done @p1 $0x0  }
0xc1: {  	[sflag:s0] =	ssyncadd.s32 @p1 $0xFFFFE700;
	s0 =	sadd.s32 @p1 s3, s25;
	s25 =	simm.s32 @p1 $0x190  }
0xc2: {  	[tilespmem:s25], [sflag:$0x1] =	stream.linear.gather @p1 [hbm4b:s0+s1], $0xC8, $0x38;
	[tilespmem:$0x6A20] =	vst v63  }
0xc3: {  	s0 =	simm.s32 @!p1 $0x2  }
0xc4: {  	_ =	swait.ge @!p1 [sflag:s0], $0x1900  }
0xc5: {  	[sflag:s0] =	ssyncset.done @!p1 $0x0  }
0xc6: {  	[sflag:s0] =	ssyncadd.s32 @!p1 $0xFFFFE700;
	s0 =	simm.s32 $0x0  }
0xc7: {  	v1 =	vld [tilespmem:s0+$0x3600]  }
0xc8: {  	v5 =	vld [tilespmem:s0+$0x35E0]  }
0xc9: {  	v3 =	vld [tilespmem:s0+$0x35C0]  }
0xca: {  	v10 =	vld [tilespmem:s0+$0x35A0]  }
0xcb: {  	v8 =	vld [tilespmem:s0+$0x3580]  }
0xcc: {  	v2 =	vld [tilespmem:s0+$0x3560]  }
0xcd: {  	v11 =	vld [tilespmem:s0+$0x3540]  }
0xce: {  	v9 =	vimm.f32 $0.0e+00;
	v7 =	vimm.f32 $0.0e+00;
	v6 =	vimm.f32 $0.0e+00;
	v12 =	vld [tilespmem:s0+$0x3520]  }
0xcf: {  	v4 =	vimm.f32 $0.0e+00;
	s1 =	simm.s32 $0x400;
	v13 =	vld [tilespmem:s0+$0x3530];
	v0 =	vunpack.i.u.bf16.f32 v1;
	v1 =	vunpack.i.l.bf16.f32 v1  }
.LBB2_7:
0xd0: {  	p2 =	sne.s32 s1, $0x6000;
	v14 =	vunpack.i.u.bf16.f32 v3;
	v15 =	vunpack.i.u.bf16.f32 v5;
	v16 =	vunpack.i.l.bf16.f32 v5  }
0xd1: {  	v17 =	vunpack.i.u.bf16.f32 v10;
	v10 =	vunpack.i.l.bf16.f32 v10;
	v18 =	vunpack.i.l.bf16.f32 v3;
	v5 =	vld [tilespmem:s0+$0x3550]  }
0xd2: {  	v19 =	vunpack.i.u.bf16.f32 v8;
	v8 =	vunpack.i.l.bf16.f32 v8;
	v3 =	vunpack.i.u.bf16.f32 v2  }
0xd3: {  	v2 =	vunpack.i.l.bf16.f32 v2;
	v20 =	vunpack.i.u.bf16.f32 v11;
	v11 =	vunpack.i.l.bf16.f32 v11;
	v21 =	vld [tilespmem:s0+$0x3570]  }
0xd4: {  	v22 =	vunpack.i.u.bf16.f32 v12;
	v12 =	vunpack.i.l.bf16.f32 v12;
	v23 =	vunpack.i.u.bf16.f32 v13  }
0xd5: {  	v13 =	vunpack.i.l.bf16.f32 v13;
	v4 =	vadd.f32 v12, v4;
	v9 =	vadd.f32 v22, v9;
	v12 =	vld [tilespmem:s0+$0x3590]  }
0xd6: {  	v6 =	vadd.f32 v13, v6;
	v7 =	vadd.f32 v23, v7;
	v13 =	vunpack.i.u.bf16.f32 v5  }
0xd7: {  	v5 =	vunpack.i.l.bf16.f32 v5;
	v4 =	vadd.f32 v11, v4;
	v9 =	vadd.f32 v20, v9;
	v11 =	vld [tilespmem:s0+$0x35B0]  }
0xd8: {  	v5 =	vadd.f32 v5, v6;
	v6 =	vadd.f32 v13, v7;
	v7 =	vunpack.i.u.bf16.f32 v21  }
0xd9: {  	v13 =	vunpack.i.l.bf16.f32 v21;
	v2 =	vadd.f32 v2, v4;
	v3 =	vadd.f32 v3, v9;
	v4 =	vld [tilespmem:s0+$0x35D0]  }
0xda: {  	v5 =	vadd.f32 v13, v5;
	v6 =	vadd.f32 v7, v6;
	v7 =	vunpack.i.u.bf16.f32 v12  }
0xdb: {  	s25 =	sshra.s32 s1, $0x2;
	v9 =	vunpack.i.l.bf16.f32 v12;
	v2 =	vadd.f32 v8, v2;
	v3 =	vadd.f32 v19, v3;
	v12 =	vld [tilespmem:s0+$0x35F0]  }
0xdc: {  	v8 =	vadd.f32 v9, v5;
	v6 =	vadd.f32 v7, v6;
	v19 =	vld [tilespmem:s25+$0x3600];
	v7 =	vunpack.i.u.bf16.f32 v11  }
0xdd: {  	v9 =	vunpack.i.l.bf16.f32 v11;
	v2 =	vadd.f32 v10, v2;
	v10 =	vadd.f32 v17, v3;
	v13 =	vld [tilespmem:s0+$0x3610];
	s0 =	smov.u32 s25  }
0xde: {  	v8 =	vadd.f32 v9, v8;
	v6 =	vadd.f32 v7, v6;
	v5 =	vld [tilespmem:s0+$0x35E0];
	v7 =	vunpack.i.u.bf16.f32 v4  }
0xdf: {  	v4 =	vunpack.i.l.bf16.f32 v4;
	v2 =	vadd.f32 v18, v2;
	v9 =	vadd.f32 v14, v10;
	v3 =	vld [tilespmem:s0+$0x35C0]  }
0xe0: {  	v4 =	vadd.f32 v4, v8;
	v6 =	vadd.f32 v7, v6;
	v10 =	vld [tilespmem:s0+$0x35A0];
	v7 =	vunpack.i.u.bf16.f32 v12  }
.Ltmp2:
0xe1: {  	v11 =	vunpack.i.l.bf16.f32 v12;
	v12 =	vadd.f32 v16, v2;
	v9 =	vadd.f32 v15, v9;
	v8 =	vld [tilespmem:s0+$0x3580];
	(pc) =	sbr.rel @p2 .LBB2_7-.Ltmp2, $4  }
0xe2: {  	v14 =	vadd.f32 v11, v4;
	v7 =	vadd.f32 v7, v6;
	v2 =	vld [tilespmem:s0+$0x3560];
	v15 =	vunpack.i.u.bf16.f32 v13  }
0xe3: {  	v6 =	vunpack.i.l.bf16.f32 v13;
	v4 =	vadd.f32 v1, v12;
	v9 =	vadd.f32 v0, v9;
	v11 =	vld [tilespmem:s0+$0x3540]  }
0xe4: {  	v6 =	vadd.f32 v6, v14;
	v7 =	vadd.f32 v15, v7;
	v12 =	vld [tilespmem:s0+$0x3520]  }
0xe5: {  	s1 =	sadd.s32 $0x400, s1;
	v0 =	vunpack.i.u.bf16.f32 v19;
	v1 =	vunpack.i.l.bf16.f32 v19;
	v13 =	vld [tilespmem:s0+$0x3530]  }
0xe6: {  	v14 =	vunpack.i.u.bf16.f32 v3;
	v15 =	vunpack.i.u.bf16.f32 v5  }
0xe7: {  	v5 =	vunpack.i.l.bf16.f32 v5;
	v16 =	vunpack.i.u.bf16.f32 v10;
	v10 =	vunpack.i.l.bf16.f32 v10  }
0xe8: {  	v17 =	vld [tilespmem:s0+$0x3550];
	v3 =	vunpack.i.l.bf16.f32 v3;
	v19 =	vunpack.i.u.bf16.f32 v8;
	v8 =	vunpack.i.l.bf16.f32 v8  }
0xe9: {  	v18 =	vunpack.i.u.bf16.f32 v2;
	v2 =	vunpack.i.l.bf16.f32 v2;
	v20 =	vunpack.i.u.bf16.f32 v11  }
0xea: {  	v21 =	vunpack.i.u.bf16.f32 v12;
	v12 =	vunpack.i.l.bf16.f32 v12;
	v22 =	vunpack.i.u.bf16.f32 v13  }
0xeb: {  	v23 =	vld [tilespmem:s0+$0x3570];
	v13 =	vunpack.i.l.bf16.f32 v13;
	v4 =	vadd.f32 v12, v4;
	v9 =	vadd.f32 v21, v9  }
0xec: {  	v11 =	vunpack.i.l.bf16.f32 v11;
	v6 =	vadd.f32 v13, v6;
	v7 =	vadd.f32 v22, v7  }
0xed: {  	v12 =	vld [tilespmem:s0+$0x3590];
	v13 =	vunpack.i.u.bf16.f32 v17;
	v17 =	vunpack.i.l.bf16.f32 v17;
	v4 =	vadd.f32 v11, v4  }
0xee: {  	v9 =	vadd.f32 v20, v9;
	v11 =	vmov s17;
	v6 =	vadd.f32 v17, v6  }
0xef: {  	v62 =	vld [tilespmem:s0+$0x35B0];
	v7 =	vadd.f32 v13, v7;
	v2 =	vadd.f32 v2, v4;
	v4 =	vand.u32 $0xFFFFFFFE, v11  }
0xf0: {  	v11 =	vunpack.i.l.bf16.f32 v23;
	v9 =	vadd.f32 v18, v9;
	v4 =	vbroadcast v4, $0x0  }
0xf1: {  	v63 =	vld [tilespmem:s0+$0x35D0];
	v13 =	vunpack.i.u.bf16.f32 v23;
	v6 =	vadd.f32 v11, v6;
	v2 =	vadd.f32 v8, v2  }
0xf2: {  	v7 =	vadd.f32 v13, v7;
	v8 =	vunpack.i.l.bf16.f32 v12;
	v9 =	vadd.f32 v19, v9  }
0xf3: {  	v11 =	vunpack.i.u.bf16.f32 v12;
	v12 =	vld [tilespmem:s0+$0x35F0];
	v6 =	vadd.f32 v8, v6;
	v2 =	vadd.f32 v10, v2  }
0xf4: {  	v7 =	vadd.f32 v11, v7;
	v8 =	vunpack.i.l.bf16.f32 v62;
	v9 =	vadd.f32 v16, v9  }
0xf5: {  	v11 =	vld [tilespmem:s0+$0x3610];
	v10 =	vunpack.i.u.bf16.f32 v62;
	v6 =	vadd.f32 v8, v6;
	v2 =	vadd.f32 v3, v2  }
0xf6: {  	v3 =	vadd.f32 v10, v7;
	v7 =	vunpack.i.l.bf16.f32 v63;
	v8 =	vadd.f32 v14, v9;
	v4 =	vld.idx.msk [tilespmem:v4+s18+$0x0], $0xffff  }
0xf7: {  	v9 =	vunpack.i.u.bf16.f32 v63;
	v6 =	vadd.f32 v7, v6;
	v2 =	vadd.f32 v5, v2  }
0xf8: {  	v3 =	vadd.f32 v9, v3;
	v5 =	vunpack.i.l.bf16.f32 v12;
	v7 =	vadd.f32 v15, v8  }
0xf9: {  	s0 =	simm.s32 @!p0 $0x3;
	v8 =	vunpack.i.u.bf16.f32 v12;
	v5 =	vadd.f32 v5, v6;
	v1 =	vadd.f32 v1, v2  }
0xfa: {  	_ =	swait.ge @!p0 [sflag:s0], $0x40;
	v2 =	vadd.f32 v8, v3;
	v3 =	vunpack.i.l.bf16.f32 v11;
	v0 =	vadd.f32 v0, v7  }
0xfb: {  	[sflag:s0] =	ssyncset.done @!p0 $0x0;
	v6 =	vunpack.i.u.bf16.f32 v11;
	v3 =	vadd.f32 v3, v5;
	v1 =	vmul.f32 v4, v1  }
0xfc: {  	[sflag:s0] =	ssyncadd.s32 @!p0 $0xFFFFFFC0;
	v2 =	vadd.f32 v6, v2;
	v0 =	vmul.f32 v4, v0  }
0xfd: {  	s30 =	sadd.s32 s6, s17;
	[tilespmem:$0x67A0] =	vst v1;
	v1 =	vmul.f32 v4, v3  }
0xfe: {  	s0 =	sshll.u32 s30, $0x3;
	[tilespmem:$0x67B0] =	vst v0;
	v0 =	vmul.f32 v4, v2  }
0xff: {  	s0 =	sand.u32 $0x1FFFFFF0, s0;
	[tilespmem:$0x67C0] =	vst v1  }
0x100: {  	s0 =	sadd.s32 s5, s0;
	[tilespmem:$0x67D0] =	vst v0  }
0x101: {  	[hbm4b:s0+s2] =	stream.linear.scatter [tilespmem:s9], [sflag:$0x3], $0x40, $0x38;
	[tilespmem:$0x6A20] =	vst v63  }
0x102: {  	s0 =	simm.s32 @p1 $0x1  }
0x103: {  	_ =	swait.ge @p1 [sflag:s0], $0xC8  }
0x104: {  	s1 =	simm.s32 @p1 $0xC8;
	[sflag:s0] =	ssyncset.done @p1 $0x0  }
0x105: {  	s17 =	simm.s32 @p1 $0x1C20;
	[sflag:s0] =	ssyncadd.s32 @p1 $0xFFFFFF38;
	s0 =	simm.s32 @p1 $0x68  }
0x106: {  	[tilespmem:s17], [sflag:$0x2] =	stream.indirect.gather @p1 [hbm4b:s4+s0], $0x20, s1, s0, $0xb8;
	[tilespmem:$0x6A20] =	vst v63  }
0x107: {  	s0 =	simm.s32 @p1 $0x60;
	s1 =	simm.s32 @p1 $0x130;
	s17 =	simm.s32 @p1 $0x2920  }
0x108: {  	[tilespmem:s17], [sflag:$0x2] =	stream.indirect.gather @p1 [hbm4b:s4+s0], $0x20, s1, s0, $0xb8;
	[tilespmem:$0x6A20] =	vst v63  }
0x109: {  	s0 =	simm.s32 @p1 $0x2;
	s1 =	sadd.s32 @p1 s19, s16  }
0x10a: {  	_ =	swait.ge @p1 [sflag:s0], $0x1900;
	s1 =	smul.u32 @p1 $0x19, s1  }
0x10b: {  	s17 =	simm.s32 @p1 $0x258;
	[sflag:s0] =	ssyncset.done @p1 $0x0  }
0x10c: {  	[sflag:s0] =	ssyncadd.s32 @p1 $0xFFFFE700;
	s0 =	sadd.s32 @p1 s3, s1;
	s1 =	simm.s32 @p1 $0x0  }
0x10d: {  	[tilespmem:s17], [sflag:$0x1] =	stream.linear.gather @p1 [hbm4b:s0+s1], $0xC8, $0x38;
	[tilespmem:$0x6A20] =	vst v63  }
0x10e: {  	s0 =	simm.s32 @!p1 $0x2  }
0x10f: {  	_ =	swait.ge @!p1 [sflag:s0], $0x1900  }
0x110: {  	[sflag:s0] =	ssyncset.done @!p1 $0x0  }
0x111: {  	[sflag:s0] =	ssyncadd.s32 @!p1 $0xFFFFE700;
	s0 =	simm.s32 $0x0  }
0x112: {  	v1 =	vld [tilespmem:s0+$0x4F00]  }
0x113: {  	v5 =	vld [tilespmem:s0+$0x4EE0]  }
0x114: {  	v3 =	vld [tilespmem:s0+$0x4EC0]  }
0x115: {  	v10 =	vld [tilespmem:s0+$0x4EA0]  }
0x116: {  	v2 =	vld [tilespmem:s0+$0x4E80]  }
0x117: {  	v6 =	vld [tilespmem:s0+$0x4E60]  }
0x118: {  	v13 =	vld [tilespmem:s0+$0x4E40]  }
0x119: {  	v9 =	vimm.f32 $0.0e+00;
	v8 =	vimm.f32 $0.0e+00;
	v7 =	vimm.f32 $0.0e+00;
	v11 =	vld [tilespmem:s0+$0x4E20]  }
0x11a: {  	v4 =	vimm.f32 $0.0e+00;
	s1 =	simm.s32 $0x400;
	v12 =	vld [tilespmem:s0+$0x4E30];
	v0 =	vunpack.i.u.bf16.f32 v1;
	v1 =	vunpack.i.l.bf16.f32 v1  }
.LBB2_9:
0x11b: {  	p1 =	sne.s32 s1, $0x6000;
	v14 =	vunpack.i.u.bf16.f32 v3;
	v15 =	vunpack.i.u.bf16.f32 v5;
	v16 =	vunpack.i.l.bf16.f32 v5  }
0x11c: {  	v17 =	vunpack.i.u.bf16.f32 v10;
	v10 =	vunpack.i.l.bf16.f32 v10;
	v18 =	vunpack.i.l.bf16.f32 v3;
	v5 =	vld [tilespmem:s0+$0x4E50]  }
0x11d: {  	v19 =	vunpack.i.u.bf16.f32 v2;
	v2 =	vunpack.i.l.bf16.f32 v2;
	v3 =	vunpack.i.u.bf16.f32 v6  }
0x11e: {  	v6 =	vunpack.i.l.bf16.f32 v6;
	v20 =	vunpack.i.u.bf16.f32 v13;
	v13 =	vunpack.i.l.bf16.f32 v13;
	v21 =	vld [tilespmem:s0+$0x4E70]  }
0x11f: {  	v22 =	vunpack.i.u.bf16.f32 v11;
	v11 =	vunpack.i.l.bf16.f32 v11;
	v23 =	vunpack.i.u.bf16.f32 v12  }
0x120: {  	v12 =	vunpack.i.l.bf16.f32 v12;
	v4 =	vadd.f32 v11, v4;
	v8 =	vadd.f32 v22, v8;
	v11 =	vld [tilespmem:s0+$0x4E90]  }
0x121: {  	v9 =	vadd.f32 v12, v9;
	v7 =	vadd.f32 v23, v7;
	v12 =	vunpack.i.u.bf16.f32 v5  }
0x122: {  	v5 =	vunpack.i.l.bf16.f32 v5;
	v4 =	vadd.f32 v13, v4;
	v8 =	vadd.f32 v20, v8;
	v13 =	vld [tilespmem:s0+$0x4EB0]  }
0x123: {  	v5 =	vadd.f32 v5, v9;
	v7 =	vadd.f32 v12, v7;
	v9 =	vunpack.i.u.bf16.f32 v21  }
0x124: {  	v12 =	vunpack.i.l.bf16.f32 v21;
	v4 =	vadd.f32 v6, v4;
	v3 =	vadd.f32 v3, v8;
	v6 =	vld [tilespmem:s0+$0x4ED0]  }
0x125: {  	v5 =	vadd.f32 v12, v5;
	v7 =	vadd.f32 v9, v7;
	v8 =	vunpack.i.u.bf16.f32 v11  }
0x126: {  	s17 =	sshra.s32 s1, $0x2;
	v9 =	vunpack.i.l.bf16.f32 v11;
	v2 =	vadd.f32 v2, v4;
	v3 =	vadd.f32 v19, v3;
	v4 =	vld [tilespmem:s0+$0x4EF0]  }
0x127: {  	v9 =	vadd.f32 v9, v5;
	v7 =	vadd.f32 v8, v7;
	v19 =	vld [tilespmem:s17+$0x4F00];
	v8 =	vunpack.i.u.bf16.f32 v13  }
0x128: {  	v11 =	vunpack.i.l.bf16.f32 v13;
	v2 =	vadd.f32 v10, v2;
	v10 =	vadd.f32 v17, v3;
	v12 =	vld [tilespmem:s0+$0x4F10];
	s0 =	smov.u32 s17  }
0x129: {  	v9 =	vadd.f32 v11, v9;
	v7 =	vadd.f32 v8, v7;
	v5 =	vld [tilespmem:s0+$0x4EE0];
	v8 =	vunpack.i.u.bf16.f32 v6  }
0x12a: {  	v6 =	vunpack.i.l.bf16.f32 v6;
	v11 =	vadd.f32 v18, v2;
	v13 =	vadd.f32 v14, v10;
	v3 =	vld [tilespmem:s0+$0x4EC0]  }
0x12b: {  	v9 =	vadd.f32 v6, v9;
	v7 =	vadd.f32 v8, v7;
	v10 =	vld [tilespmem:s0+$0x4EA0];
	v8 =	vunpack.i.u.bf16.f32 v4  }
.Ltmp3:
0x12c: {  	v4 =	vunpack.i.l.bf16.f32 v4;
	v11 =	vadd.f32 v16, v11;
	v14 =	vadd.f32 v15, v13;
	v2 =	vld [tilespmem:s0+$0x4E80];
	(pc) =	sbr.rel @p1 .LBB2_9-.Ltmp3, $4  }
0x12d: {  	v9 =	vadd.f32 v4, v9;
	v7 =	vadd.f32 v8, v7;
	v6 =	vld [tilespmem:s0+$0x4E60];
	v15 =	vunpack.i.u.bf16.f32 v12  }
0x12e: {  	v12 =	vunpack.i.l.bf16.f32 v12;
	v4 =	vadd.f32 v1, v11;
	v8 =	vadd.f32 v0, v14;
	v13 =	vld [tilespmem:s0+$0x4E40]  }
0x12f: {  	v9 =	vadd.f32 v12, v9;
	v7 =	vadd.f32 v15, v7;
	v11 =	vld [tilespmem:s0+$0x4E20]  }
0x130: {  	s1 =	sadd.s32 $0x400, s1;
	v0 =	vunpack.i.u.bf16.f32 v19;
	v1 =	vunpack.i.l.bf16.f32 v19;
	v12 =	vld [tilespmem:s0+$0x4E30]  }
0x131: {  	v14 =	vunpack.i.u.bf16.f32 v3;
	v15 =	vunpack.i.u.bf16.f32 v5;
	v32 =	vunpack.i.l.bf16.f32 v5  }
0x132: {  	v17 =	vunpack.i.u.bf16.f32 v10;
	v33 =	vunpack.i.l.bf16.f32 v10;
	v34 =	vunpack.i.l.bf16.f32 v3  }
0x133: {  	v16 =	vld [tilespmem:s0+$0x4E50];
	v19 =	vunpack.i.u.bf16.f32 v2;
	v42 =	vunpack.i.l.bf16.f32 v2;
	v47 =	vmov s11  }
0x134: {  	v18 =	vunpack.i.u.bf16.f32 v6;
	v36 =	vunpack.i.l.bf16.f32 v6;
	v21 =	vunpack.i.l.bf16.f32 v11  }
0x135: {  	v22 =	vld [tilespmem:s0+$0x4E70];
	v20 =	vunpack.i.u.bf16.f32 v13;
	v37 =	vunpack.i.u.bf16.f32 v11;
	v4 =	vadd.f32 v21, v4  }
0x136: {  	v35 =	vunpack.i.l.bf16.f32 v13;
	v23 =	vunpack.i.l.bf16.f32 v12;
	v8 =	vadd.f32 v37, v8  }
0x137: {  	v39 =	vld [tilespmem:s0+$0x4E90];
	v38 =	vunpack.i.u.bf16.f32 v12;
	v9 =	vadd.f32 v23, v9;
	v4 =	vadd.f32 v35, v4  }
0x138: {  	v7 =	vadd.f32 v38, v7;
	v40 =	vunpack.i.l.bf16.f32 v16;
	v8 =	vadd.f32 v20, v8  }
0x139: {  	v43 =	vld [tilespmem:s0+$0x4EB0];
	v41 =	vunpack.i.u.bf16.f32 v16;
	v9 =	vadd.f32 v40, v9;
	v4 =	vadd.f32 v36, v4  }
0x13a: {  	v45 =	vunpack.i.l.bf16.f32 v22;
	v7 =	vadd.f32 v41, v7;
	v8 =	vadd.f32 v18, v8  }
0x13b: {  	v46 =	vld [tilespmem:s0+$0x4ED0];
	v44 =	vunpack.i.u.bf16.f32 v22;
	v9 =	vadd.f32 v45, v9;
	v2 =	vadd.f32 v42, v4  }
0x13c: {  	v48 =	vunpack.i.l.bf16.f32 v39;
	v6 =	vadd.f32 v44, v7;
	v8 =	vadd.f32 v19, v8  }
0x13d: {  	v49 =	vld [tilespmem:s0+$0x4EF0];
	v11 =	vunpack.i.u.bf16.f32 v39;
	v7 =	vadd.f32 v48, v9;
	v2 =	vadd.f32 v33, v2  }
0x13e: {  	v50 =	vunpack.i.l.bf16.f32 v43;
	v6 =	vadd.f32 v11, v6;
	v8 =	vadd.f32 v17, v8  }
0x13f: {  	v52 =	vld [tilespmem:s0+$0x4F10];
	v51 =	vunpack.i.u.bf16.f32 v43;
	v7 =	vadd.f32 v50, v7;
	v2 =	vadd.f32 v34, v2  }
0x140: {  	v54 =	vunpack.i.l.bf16.f32 v46;
	v4 =	vld.idx.msk [tilespmem:v47+s18+$0x0], $0xffff;
	v53 =	vadd.f32 v51, v6;
	v8 =	vadd.f32 v14, v8  }
0x141: {  	v55 =	vunpack.i.u.bf16.f32 v46;
	v6 =	vadd.f32 v54, v7;
	v2 =	vadd.f32 v32, v2  }
0x142: {  	v56 =	vunpack.i.l.bf16.f32 v49;
	v3 =	vadd.f32 v55, v53;
	v57 =	vadd.f32 v15, v8  }
0x143: {  	s0 =	simm.s32 @!p0 $0x3;
	v58 =	vunpack.i.u.bf16.f32 v49;
	v5 =	vadd.f32 v56, v6;
	v1 =	vadd.f32 v1, v2  }
0x144: {  	v60 =	vunpack.i.l.bf16.f32 v52;
	_ =	swait.ge @!p0 [sflag:s0], $0x40;
	v59 =	vadd.f32 v58, v3;
	v0 =	vadd.f32 v0, v57  }
0x145: {  	s7 =	sadd.s32 $0x1, s7;
	v61 =	vunpack.i.u.bf16.f32 v52;
	[sflag:s0] =	ssyncset.done @!p0 $0x0;
	v3 =	vadd.f32 v60, v5;
	v1 =	vmul.f32 v4, v1  }
0x146: {  	[sflag:s0] =	ssyncadd.s32 @!p0 $0xFFFFFFC0;
	p0 =	sne.s32 s7, $0x80;
	v2 =	vadd.f32 v61, v59;
	v0 =	vmul.f32 v4, v0  }
.Ltmp4:
0x147: {  	s30 =	sadd.s32 s6, s11;
	v62 =	vmul.f32 v4, v3;
	[tilespmem:$0x67E0] =	vst v1;
	(pc) =	sbr.rel @p0 .LBB2_2-.Ltmp4, $4  }
0x148: {  	s0 =	sshll.u32 s30, $0x3;
	v63 =	vmul.f32 v4, v2;
	[tilespmem:$0x67F0] =	vst v0  }
0x149: {  	s0 =	sand.u32 $0x1FFFFFF8, s0;
	[tilespmem:$0x6800] =	vst v62  }
0x14a: {  	s0 =	sadd.s32 s5, s0;
	[tilespmem:$0x6810] =	vst v63  }
0x14b: {  	[hbm4b:s0+s2] =	stream.linear.scatter [tilespmem:s10], [sflag:$0x3], $0x40, $0x38;
	[tilespmem:$0x6A20] =	vst v63  }
0x14c: {  	s1 =	simm.s32 $0x3  }
0x14d: {  	_ =	swait.ge [sflag:s1], $0x40  }
0x14e: {  	[sflag:s1] =	ssyncset.done $0x0  }
0x14f: {  	[sflag:s1] =	ssyncadd.s32 $0xFFFFFFC0  }
0x150: {  	_ =	swait.ge [sflag:s1], $0x40  }
0x151: {  	[sflag:s1] =	ssyncset.done $0x0  }
0x152: {  	[sflag:s1] =	ssyncadd.s32 $0xFFFFFFC0  }
0x153: {  	_ =	swait.ge [sflag:s1], $0x40  }
0x154: {  	[sflag:s1] =	ssyncset.done $0x0  }
0x155: {  	[sflag:s1] =	ssyncadd.s32 $0xFFFFFFC0  }
0x156: {  	_ =	swait.ge [sflag:s1], $0x40  }
0x157: {  	s7 =	rddreg [dreg:$0x9]  }
0x158: {  	s0 =	rddreg [dreg:$0x8];
	s7 =	sadd.s32 $0x1, s7  }
0x159: {  	p0 =	sne.s32 s7, s0  }
.Ltmp5:
0x15a: {  	_ = 	snop;
	(pc) =	sbr.rel @p0 .LBB2_1-.Ltmp5, $3  }
0x15b: {  	_ =	sdelay $0x1  }
0x15c: {  	[sflag:s1] =	ssyncset.done $0x0  }
0x15d: {  	[sflag:s1] =	ssyncadd.s32 $0xFFFFFFC0  }
0x15e: {  	_ =	sfence.sel $0x180000  }
0x15f: {  	[bflag:$0x0] =	sbarrier.arrive $0xFFFF  }
0x160: {  	_ =	strace $0x90000047  }
0x161: {  	s0 =	stileid.u32;
	[bflag:$0x2] =	sbarrier.arrive $0xFFFF  }
0x162: {  	p0 =	sne.s32 s0, $0x0;
	s0 =	rddreg [dreg:$0x2]  }
0x163: {  	s0 =	sadd.s32 @!p0 $0x100000, s0  }
0x164: {  	[sflag:s0] =	ssyncadd.tile.s32 @!p0 $0x1;
	_ =	shalt  }
.Lfunc_end2:
_tile_overlayer_lowered:
.L_overlay_start_2:
0x165: {  	(tag) =	ssettag $0x2  }
0x166: {  	s0 =	rddreg [dreg:$0x0];
	s2 =	stileid.u32  }
0x167: {  	s1 =	rddreg [dreg:$0x1];
	p0 =	sne.s32 s2, $0x0  }
0x168: {  	s3 =	rddreg [dreg:$0x2];
	[bflag:$0x3] =	sbarrier.arrive $0xFFFF;
	s2 =	simm.s32 @!p0 $0x1C04  }
0x169: {  	[timem:s3], [sflag:s2] =	dma.local @!p0 [hbm:s0], s1  }
0x16a: {  	s0 =	simm.s32 @!p0 $0x4  }
0x16b: {  	_ =	swait.ge @!p0 [sflag:s0], s1  }
0x16c: {  	s1 =	ssub.s32 @!p0 $0x0, s1;
	[sflag:s0] =	ssyncset.done @!p0 $0x0  }
0x16d: {  	[sflag:s0] =	ssyncadd.s32 @!p0 s1  }
0x16e: {  	[bflag:$0x3] =	sbarrier.arrive $0xFFFF  }
0x16f: {  	_ =	shalt  }

</sc_bundles>
